<compile_context>
chip_gen: v7x
topology: tpu7x:2x2x1
jax: 0.10.2.dev20260603
libtpu: 0.0.44.dev20260713+nightly
codegen_flags: <defaults>
</compile_context>

<pallas_src>
import functools

import jax
import jax.numpy as jnp
from jax import lax
from jax.experimental import pallas as pl
from jax.experimental.pallas import tpu as pltpu
from jax.experimental.pallas import tpu_sc as plsc

V = 10000
E = 320000
NIF = 128
EIF = 16
H = 50
HP = 64
NC = 2
NS = 16
NW = NC * NS
EW = E // NW
CH = 40
NCHUNK = EW // CH
VP = 10240
VSUB = VP // NS


def _node_prep(nf, Wl, bl, Wr, br, Wnn, bnn):

    def body(nf_ref, Wl_ref, bl_ref, Wr_ref, br_ref, Wnn_ref, bnn_ref,
             T_ref, nnf_ref):
        x = nf_ref[...]
        left = jnp.dot(x, Wl_ref[...], preferred_element_type=jnp.float32) + bl_ref[...]
        right = jnp.dot(x, Wr_ref[...], preferred_element_type=jnp.float32) + br_ref[...]
        T_ref[...] = jnp.concatenate([left, right], axis=1)
        nnf = jnp.dot(x, Wnn_ref[...], preferred_element_type=jnp.float32) + bnn_ref[...]
        nnf_ref[...] = jnp.maximum(nnf, 0.0)

    return pl.pallas_call(
        body,
        out_shape=[jax.ShapeDtypeStruct((V, 2 * HP), jnp.float32),
                   jax.ShapeDtypeStruct((V, HP), jnp.float32)],
    )(nf, Wl, bl, Wr, br, Wnn, bnn)


def _edge_prep(ef, Wen, ben):
    TE = 4000

    def body(ef_ref, W_ref, b_ref, out_ref):
        y = jnp.dot(ef_ref[...], W_ref[...], preferred_element_type=jnp.float32)
        out_ref[...] = jnp.maximum(y + b_ref[...], 0.0)

    return pl.pallas_call(
        body,
        grid=(E // TE,),
        in_specs=[pl.BlockSpec((TE, EIF), lambda i: (i, 0)),
                  pl.BlockSpec((EIF, HP), lambda i: (0, 0)),
                  pl.BlockSpec((1, HP), lambda i: (0, 0))],
        out_specs=pl.BlockSpec((TE, HP), lambda i: (i, 0)),
        out_shape=jax.ShapeDtypeStruct((E, HP), jnp.float32),
    )(ef, Wen, ben)


def _sc_gather_scatter(T, src3, dst3, e2n, zrows):
    mesh = plsc.VectorSubcoreMesh(core_axis_name="c", subcore_axis_name="s")

    @functools.partial(
        pl.kernel,
        mesh=mesh,
        out_type=[jax.ShapeDtypeStruct((E, 2 * HP), jnp.float32),
                  jax.ShapeDtypeStruct((2 * VP, HP), jnp.float32)],
        scratch_types=[pltpu.VMEM((CH,), jnp.int32),
                       pltpu.VMEM((CH,), jnp.int32),
                       pltpu.VMEM((CH,), jnp.int32),
                       pltpu.VMEM((CH,), jnp.int32),
                       pltpu.VMEM((CH,), jnp.int32),
                       pltpu.VMEM((CH,), jnp.int32),
                       pltpu.VMEM((CH,), jnp.int32),
                       pltpu.VMEM((CH,), jnp.int32),
                       pltpu.VMEM((CH, 2 * HP), jnp.float32),
                       pltpu.VMEM((CH, 2 * HP), jnp.float32),
                       pltpu.VMEM((CH, 2 * HP), jnp.float32),
                       pltpu.VMEM((CH, 2 * HP), jnp.float32),
                       pltpu.VMEM((CH, HP), jnp.float32),
                       pltpu.VMEM((CH, HP), jnp.float32),
                       pltpu.VMEM_SHARED((VP, HP), jnp.float32),
                       pltpu.SemaphoreType.DMA,
                       pltpu.SemaphoreType.DMA,
                       pltpu.SemaphoreType.DMA,
                       pltpu.SemaphoreType.DMA,
                       pltpu.SemaphoreType.DMA,
                       pltpu.SemaphoreType.DMA,
                       pltpu.SemaphoreType.DMA,
                       pltpu.SemaphoreType.DMA],
    )
    def k(T_hbm, src_hbm, dst_hbm, e2n_hbm, z_hbm, fo_out, enf_out,
          si0, si1, si2, si3, di0, di1, di2, di3,
          gs_v0, gs_v1, gd_v0, gd_v1, ev0, ev1, acc,
          gsem0, gsem1, wsem0, wsem1, isem0, isem1, isem2, isem3):
        cid = lax.axis_index("c")
        sid = lax.axis_index("s")
        wid = sid * NC + cid
        sis = (si0, si1, si2, si3)
        dis = (di0, di1, di2, di3)
        gs_v = (gs_v0, gs_v1)
        gd_v = (gd_v0, gd_v1)
        ev = (ev0, ev1)
        gsems = (gsem0, gsem1)
        wsems = (wsem0, wsem1)
        isems = (isem0, isem1, isem2, isem3)
        pltpu.sync_copy(z_hbm.at[pl.ds(sid * VSUB, VSUB)],
                        acc.at[pl.ds(sid * VSUB, VSUB)])
        plsc.subcore_barrier()

        def i_start(i, s):
            pltpu.async_copy(src_hbm.at[wid, i], sis[s], isems[s])
            pltpu.async_copy(dst_hbm.at[wid, i], dis[s], isems[s])

        def i_wait(i, s):
            pltpu.make_async_copy(src_hbm.at[wid, i], sis[s], isems[s]).wait()
            pltpu.make_async_copy(dst_hbm.at[wid, i], dis[s], isems[s]).wait()

        def g_start(i, s, b):
            base = wid * EW + i * CH
            pltpu.async_copy(T_hbm.at[sis[s]], gs_v[b], gsems[b])
            pltpu.async_copy(T_hbm.at[dis[s]], gd_v[b], gsems[b])
            pltpu.async_copy(e2n_hbm.at[pl.ds(base, CH)], ev[b], gsems[b])

        def g_wait(i, s, b):
            base = wid * EW + i * CH
            pltpu.make_async_copy(T_hbm.at[sis[s]], gs_v[b], gsems[b]).wait()
            pltpu.make_async_copy(T_hbm.at[dis[s]], gd_v[b], gsems[b]).wait()
            pltpu.make_async_copy(e2n_hbm.at[pl.ds(base, CH)], ev[b], gsems[b]).wait()

        def fuse(b):
            gvb = gs_v[b]
            gdb = gd_v[b]

            def row(r, carry):
                for kk in range(HP // 16):
                    ls = gvb[r, pl.ds(16 * kk, 16)]
                    rs = gvb[r, pl.ds(HP + 16 * kk, 16)]
                    ld = gdb[r, pl.ds(16 * kk, 16)]
                    rd = gdb[r, pl.ds(HP + 16 * kk, 16)]
                    gvb[r, pl.ds(16 * kk, 16)] = jnp.maximum(ls + rd, 0.0)
                    gvb[r, pl.ds(HP + 16 * kk, 16)] = jnp.maximum(rs + ld, 0.0)
                return carry

            lax.fori_loop(0, CH, row, 0)

        def w_start(i, s, b):
            base = wid * EW + i * CH
            pltpu.async_copy(gs_v[b], fo_out.at[pl.ds(base, CH)], wsems[b])
            pltpu.sync_copy(ev[b], acc.at[dis[s]], add=True)

        def w_wait(i, b):
            base = wid * EW + i * CH
            pltpu.make_async_copy(gs_v[b], fo_out.at[pl.ds(base, CH)], wsems[b]).wait()

        for s in range(4):
            i_start(s, s)
        i_wait(0, 0)
        i_wait(1, 1)
        g_start(0, 0, 0)
        g_start(1, 1, 1)

        def body(g, carry):
            for b4 in range(4):
                j = 4 * g + b4
                b = b4 % 2
                g_wait(j, b4, b)
                fuse(b)
                w_start(j, b4, b)
                w_wait(j, b)
                i_wait(j + 2, (b4 + 2) % 4)
                g_start(j + 2, (b4 + 2) % 4, b)
                i_start(j + 4, b4)
            return carry

        lax.fori_loop(0, (NCHUNK - 2) // 4, body, 0)
        for t in range(2):
            j = NCHUNK - 2 + t
            s = j % 4
            b = j % 2
            g_wait(j, s, b)
            fuse(b)
            w_start(j, s, b)
            w_wait(j, b)
        i_wait(NCHUNK, NCHUNK % 4)
        i_wait(NCHUNK + 1, (NCHUNK + 1) % 4)
        plsc.subcore_barrier()
        pltpu.sync_copy(acc.at[pl.ds(sid * VSUB, VSUB)],
                        enf_out.at[pl.ds(cid * VP + sid * VSUB, VSUB)])

    return k(T, src3, dst3, e2n, zrows)


def _edge_final(fo, ef, W1, W2, W3, Wee, bee, bue):
    TE = 4000

    def body(fo_ref, ef_ref, W1_ref, W2_ref, W3_ref, Wee_ref,
             bee_ref, bue_ref, out_ref):
        f_o = fo_ref[...]
        first = f_o[:, :HP]
        second = f_o[:, HP:]
        third = jnp.dot(ef_ref[...], Wee_ref[...], preferred_element_type=jnp.float32)
        third = jnp.maximum(third + bee_ref[...], 0.0)
        acc = jnp.dot(first, W1_ref[...], preferred_element_type=jnp.float32)
        acc += jnp.dot(second, W2_ref[...], preferred_element_type=jnp.float32)
        acc += jnp.dot(third, W3_ref[...], preferred_element_type=jnp.float32)
        out_ref[...] = jnp.maximum(acc + bue_ref[...], 0.0)[:, :H]

    return pl.pallas_call(
        body,
        grid=(E // TE,),
        in_specs=[pl.BlockSpec((TE, 2 * HP), lambda i: (i, 0)),
                  pl.BlockSpec((TE, EIF), lambda i: (i, 0)),
                  pl.BlockSpec((HP, HP), lambda i: (0, 0)),
                  pl.BlockSpec((HP, HP), lambda i: (0, 0)),
                  pl.BlockSpec((HP, HP), lambda i: (0, 0)),
                  pl.BlockSpec((EIF, HP), lambda i: (0, 0)),
                  pl.BlockSpec((1, HP), lambda i: (0, 0)),
                  pl.BlockSpec((1, HP), lambda i: (0, 0))],
        out_specs=pl.BlockSpec((TE, H), lambda i: (i, 0)),
        out_shape=jax.ShapeDtypeStruct((E, H), jnp.float32),
    )(fo, ef, W1, W2, W3, Wee, bee, bue)


def _node_final(nnf, enf2, Wt, Wb, bun):

    def body(nnf_ref, enf_ref, Wt_ref, Wb_ref, b_ref, out_ref):
        e = enf_ref[:V, :] + enf_ref[VP:VP + V, :]
        acc = jnp.dot(nnf_ref[...], Wt_ref[...], preferred_element_type=jnp.float32)
        acc += jnp.dot(e, Wb_ref[...], preferred_element_type=jnp.float32)
        out_ref[...] = jnp.maximum(acc + b_ref[...], 0.0)[:, :H]

    return pl.pallas_call(
        body,
        out_shape=jax.ShapeDtypeStruct((V, H), jnp.float32),
    )(nnf, enf2, Wt, Wb, bun)


def _pad_w(W, rows, cols=HP):
    out = jnp.zeros((rows, cols), jnp.float32)
    return out.at[:W.shape[0], :W.shape[1]].set(W)


def _pad_b(b):
    return jnp.zeros((1, HP), jnp.float32).at[0, :b.shape[0]].set(b)


def kernel(node_feats, edge_feats, edge_index, W_nn, b_nn, W_en, b_en,
           W_un, b_un, W_l, b_l, W_r, b_r, W_ee, b_ee, W_ue, b_ue):
    src = edge_index[0].astype(jnp.int32).reshape(NW, NCHUNK, CH)
    dst = edge_index[1].astype(jnp.int32).reshape(NW, NCHUNK, CH)

    Wl = _pad_w(W_l, NIF)
    Wr = _pad_w(W_r, NIF)
    Wnn = _pad_w(W_nn, NIF)
    Wen = _pad_w(W_en, EIF)
    Wee = _pad_w(W_ee, EIF)
    W1 = _pad_w(W_ue[:H], HP)
    W2 = _pad_w(W_ue[H:2 * H], HP)
    W3 = _pad_w(W_ue[2 * H:], HP)
    Wt = _pad_w(W_un[:H], HP)
    Wb = _pad_w(W_un[H:], HP)

    T, nnf = _node_prep(node_feats, Wl, _pad_b(b_l), Wr, _pad_b(b_r),
                        Wnn, _pad_b(b_nn))
    e2n = _edge_prep(edge_feats, Wen, _pad_b(b_en))
    zrows = jnp.zeros((VP, HP), jnp.float32)
    fo, enf2 = _sc_gather_scatter(T, src, dst, e2n, zrows)
    new_edge = _edge_final(fo, edge_feats, W1, W2, W3, Wee,
                           _pad_b(b_ee), _pad_b(b_ue))
    new_node = _node_final(nnf, enf2, Wt, Wb, _pad_b(b_un))
    return new_node, new_edge

# --- scband reference (transcript-rebuilt; emitter-appended) ---
"""Pipeline reference for scband-weave-layer-1082331758607 (READ-ONLY COPY).

The authoritative reference and input builder live on the scoring server;
editing this copy changes nothing except your own understanding.
"""

import jax, jax.numpy as jnp
import numpy as np

V = 10000
E = 320000
NIF = 128
EIF = 16
H = 50


def setup_inputs(seed: int = 0) -> dict:
    key = jax.random.key(seed)
    ks = jax.random.split(key, 20)
    inp = {}
    inp["node_feats"] = jax.random.normal(ks[0], (V, NIF), dtype=jnp.float32)
    inp["edge_feats"] = jax.random.normal(ks[1], (E, EIF), dtype=jnp.float32)
    inp["edge_index"] = jax.random.randint(ks[2], (2, E), 0, V)
    # Learned parameters (Linear layers, x @ W + b convention)
    inp["W_nn"] = 0.1 * jax.random.normal(ks[3], (NIF, H), dtype=jnp.float32)
    inp["b_nn"] = jnp.zeros((H,), dtype=jnp.float32)
    inp["W_en"] = 0.1 * jax.random.normal(ks[4], (EIF, H), dtype=jnp.float32)
    inp["b_en"] = jnp.zeros((H,), dtype=jnp.float32)
    inp["W_un"] = 0.1 * jax.random.normal(ks[5], (2 * H, H), dtype=jnp.float32)
    inp["b_un"] = jnp.zeros((H,), dtype=jnp.float32)
    inp["W_l"] = 0.1 * jax.random.normal(ks[6], (NIF, H), dtype=jnp.float32)
    inp["b_l"] = jnp.zeros((H,), dtype=jnp.float32)
    inp["W_r"] = 0.1 * jax.random.normal(ks[7], (NIF, H), dtype=jnp.float32)
    inp["b_r"] = jnp.zeros((H,), dtype=jnp.float32)
    inp["W_ee"] = 0.1 * jax.random.normal(ks[8], (EIF, H), dtype=jnp.float32)
    inp["b_ee"] = jnp.zeros((H,), dtype=jnp.float32)
    inp["W_ue"] = 0.1 * jax.random.normal(ks[9], (3 * H, H), dtype=jnp.float32)
    inp["b_ue"] = jnp.zeros((H,), dtype=jnp.float32)
    return inp


def reference(node_feats, edge_feats, edge_index, W_nn, b_nn, W_en, b_en, W_un, b_un, W_l, b_l, W_r, b_r, W_ee, b_ee, W_ue, b_ue):
    relu = jax.nn.relu
    src = edge_index[0]
    dst = edge_index[1]
    # node update path
    node_node_feats = relu(node_feats @ W_nn + b_nn)
    e2n = relu(edge_feats @ W_en + b_en)
    # update_all(copy_edge, sum): sum edge messages into destination nodes
    edge_node_feats = jax.ops.segment_sum(e2n, dst, num_segments=V)
    new_node_feats = relu(jnp.concatenate([node_node_feats, edge_node_feats], axis=1) @ W_un + b_un)
    # edge update path
    left_hv = node_feats @ W_l + b_l
    right_hv = node_feats @ W_r + b_r
    # u_add_v: message on edge (u, v)
    first_edge_feats = relu(left_hv[src] + right_hv[dst])
    second_edge_feats = relu(right_hv[src] + left_hv[dst])
    third_edge_feats = relu(edge_feats @ W_ee + b_ee)
    new_edge_feats = relu(jnp.concatenate([first_edge_feats, second_edge_feats, third_edge_feats], axis=1) @ W_ue + b_ue)
    return (new_node_feats, new_edge_feats)

if __name__ == "__main__":
    import jax
    _d = setup_inputs()
    print(jax.jit(kernel)(*tuple(_d.values())))

</pallas_src>

<mosaic_0001>
#map = affine_map<(d0, d1) -> (0, 0)>
#map1 = affine_map<(d0, d1) -> (0, 0, 0)>
module attributes {stable_mosaic.version = 14 : i64} {
  func.func @k(%arg0: i32, %arg1: i32, %arg2: memref<10000x128xf32, #tpu.memory_space<hbm>>, %arg3: memref<32x250x40xi32, #tpu.memory_space<hbm>>, %arg4: memref<32x250x40xi32, #tpu.memory_space<hbm>>, %arg5: memref<320000x64xf32, #tpu.memory_space<hbm>>, %arg6: memref<10240x64xf32, #tpu.memory_space<hbm>>, %arg7: memref<320000x128xf32, #tpu.memory_space<hbm>>, %arg8: memref<20480x64xf32, #tpu.memory_space<hbm>>, %arg9: memref<40xi32, #tpu.memory_space<vmem>>, %arg10: memref<40xi32, #tpu.memory_space<vmem>>, %arg11: memref<40xi32, #tpu.memory_space<vmem>>, %arg12: memref<40xi32, #tpu.memory_space<vmem>>, %arg13: memref<40xi32, #tpu.memory_space<vmem>>, %arg14: memref<40xi32, #tpu.memory_space<vmem>>, %arg15: memref<40xi32, #tpu.memory_space<vmem>>, %arg16: memref<40xi32, #tpu.memory_space<vmem>>, %arg17: memref<40x128xf32, #tpu.memory_space<vmem>>, %arg18: memref<40x128xf32, #tpu.memory_space<vmem>>, %arg19: memref<40x128xf32, #tpu.memory_space<vmem>>, %arg20: memref<40x128xf32, #tpu.memory_space<vmem>>, %arg21: memref<40x64xf32, #tpu.memory_space<vmem>>, %arg22: memref<40x64xf32, #tpu.memory_space<vmem>>, %arg23: memref<10240x64xf32, #tpu.memory_space<vmem_shared>>, %arg24: memref<!tpu.dma_semaphore, #tpu.memory_space<semaphore_mem>>, %arg25: memref<!tpu.dma_semaphore, #tpu.memory_space<semaphore_mem>>, %arg26: memref<!tpu.dma_semaphore, #tpu.memory_space<semaphore_mem>>, %arg27: memref<!tpu.dma_semaphore, #tpu.memory_space<semaphore_mem>>, %arg28: memref<!tpu.dma_semaphore, #tpu.memory_space<semaphore_mem>>, %arg29: memref<!tpu.dma_semaphore, #tpu.memory_space<semaphore_mem>>, %arg30: memref<!tpu.dma_semaphore, #tpu.memory_space<semaphore_mem>>, %arg31: memref<!tpu.dma_semaphore, #tpu.memory_space<semaphore_mem>>) attributes {dimension_semantics = [#tpu.dimension_semantics<core_parallel>, #tpu.dimension_semantics<subcore_parallel>], iteration_bounds = array<i64: 2, 16>, scalar_prefetch = 0 : i64, scratch_operands = 23 : i64, tpu.core_type = #tpu.core_type<sc_vector_subcore>, window_params = [{transform_indices = #map}, {transform_indices = #map1}, {transform_indices = #map1}, {transform_indices = #map}, {transform_indices = #map}, {transform_indices = #map}, {transform_indices = #map}]} {
    %mul3A = arith.constant 2 : i32
    %mul3A_0 = arith.muli %arg1, %mul3A : i32
    %add3A = arith.addi %mul3A_0, %arg0 : i32
    %mul3A_1 = arith.constant 640 : i32
    %mul3A_2 = arith.muli %arg1, %mul3A_1 : i32
    %mul3A_3 = arith.constant 640 : i32
    %mul3A_4 = arith.muli %arg1, %mul3A_3 : i32
    "tpu.region"() ({
      %run_scoped3A = tpu.sem_alloc : memref<!tpu.dma_semaphore, #tpu.memory_space<semaphore_mem>>
      %dma_start3A_228 = arith.constant 0 : i32
      %dma_start3A_229 = tpu.memref_slice %arg23[%mul3A_4, %dma_start3A_228] : memref<10240x64xf32, #tpu.memory_space<vmem_shared>> -> memref<640x64xf32, #tpu.memory_space<vmem_shared>>
      %dma_start3A_230 = arith.constant 0 : i32
      %dma_start3A_231 = tpu.memref_slice %arg6[%mul3A_2, %dma_start3A_230] : memref<10240x64xf32, #tpu.memory_space<hbm>> -> memref<640x64xf32, #tpu.memory_space<hbm>>
      tpu.enqueue_dma source(%dma_start3A_231 : memref<640x64xf32, #tpu.memory_space<hbm>>) target(%dma_start3A_229 : memref<640x64xf32, #tpu.memory_space<vmem_shared>>) target_semaphore(%run_scoped3A : memref<!tpu.dma_semaphore, #tpu.memory_space<semaphore_mem>>)
      %dma_wait3A_232 = arith.constant 0 : i32
      %dma_wait3A_233 = tpu.memref_slice %arg23[%mul3A_4, %dma_wait3A_232] : memref<10240x64xf32, #tpu.memory_space<vmem_shared>> -> memref<640x64xf32, #tpu.memory_space<vmem_shared>>
      %dma_wait3A_234 = arith.constant 0 : i32
      %dma_wait3A_235 = tpu.memref_slice %arg6[%mul3A_2, %dma_wait3A_234] : memref<10240x64xf32, #tpu.memory_space<hbm>> -> memref<640x64xf32, #tpu.memory_space<hbm>>
      tpu.wait_dma2 semaphore(%run_scoped3A : memref<!tpu.dma_semaphore, #tpu.memory_space<semaphore_mem>>) src(%dma_wait3A_235 : memref<640x64xf32, #tpu.memory_space<hbm>>) dst(%dma_wait3A_233 : memref<640x64xf32, #tpu.memory_space<vmem_shared>>)
      tpu.yield
    }) : () -> ()
    %barrier3A = arith.constant 0 : index
    tpu.barrier barrier_id(%barrier3A)
    %dma_start3A = arith.constant 0 : i32
    %dma_start3A_5 = arith.constant 0 : i32
    %dma_start3A_6 = tpu.memref_slice %arg3[%add3A, %dma_start3A, %dma_start3A_5] : memref<32x250x40xi32, #tpu.memory_space<hbm>> -> memref<1x1x40xi32, #tpu.memory_space<hbm>>
    %dma_start3A_7 = tpu.memref_squeeze %dma_start3A_6 : memref<1x1x40xi32, #tpu.memory_space<hbm>> -> memref<40xi32, #tpu.memory_space<hbm>>
    %dma_start3A_8 = arith.constant 0 : i32
    %dma_start3A_9 = tpu.memref_slice %arg3[%add3A, %dma_start3A, %dma_start3A_8] : memref<32x250x40xi32, #tpu.memory_space<hbm>> -> memref<1x1x40xi32, #tpu.memory_space<hbm>>
    %dma_start3A_10 = tpu.memref_squeeze %dma_start3A_9 : memref<1x1x40xi32, #tpu.memory_space<hbm>> -> memref<40xi32, #tpu.memory_space<hbm>>
    tpu.enqueue_dma source(%dma_start3A_10 : memref<40xi32, #tpu.memory_space<hbm>>) target(%arg9 : memref<40xi32, #tpu.memory_space<vmem>>) target_semaphore(%arg28 : memref<!tpu.dma_semaphore, #tpu.memory_space<semaphore_mem>>)
    %dma_start3A_11 = arith.constant 0 : i32
    %dma_start3A_12 = arith.constant 0 : i32
    %dma_start3A_13 = tpu.memref_slice %arg4[%add3A, %dma_start3A_11, %dma_start3A_12] : memref<32x250x40xi32, #tpu.memory_space<hbm>> -> memref<1x1x40xi32, #tpu.memory_space<hbm>>
    %dma_start3A_14 = tpu.memref_squeeze %dma_start3A_13 : memref<1x1x40xi32, #tpu.memory_space<hbm>> -> memref<40xi32, #tpu.memory_space<hbm>>
    %dma_start3A_15 = arith.constant 0 : i32
    %dma_start3A_16 = tpu.memref_slice %arg4[%add3A, %dma_start3A_11, %dma_start3A_15] : memref<32x250x40xi32, #tpu.memory_space<hbm>> -> memref<1x1x40xi32, #tpu.memory_space<hbm>>
    %dma_start3A_17 = tpu.memref_squeeze %dma_start3A_16 : memref<1x1x40xi32, #tpu.memory_space<hbm>> -> memref<40xi32, #tpu.memory_space<hbm>>
    tpu.enqueue_dma source(%dma_start3A_17 : memref<40xi32, #tpu.memory_space<hbm>>) target(%arg13 : memref<40xi32, #tpu.memory_space<vmem>>) target_semaphore(%arg28 : memref<!tpu.dma_semaphore, #tpu.memory_space<semaphore_mem>>)
    %dma_start3A_18 = arith.constant 1 : i32
    %dma_start3A_19 = arith.constant 0 : i32
    %dma_start3A_20 = tpu.memref_slice %arg3[%add3A, %dma_start3A_18, %dma_start3A_19] : memref<32x250x40xi32, #tpu.memory_space<hbm>> -> memref<1x1x40xi32, #tpu.memory_space<hbm>>
    %dma_start3A_21 = tpu.memref_squeeze %dma_start3A_20 : memref<1x1x40xi32, #tpu.memory_space<hbm>> -> memref<40xi32, #tpu.memory_space<hbm>>
    %dma_start3A_22 = arith.constant 0 : i32
    %dma_start3A_23 = tpu.memref_slice %arg3[%add3A, %dma_start3A_18, %dma_start3A_22] : memref<32x250x40xi32, #tpu.memory_space<hbm>> -> memref<1x1x40xi32, #tpu.memory_space<hbm>>
    %dma_start3A_24 = tpu.memref_squeeze %dma_start3A_23 : memref<1x1x40xi32, #tpu.memory_space<hbm>> -> memref<40xi32, #tpu.memory_space<hbm>>
    tpu.enqueue_dma source(%dma_start3A_24 : memref<40xi32, #tpu.memory_space<hbm>>) target(%arg10 : memref<40xi32, #tpu.memory_space<vmem>>) target_semaphore(%arg29 : memref<!tpu.dma_semaphore, #tpu.memory_space<semaphore_mem>>)
    %dma_start3A_25 = arith.constant 1 : i32
    %dma_start3A_26 = arith.constant 0 : i32
    %dma_start3A_27 = tpu.memref_slice %arg4[%add3A, %dma_start3A_25, %dma_start3A_26] : memref<32x250x40xi32, #tpu.memory_space<hbm>> -> memref<1x1x40xi32, #tpu.memory_space<hbm>>
    %dma_start3A_28 = tpu.memref_squeeze %dma_start3A_27 : memref<1x1x40xi32, #tpu.memory_space<hbm>> -> memref<40xi32, #tpu.memory_space<hbm>>
    %dma_start3A_29 = arith.constant 0 : i32
    %dma_start3A_30 = tpu.memref_slice %arg4[%add3A, %dma_start3A_25, %dma_start3A_29] : memref<32x250x40xi32, #tpu.memory_space<hbm>> -> memref<1x1x40xi32, #tpu.memory_space<hbm>>
    %dma_start3A_31 = tpu.memref_squeeze %dma_start3A_30 : memref<1x1x40xi32, #tpu.memory_space<hbm>> -> memref<40xi32, #tpu.memory_space<hbm>>
    tpu.enqueue_dma source(%dma_start3A_31 : memref<40xi32, #tpu.memory_space<hbm>>) target(%arg14 : memref<40xi32, #tpu.memory_space<vmem>>) target_semaphore(%arg29 : memref<!tpu.dma_semaphore, #tpu.memory_space<semaphore_mem>>)
    %dma_start3A_32 = arith.constant 2 : i32
    %dma_start3A_33 = arith.constant 0 : i32
    %dma_start3A_34 = tpu.memref_slice %arg3[%add3A, %dma_start3A_32, %dma_start3A_33] : memref<32x250x40xi32, #tpu.memory_space<hbm>> -> memref<1x1x40xi32, #tpu.memory_space<hbm>>
    %dma_start3A_35 = tpu.memref_squeeze %dma_start3A_34 : memref<1x1x40xi32, #tpu.memory_space<hbm>> -> memref<40xi32, #tpu.memory_space<hbm>>
    %dma_start3A_36 = arith.constant 0 : i32
    %dma_start3A_37 = tpu.memref_slice %arg3[%add3A, %dma_start3A_32, %dma_start3A_36] : memref<32x250x40xi32, #tpu.memory_space<hbm>> -> memref<1x1x40xi32, #tpu.memory_space<hbm>>
    %dma_start3A_38 = tpu.memref_squeeze %dma_start3A_37 : memref<1x1x40xi32, #tpu.memory_space<hbm>> -> memref<40xi32, #tpu.memory_space<hbm>>
    tpu.enqueue_dma source(%dma_start3A_38 : memref<40xi32, #tpu.memory_space<hbm>>) target(%arg11 : memref<40xi32, #tpu.memory_space<vmem>>) target_semaphore(%arg30 : memref<!tpu.dma_semaphore, #tpu.memory_space<semaphore_mem>>)
    %dma_start3A_39 = arith.constant 2 : i32
    %dma_start3A_40 = arith.constant 0 : i32
    %dma_start3A_41 = tpu.memref_slice %arg4[%add3A, %dma_start3A_39, %dma_start3A_40] : memref<32x250x40xi32, #tpu.memory_space<hbm>> -> memref<1x1x40xi32, #tpu.memory_space<hbm>>
    %dma_start3A_42 = tpu.memref_squeeze %dma_start3A_41 : memref<1x1x40xi32, #tpu.memory_space<hbm>> -> memref<40xi32, #tpu.memory_space<hbm>>
    %dma_start3A_43 = arith.constant 0 : i32
    %dma_start3A_44 = tpu.memref_slice %arg4[%add3A, %dma_start3A_39, %dma_start3A_43] : memref<32x250x40xi32, #tpu.memory_space<hbm>> -> memref<1x1x40xi32, #tpu.memory_space<hbm>>
    %dma_start3A_45 = tpu.memref_squeeze %dma_start3A_44 : memref<1x1x40xi32, #tpu.memory_space<hbm>> -> memref<40xi32, #tpu.memory_space<hbm>>
    tpu.enqueue_dma source(%dma_start3A_45 : memref<40xi32, #tpu.memory_space<hbm>>) target(%arg15 : memref<40xi32, #tpu.memory_space<vmem>>) target_semaphore(%arg30 : memref<!tpu.dma_semaphore, #tpu.memory_space<semaphore_mem>>)
    %dma_start3A_46 = arith.constant 3 : i32
    %dma_start3A_47 = arith.constant 0 : i32
    %dma_start3A_48 = tpu.memref_slice %arg3[%add3A, %dma_start3A_46, %dma_start3A_47] : memref<32x250x40xi32, #tpu.memory_space<hbm>> -> memref<1x1x40xi32, #tpu.memory_space<hbm>>
    %dma_start3A_49 = tpu.memref_squeeze %dma_start3A_48 : memref<1x1x40xi32, #tpu.memory_space<hbm>> -> memref<40xi32, #tpu.memory_space<hbm>>
    %dma_start3A_50 = arith.constant 0 : i32
    %dma_start3A_51 = tpu.memref_slice %arg3[%add3A, %dma_start3A_46, %dma_start3A_50] : memref<32x250x40xi32, #tpu.memory_space<hbm>> -> memref<1x1x40xi32, #tpu.memory_space<hbm>>
    %dma_start3A_52 = tpu.memref_squeeze %dma_start3A_51 : memref<1x1x40xi32, #tpu.memory_space<hbm>> -> memref<40xi32, #tpu.memory_space<hbm>>
    tpu.enqueue_dma source(%dma_start3A_52 : memref<40xi32, #tpu.memory_space<hbm>>) target(%arg12 : memref<40xi32, #tpu.memory_space<vmem>>) target_semaphore(%arg31 : memref<!tpu.dma_semaphore, #tpu.memory_space<semaphore_mem>>)
    %dma_start3A_53 = arith.constant 3 : i32
    %dma_start3A_54 = arith.constant 0 : i32
    %dma_start3A_55 = tpu.memref_slice %arg4[%add3A, %dma_start3A_53, %dma_start3A_54] : memref<32x250x40xi32, #tpu.memory_space<hbm>> -> memref<1x1x40xi32, #tpu.memory_space<hbm>>
    %dma_start3A_56 = tpu.memref_squeeze %dma_start3A_55 : memref<1x1x40xi32, #tpu.memory_space<hbm>> -> memref<40xi32, #tpu.memory_space<hbm>>
    %dma_start3A_57 = arith.constant 0 : i32
    %dma_start3A_58 = tpu.memref_slice %arg4[%add3A, %dma_start3A_53, %dma_start3A_57] : memref<32x250x40xi32, #tpu.memory_space<hbm>> -> memref<1x1x40xi32, #tpu.memory_space<hbm>>
    %dma_start3A_59 = tpu.memref_squeeze %dma_start3A_58 : memref<1x1x40xi32, #tpu.memory_space<hbm>> -> memref<40xi32, #tpu.memory_space<hbm>>
    tpu.enqueue_dma source(%dma_start3A_59 : memref<40xi32, #tpu.memory_space<hbm>>) target(%arg16 : memref<40xi32, #tpu.memory_space<vmem>>) target_semaphore(%arg31 : memref<!tpu.dma_semaphore, #tpu.memory_space<semaphore_mem>>)
    %dma_wait3A = arith.constant 0 : i32
    %dma_wait3A_60 = arith.constant 0 : i32
    %dma_wait3A_61 = tpu.memref_slice %arg3[%add3A, %dma_wait3A, %dma_wait3A_60] : memref<32x250x40xi32, #tpu.memory_space<hbm>> -> memref<1x1x40xi32, #tpu.memory_space<hbm>>
    %dma_wait3A_62 = tpu.memref_squeeze %dma_wait3A_61 : memref<1x1x40xi32, #tpu.memory_space<hbm>> -> memref<40xi32, #tpu.memory_space<hbm>>
    %dma_wait3A_63 = arith.constant 0 : i32
    %dma_wait3A_64 = tpu.memref_slice %arg3[%add3A, %dma_wait3A, %dma_wait3A_63] : memref<32x250x40xi32, #tpu.memory_space<hbm>> -> memref<1x1x40xi32, #tpu.memory_space<hbm>>
    %dma_wait3A_65 = tpu.memref_squeeze %dma_wait3A_64 : memref<1x1x40xi32, #tpu.memory_space<hbm>> -> memref<40xi32, #tpu.memory_space<hbm>>
    tpu.wait_dma2 semaphore(%arg28 : memref<!tpu.dma_semaphore, #tpu.memory_space<semaphore_mem>>) src(%dma_wait3A_65 : memref<40xi32, #tpu.memory_space<hbm>>) dst(%arg9 : memref<40xi32, #tpu.memory_space<vmem>>)
    %dma_wait3A_66 = arith.constant 0 : i32
    %dma_wait3A_67 = arith.constant 0 : i32
    %dma_wait3A_68 = tpu.memref_slice %arg4[%add3A, %dma_wait3A_66, %dma_wait3A_67] : memref<32x250x40xi32, #tpu.memory_space<hbm>> -> memref<1x1x40xi32, #tpu.memory_space<hbm>>
    %dma_wait3A_69 = tpu.memref_squeeze %dma_wait3A_68 : memref<1x1x40xi32, #tpu.memory_space<hbm>> -> memref<40xi32, #tpu.memory_space<hbm>>
    %dma_wait3A_70 = arith.constant 0 : i32
    %dma_wait3A_71 = tpu.memref_slice %arg4[%add3A, %dma_wait3A_66, %dma_wait3A_70] : memref<32x250x40xi32, #tpu.memory_space<hbm>> -> memref<1x1x40xi32, #tpu.memory_space<hbm>>
    %dma_wait3A_72 = tpu.memref_squeeze %dma_wait3A_71 : memref<1x1x40xi32, #tpu.memory_space<hbm>> -> memref<40xi32, #tpu.memory_space<hbm>>
    tpu.wait_dma2 semaphore(%arg28 : memref<!tpu.dma_semaphore, #tpu.memory_space<semaphore_mem>>) src(%dma_wait3A_72 : memref<40xi32, #tpu.memory_space<hbm>>) dst(%arg13 : memref<40xi32, #tpu.memory_space<vmem>>)
    %dma_wait3A_73 = arith.constant 1 : i32
    %dma_wait3A_74 = arith.constant 0 : i32
    %dma_wait3A_75 = tpu.memref_slice %arg3[%add3A, %dma_wait3A_73, %dma_wait3A_74] : memref<32x250x40xi32, #tpu.memory_space<hbm>> -> memref<1x1x40xi32, #tpu.memory_space<hbm>>
    %dma_wait3A_76 = tpu.memref_squeeze %dma_wait3A_75 : memref<1x1x40xi32, #tpu.memory_space<hbm>> -> memref<40xi32, #tpu.memory_space<hbm>>
    %dma_wait3A_77 = arith.constant 0 : i32
    %dma_wait3A_78 = tpu.memref_slice %arg3[%add3A, %dma_wait3A_73, %dma_wait3A_77] : memref<32x250x40xi32, #tpu.memory_space<hbm>> -> memref<1x1x40xi32, #tpu.memory_space<hbm>>
    %dma_wait3A_79 = tpu.memref_squeeze %dma_wait3A_78 : memref<1x1x40xi32, #tpu.memory_space<hbm>> -> memref<40xi32, #tpu.memory_space<hbm>>
    tpu.wait_dma2 semaphore(%arg29 : memref<!tpu.dma_semaphore, #tpu.memory_space<semaphore_mem>>) src(%dma_wait3A_79 : memref<40xi32, #tpu.memory_space<hbm>>) dst(%arg10 : memref<40xi32, #tpu.memory_space<vmem>>)
    %dma_wait3A_80 = arith.constant 1 : i32
    %dma_wait3A_81 = arith.constant 0 : i32
    %dma_wait3A_82 = tpu.memref_slice %arg4[%add3A, %dma_wait3A_80, %dma_wait3A_81] : memref<32x250x40xi32, #tpu.memory_space<hbm>> -> memref<1x1x40xi32, #tpu.memory_space<hbm>>
    %dma_wait3A_83 = tpu.memref_squeeze %dma_wait3A_82 : memref<1x1x40xi32, #tpu.memory_space<hbm>> -> memref<40xi32, #tpu.memory_space<hbm>>
    %dma_wait3A_84 = arith.constant 0 : i32
    %dma_wait3A_85 = tpu.memref_slice %arg4[%add3A, %dma_wait3A_80, %dma_wait3A_84] : memref<32x250x40xi32, #tpu.memory_space<hbm>> -> memref<1x1x40xi32, #tpu.memory_space<hbm>>
    %dma_wait3A_86 = tpu.memref_squeeze %dma_wait3A_85 : memref<1x1x40xi32, #tpu.memory_space<hbm>> -> memref<40xi32, #tpu.memory_space<hbm>>
    tpu.wait_dma2 semaphore(%arg29 : memref<!tpu.dma_semaphore, #tpu.memory_space<semaphore_mem>>) src(%dma_wait3A_86 : memref<40xi32, #tpu.memory_space<hbm>>) dst(%arg14 : memref<40xi32, #tpu.memory_space<vmem>>)
    %mul3A_87 = arith.constant 10000 : i32
    %mul3A_88 = arith.muli %add3A, %mul3A_87 : i32
    %add3A_89 = arith.constant 0 : i32
    %add3A_90 = arith.addi %mul3A_88, %add3A_89 : i32
    %dma_start3A_91 = arith.constant 0 : i32
    %dma_start3A_92 = arith.constant 0 : i32
    %dma_start3A_93 = tpu.memref_slice %arg2[%dma_start3A_91, %dma_start3A_92] : memref<10000x128xf32, #tpu.memory_space<hbm>> -> memref<10000x128xf32, #tpu.memory_space<hbm>>
    tpu.enqueue_indirect_dma source(%dma_start3A_93 : memref<10000x128xf32, #tpu.memory_space<hbm>>) target(%arg17 : memref<40x128xf32, #tpu.memory_space<vmem>>) offsets(%arg9 : memref<40xi32, #tpu.memory_space<vmem>>) semaphore(%arg24 : memref<!tpu.dma_semaphore, #tpu.memory_space<semaphore_mem>>)
    %dma_start3A_94 = arith.constant 0 : i32
    %dma_start3A_95 = arith.constant 0 : i32
    %dma_start3A_96 = tpu.memref_slice %arg2[%dma_start3A_94, %dma_start3A_95] : memref<10000x128xf32, #tpu.memory_space<hbm>> -> memref<10000x128xf32, #tpu.memory_space<hbm>>
    tpu.enqueue_indirect_dma source(%dma_start3A_96 : memref<10000x128xf32, #tpu.memory_space<hbm>>) target(%arg19 : memref<40x128xf32, #tpu.memory_space<vmem>>) offsets(%arg13 : memref<40xi32, #tpu.memory_space<vmem>>) semaphore(%arg24 : memref<!tpu.dma_semaphore, #tpu.memory_space<semaphore_mem>>)
    %dma_start3A_97 = arith.constant 0 : i32
    %dma_start3A_98 = tpu.memref_slice %arg5[%add3A_90, %dma_start3A_97] : memref<320000x64xf32, #tpu.memory_space<hbm>> -> memref<40x64xf32, #tpu.memory_space<hbm>>
    %dma_start3A_99 = arith.constant 0 : i32
    %dma_start3A_100 = tpu.memref_slice %arg5[%add3A_90, %dma_start3A_99] : memref<320000x64xf32, #tpu.memory_space<hbm>> -> memref<40x64xf32, #tpu.memory_space<hbm>>
    tpu.enqueue_dma source(%dma_start3A_100 : memref<40x64xf32, #tpu.memory_space<hbm>>) target(%arg21 : memref<40x64xf32, #tpu.memory_space<vmem>>) target_semaphore(%arg24 : memref<!tpu.dma_semaphore, #tpu.memory_space<semaphore_mem>>)
    %mul3A_101 = arith.constant 10000 : i32
    %mul3A_102 = arith.muli %add3A, %mul3A_101 : i32
    %add3A_103 = arith.constant 40 : i32
    %add3A_104 = arith.addi %mul3A_102, %add3A_103 : i32
    %dma_start3A_105 = arith.constant 0 : i32
    %dma_start3A_106 = arith.constant 0 : i32
    %dma_start3A_107 = tpu.memref_slice %arg2[%dma_start3A_105, %dma_start3A_106] : memref<10000x128xf32, #tpu.memory_space<hbm>> -> memref<10000x128xf32, #tpu.memory_space<hbm>>
    tpu.enqueue_indirect_dma source(%dma_start3A_107 : memref<10000x128xf32, #tpu.memory_space<hbm>>) target(%arg18 : memref<40x128xf32, #tpu.memory_space<vmem>>) offsets(%arg10 : memref<40xi32, #tpu.memory_space<vmem>>) semaphore(%arg25 : memref<!tpu.dma_semaphore, #tpu.memory_space<semaphore_mem>>)
    %dma_start3A_108 = arith.constant 0 : i32
    %dma_start3A_109 = arith.constant 0 : i32
    %dma_start3A_110 = tpu.memref_slice %arg2[%dma_start3A_108, %dma_start3A_109] : memref<10000x128xf32, #tpu.memory_space<hbm>> -> memref<10000x128xf32, #tpu.memory_space<hbm>>
    tpu.enqueue_indirect_dma source(%dma_start3A_110 : memref<10000x128xf32, #tpu.memory_space<hbm>>) target(%arg20 : memref<40x128xf32, #tpu.memory_space<vmem>>) offsets(%arg14 : memref<40xi32, #tpu.memory_space<vmem>>) semaphore(%arg25 : memref<!tpu.dma_semaphore, #tpu.memory_space<semaphore_mem>>)
    %dma_start3A_111 = arith.constant 0 : i32
    %dma_start3A_112 = tpu.memref_slice %arg5[%add3A_104, %dma_start3A_111] : memref<320000x64xf32, #tpu.memory_space<hbm>> -> memref<40x64xf32, #tpu.memory_space<hbm>>
    %dma_start3A_113 = arith.constant 0 : i32
    %dma_start3A_114 = tpu.memref_slice %arg5[%add3A_104, %dma_start3A_113] : memref<320000x64xf32, #tpu.memory_space<hbm>> -> memref<40x64xf32, #tpu.memory_space<hbm>>
    tpu.enqueue_dma source(%dma_start3A_114 : memref<40x64xf32, #tpu.memory_space<hbm>>) target(%arg22 : memref<40x64xf32, #tpu.memory_space<vmem>>) target_semaphore(%arg25 : memref<!tpu.dma_semaphore, #tpu.memory_space<semaphore_mem>>)
    %scan3A = arith.constant 0 : i32
    %scan3A_115 = arith.constant 0 : i32
    %scan3A_116 = arith.constant 62 : i32
    %scan3A_117 = arith.addi %scan3A_115, %scan3A_116 : i32
    %scan3A_118 = arith.constant 1 : i32
    scf.for %scan3A_228 = %scan3A_115 to %scan3A_117 step %scan3A_118  : i32 {
      %mul3A_229 = arith.constant 4 : i32
      %mul3A_230 = arith.muli %mul3A_229, %scan3A_228 : i32
      %add3A_231 = arith.constant 0 : i32
      %add3A_232 = arith.addi %mul3A_230, %add3A_231 : i32
      %mul3A_233 = arith.constant 10000 : i32
      %mul3A_234 = arith.muli %add3A, %mul3A_233 : i32
      %mul3A_235 = arith.constant 40 : i32
      %mul3A_236 = arith.muli %add3A_232, %mul3A_235 : i32
      %add3A_237 = arith.addi %mul3A_234, %mul3A_236 : i32
      %dma_wait3A_238 = arith.constant 0 : i32
      %dma_wait3A_239 = arith.constant 0 : i32
      %dma_wait3A_240 = tpu.memref_slice %arg2[%dma_wait3A_238, %dma_wait3A_239] : memref<10000x128xf32, #tpu.memory_space<hbm>> -> memref<10000x128xf32, #tpu.memory_space<hbm>>
      tpu.wait_indirect_dma semaphore(%arg24 : memref<!tpu.dma_semaphore, #tpu.memory_space<semaphore_mem>>) src(%dma_wait3A_240 : memref<10000x128xf32, #tpu.memory_space<hbm>>) dst(%arg17 : memref<40x128xf32, #tpu.memory_space<vmem>>)
      %dma_wait3A_241 = arith.constant 0 : i32
      %dma_wait3A_242 = arith.constant 0 : i32
      %dma_wait3A_243 = tpu.memref_slice %arg2[%dma_wait3A_241, %dma_wait3A_242] : memref<10000x128xf32, #tpu.memory_space<hbm>> -> memref<10000x128xf32, #tpu.memory_space<hbm>>
      tpu.wait_indirect_dma semaphore(%arg24 : memref<!tpu.dma_semaphore, #tpu.memory_space<semaphore_mem>>) src(%dma_wait3A_243 : memref<10000x128xf32, #tpu.memory_space<hbm>>) dst(%arg19 : memref<40x128xf32, #tpu.memory_space<vmem>>)
      %dma_wait3A_244 = arith.constant 0 : i32
      %dma_wait3A_245 = tpu.memref_slice %arg5[%add3A_237, %dma_wait3A_244] : memref<320000x64xf32, #tpu.memory_space<hbm>> -> memref<40x64xf32, #tpu.memory_space<hbm>>
      %dma_wait3A_246 = arith.constant 0 : i32
      %dma_wait3A_247 = tpu.memref_slice %arg5[%add3A_237, %dma_wait3A_246] : memref<320000x64xf32, #tpu.memory_space<hbm>> -> memref<40x64xf32, #tpu.memory_space<hbm>>
      tpu.wait_dma2 semaphore(%arg24 : memref<!tpu.dma_semaphore, #tpu.memory_space<semaphore_mem>>) src(%dma_wait3A_247 : memref<40x64xf32, #tpu.memory_space<hbm>>) dst(%arg21 : memref<40x64xf32, #tpu.memory_space<vmem>>)
      %scan3A_248 = arith.constant 0 : i32
      %scan3A_249 = arith.constant 0 : i32
      %scan3A_250 = arith.constant 40 : i32
      %scan3A_251 = arith.addi %scan3A_249, %scan3A_250 : i32
      %scan3A_252 = arith.constant 1 : i32
      scf.for %scan3A_581 = %scan3A_249 to %scan3A_251 step %scan3A_252  : i32 {
        %get3A = arith.index_cast %scan3A_581 : i32 to index
        %get3A_582 = arith.constant 0 : index
        %get3A_583 = tpu.vector_load %arg17[%get3A, %get3A_582] {strides = array<i32>} : memref<40x128xf32, #tpu.memory_space<vmem>>, vector<1x16xf32>,
        %get3A_584 = vector.shape_cast %get3A_583 : vector<1x16xf32> to vector<16xf32>
        %get3A_585 = arith.index_cast %scan3A_581 : i32 to index
        %get3A_586 = arith.constant 64 : index
        %get3A_587 = tpu.vector_load %arg17[%get3A_585, %get3A_586] {strides = array<i32>} : memref<40x128xf32, #tpu.memory_space<vmem>>, vector<1x16xf32>,
        %get3A_588 = vector.shape_cast %get3A_587 : vector<1x16xf32> to vector<16xf32>
        %get3A_589 = arith.index_cast %scan3A_581 : i32 to index
        %get3A_590 = arith.constant 0 : index
        %get3A_591 = tpu.vector_load %arg19[%get3A_589, %get3A_590] {strides = array<i32>} : memref<40x128xf32, #tpu.memory_space<vmem>>, vector<1x16xf32>,
        %get3A_592 = vector.shape_cast %get3A_591 : vector<1x16xf32> to vector<16xf32>
        %get3A_593 = arith.index_cast %scan3A_581 : i32 to index
        %get3A_594 = arith.constant 64 : index
        %get3A_595 = tpu.vector_load %arg19[%get3A_593, %get3A_594] {strides = array<i32>} : memref<40x128xf32, #tpu.memory_space<vmem>>, vector<1x16xf32>,
        %get3A_596 = vector.shape_cast %get3A_595 : vector<1x16xf32> to vector<16xf32>
        %add3A_597 = arith.addf %get3A_584, %get3A_596 : vector<16xf32>
        %max3A = arith.constant 0.000000e+00 : f32
        %max3A_598 = vector.broadcast %max3A : f32 to vector<16xf32>
        %max3A_599 = arith.maximumf %add3A_597, %max3A_598 : vector<16xf32>
        %swap3A = arith.index_cast %scan3A_581 : i32 to index
        %swap3A_600 = arith.constant 0 : index
        %swap3A_601 = tpu.vector_load %arg17[%swap3A, %swap3A_600] {strides = array<i32>} : memref<40x128xf32, #tpu.memory_space<vmem>>, vector<1x16xf32>,
        %swap3A_602 = vector.shape_cast %swap3A_601 : vector<1x16xf32> to vector<16xf32>
        %swap3A_603 = vector.shape_cast %max3A_599 : vector<16xf32> to vector<1x16xf32>
        tpu.vector_store %arg17[%swap3A, %swap3A_600], %swap3A_603 {strides = array<i32>} : memref<40x128xf32, #tpu.memory_space<vmem>>, vector<1x16xf32>,
        %add3A_604 = arith.addf %get3A_588, %get3A_592 : vector<16xf32>
        %max3A_605 = arith.constant 0.000000e+00 : f32
        %max3A_606 = vector.broadcast %max3A_605 : f32 to vector<16xf32>
        %max3A_607 = arith.maximumf %add3A_604, %max3A_606 : vector<16xf32>
        %swap3A_608 = arith.index_cast %scan3A_581 : i32 to index
        %swap3A_609 = arith.constant 64 : index
        %swap3A_610 = tpu.vector_load %arg17[%swap3A_608, %swap3A_609] {strides = array<i32>} : memref<40x128xf32, #tpu.memory_space<vmem>>, vector<1x16xf32>,
        %swap3A_611 = vector.shape_cast %swap3A_610 : vector<1x16xf32> to vector<16xf32>
        %swap3A_612 = vector.shape_cast %max3A_607 : vector<16xf32> to vector<1x16xf32>
        tpu.vector_store %arg17[%swap3A_608, %swap3A_609], %swap3A_612 {strides = array<i32>} : memref<40x128xf32, #tpu.memory_space<vmem>>, vector<1x16xf32>,
        %get3A_613 = arith.index_cast %scan3A_581 : i32 to index
        %get3A_614 = arith.constant 16 : index
        %get3A_615 = tpu.vector_load %arg17[%get3A_613, %get3A_614] {strides = array<i32>} : memref<40x128xf32, #tpu.memory_space<vmem>>, vector<1x16xf32>,
        %get3A_616 = vector.shape_cast %get3A_615 : vector<1x16xf32> to vector<16xf32>
        %get3A_617 = arith.index_cast %scan3A_581 : i32 to index
        %get3A_618 = arith.constant 80 : index
        %get3A_619 = tpu.vector_load %arg17[%get3A_617, %get3A_618] {strides = array<i32>} : memref<40x128xf32, #tpu.memory_space<vmem>>, vector<1x16xf32>,
        %get3A_620 = vector.shape_cast %get3A_619 : vector<1x16xf32> to vector<16xf32>
        %get3A_621 = arith.index_cast %scan3A_581 : i32 to index
        %get3A_622 = arith.constant 16 : index
        %get3A_623 = tpu.vector_load %arg19[%get3A_621, %get3A_622] {strides = array<i32>} : memref<40x128xf32, #tpu.memory_space<vmem>>, vector<1x16xf32>,
        %get3A_624 = vector.shape_cast %get3A_623 : vector<1x16xf32> to vector<16xf32>
        %get3A_625 = arith.index_cast %scan3A_581 : i32 to index
        %get3A_626 = arith.constant 80 : index
        %get3A_627 = tpu.vector_load %arg19[%get3A_625, %get3A_626] {strides = array<i32>} : memref<40x128xf32, #tpu.memory_space<vmem>>, vector<1x16xf32>,
        %get3A_628 = vector.shape_cast %get3A_627 : vector<1x16xf32> to vector<16xf32>
        %add3A_629 = arith.addf %get3A_616, %get3A_628 : vector<16xf32>
        %max3A_630 = arith.constant 0.000000e+00 : f32
        %max3A_631 = vector.broadcast %max3A_630 : f32 to vector<16xf32>
        %max3A_632 = arith.maximumf %add3A_629, %max3A_631 : vector<16xf32>
        %swap3A_633 = arith.index_cast %scan3A_581 : i32 to index
        %swap3A_634 = arith.constant 16 : index
        %swap3A_635 = tpu.vector_load %arg17[%swap3A_633, %swap3A_634] {strides = array<i32>} : memref<40x128xf32, #tpu.memory_space<vmem>>, vector<1x16xf32>,
        %swap3A_636 = vector.shape_cast %swap3A_635 : vector<1x16xf32> to vector<16xf32>
        %swap3A_637 = vector.shape_cast %max3A_632 : vector<16xf32> to vector<1x16xf32>
        tpu.vector_store %arg17[%swap3A_633, %swap3A_634], %swap3A_637 {strides = array<i32>} : memref<40x128xf32, #tpu.memory_space<vmem>>, vector<1x16xf32>,
        %add3A_638 = arith.addf %get3A_620, %get3A_624 : vector<16xf32>
        %max3A_639 = arith.constant 0.000000e+00 : f32
        %max3A_640 = vector.broadcast %max3A_639 : f32 to vector<16xf32>
        %max3A_641 = arith.maximumf %add3A_638, %max3A_640 : vector<16xf32>
        %swap3A_642 = arith.index_cast %scan3A_581 : i32 to index
        %swap3A_643 = arith.constant 80 : index
        %swap3A_644 = tpu.vector_load %arg17[%swap3A_642, %swap3A_643] {strides = array<i32>} : memref<40x128xf32, #tpu.memory_space<vmem>>, vector<1x16xf32>,
        %swap3A_645 = vector.shape_cast %swap3A_644 : vector<1x16xf32> to vector<16xf32>
        %swap3A_646 = vector.shape_cast %max3A_641 : vector<16xf32> to vector<1x16xf32>
        tpu.vector_store %arg17[%swap3A_642, %swap3A_643], %swap3A_646 {strides = array<i32>} : memref<40x128xf32, #tpu.memory_space<vmem>>, vector<1x16xf32>,
        %get3A_647 = arith.index_cast %scan3A_581 : i32 to index
        %get3A_648 = arith.constant 32 : index
        %get3A_649 = tpu.vector_load %arg17[%get3A_647, %get3A_648] {strides = array<i32>} : memref<40x128xf32, #tpu.memory_space<vmem>>, vector<1x16xf32>,
        %get3A_650 = vector.shape_cast %get3A_649 : vector<1x16xf32> to vector<16xf32>
        %get3A_651 = arith.index_cast %scan3A_581 : i32 to index
        %get3A_652 = arith.constant 96 : index
        %get3A_653 = tpu.vector_load %arg17[%get3A_651, %get3A_652] {strides = array<i32>} : memref<40x128xf32, #tpu.memory_space<vmem>>, vector<1x16xf32>,
        %get3A_654 = vector.shape_cast %get3A_653 : vector<1x16xf32> to vector<16xf32>
        %get3A_655 = arith.index_cast %scan3A_581 : i32 to index
        %get3A_656 = arith.constant 32 : index
        %get3A_657 = tpu.vector_load %arg19[%get3A_655, %get3A_656] {strides = array<i32>} : memref<40x128xf32, #tpu.memory_space<vmem>>, vector<1x16xf32>,
        %get3A_658 = vector.shape_cast %get3A_657 : vector<1x16xf32> to vector<16xf32>
        %get3A_659 = arith.index_cast %scan3A_581 : i32 to index
        %get3A_660 = arith.constant 96 : index
        %get3A_661 = tpu.vector_load %arg19[%get3A_659, %get3A_660] {strides = array<i32>} : memref<40x128xf32, #tpu.memory_space<vmem>>, vector<1x16xf32>,
        %get3A_662 = vector.shape_cast %get3A_661 : vector<1x16xf32> to vector<16xf32>
        %add3A_663 = arith.addf %get3A_650, %get3A_662 : vector<16xf32>
        %max3A_664 = arith.constant 0.000000e+00 : f32
        %max3A_665 = vector.broadcast %max3A_664 : f32 to vector<16xf32>
        %max3A_666 = arith.maximumf %add3A_663, %max3A_665 : vector<16xf32>
        %swap3A_667 = arith.index_cast %scan3A_581 : i32 to index
        %swap3A_668 = arith.constant 32 : index
        %swap3A_669 = tpu.vector_load %arg17[%swap3A_667, %swap3A_668] {strides = array<i32>} : memref<40x128xf32, #tpu.memory_space<vmem>>, vector<1x16xf32>,
        %swap3A_670 = vector.shape_cast %swap3A_669 : vector<1x16xf32> to vector<16xf32>
        %swap3A_671 = vector.shape_cast %max3A_666 : vector<16xf32> to vector<1x16xf32>
        tpu.vector_store %arg17[%swap3A_667, %swap3A_668], %swap3A_671 {strides = array<i32>} : memref<40x128xf32, #tpu.memory_space<vmem>>, vector<1x16xf32>,
        %add3A_672 = arith.addf %get3A_654, %get3A_658 : vector<16xf32>
        %max3A_673 = arith.constant 0.000000e+00 : f32
        %max3A_674 = vector.broadcast %max3A_673 : f32 to vector<16xf32>
        %max3A_675 = arith.maximumf %add3A_672, %max3A_674 : vector<16xf32>
        %swap3A_676 = arith.index_cast %scan3A_581 : i32 to index
        %swap3A_677 = arith.constant 96 : index
        %swap3A_678 = tpu.vector_load %arg17[%swap3A_676, %swap3A_677] {strides = array<i32>} : memref<40x128xf32, #tpu.memory_space<vmem>>, vector<1x16xf32>,
        %swap3A_679 = vector.shape_cast %swap3A_678 : vector<1x16xf32> to vector<16xf32>
        %swap3A_680 = vector.shape_cast %max3A_675 : vector<16xf32> to vector<1x16xf32>
        tpu.vector_store %arg17[%swap3A_676, %swap3A_677], %swap3A_680 {strides = array<i32>} : memref<40x128xf32, #tpu.memory_space<vmem>>, vector<1x16xf32>,
        %get3A_681 = arith.index_cast %scan3A_581 : i32 to index
        %get3A_682 = arith.constant 48 : index
        %get3A_683 = tpu.vector_load %arg17[%get3A_681, %get3A_682] {strides = array<i32>} : memref<40x128xf32, #tpu.memory_space<vmem>>, vector<1x16xf32>,
        %get3A_684 = vector.shape_cast %get3A_683 : vector<1x16xf32> to vector<16xf32>
        %get3A_685 = arith.index_cast %scan3A_581 : i32 to index
        %get3A_686 = arith.constant 112 : index
        %get3A_687 = tpu.vector_load %arg17[%get3A_685, %get3A_686] {strides = array<i32>} : memref<40x128xf32, #tpu.memory_space<vmem>>, vector<1x16xf32>,
        %get3A_688 = vector.shape_cast %get3A_687 : vector<1x16xf32> to vector<16xf32>
        %get3A_689 = arith.index_cast %scan3A_581 : i32 to index
        %get3A_690 = arith.constant 48 : index
        %get3A_691 = tpu.vector_load %arg19[%get3A_689, %get3A_690] {strides = array<i32>} : memref<40x128xf32, #tpu.memory_space<vmem>>, vector<1x16xf32>,
        %get3A_692 = vector.shape_cast %get3A_691 : vector<1x16xf32> to vector<16xf32>
        %get3A_693 = arith.index_cast %scan3A_581 : i32 to index
        %get3A_694 = arith.constant 112 : index
        %get3A_695 = tpu.vector_load %arg19[%get3A_693, %get3A_694] {strides = array<i32>} : memref<40x128xf32, #tpu.memory_space<vmem>>, vector<1x16xf32>,
        %get3A_696 = vector.shape_cast %get3A_695 : vector<1x16xf32> to vector<16xf32>
        %add3A_697 = arith.addf %get3A_684, %get3A_696 : vector<16xf32>
        %max3A_698 = arith.constant 0.000000e+00 : f32
        %max3A_699 = vector.broadcast %max3A_698 : f32 to vector<16xf32>
        %max3A_700 = arith.maximumf %add3A_697, %max3A_699 : vector<16xf32>
        %swap3A_701 = arith.index_cast %scan3A_581 : i32 to index
        %swap3A_702 = arith.constant 48 : index
        %swap3A_703 = tpu.vector_load %arg17[%swap3A_701, %swap3A_702] {strides = array<i32>} : memref<40x128xf32, #tpu.memory_space<vmem>>, vector<1x16xf32>,
        %swap3A_704 = vector.shape_cast %swap3A_703 : vector<1x16xf32> to vector<16xf32>
        %swap3A_705 = vector.shape_cast %max3A_700 : vector<16xf32> to vector<1x16xf32>
        tpu.vector_store %arg17[%swap3A_701, %swap3A_702], %swap3A_705 {strides = array<i32>} : memref<40x128xf32, #tpu.memory_space<vmem>>, vector<1x16xf32>,
        %add3A_706 = arith.addf %get3A_688, %get3A_692 : vector<16xf32>
        %max3A_707 = arith.constant 0.000000e+00 : f32
        %max3A_708 = vector.broadcast %max3A_707 : f32 to vector<16xf32>
        %max3A_709 = arith.maximumf %add3A_706, %max3A_708 : vector<16xf32>
        %swap3A_710 = arith.index_cast %scan3A_581 : i32 to index
        %swap3A_711 = arith.constant 112 : index
        %swap3A_712 = tpu.vector_load %arg17[%swap3A_710, %swap3A_711] {strides = array<i32>} : memref<40x128xf32, #tpu.memory_space<vmem>>, vector<1x16xf32>,
        %swap3A_713 = vector.shape_cast %swap3A_712 : vector<1x16xf32> to vector<16xf32>
        %swap3A_714 = vector.shape_cast %max3A_709 : vector<16xf32> to vector<1x16xf32>
        tpu.vector_store %arg17[%swap3A_710, %swap3A_711], %swap3A_714 {strides = array<i32>} : memref<40x128xf32, #tpu.memory_space<vmem>>, vector<1x16xf32>,
      }
      %scan3A_253 = arith.constant 40 : i32
      %mul3A_254 = arith.constant 10000 : i32
      %mul3A_255 = arith.muli %add3A, %mul3A_254 : i32
      %mul3A_256 = arith.constant 40 : i32
      %mul3A_257 = arith.muli %add3A_232, %mul3A_256 : i32
      %add3A_258 = arith.addi %mul3A_255, %mul3A_257 : i32
      %dma_start3A_259 = arith.constant 0 : i32
      %dma_start3A_260 = tpu.memref_slice %arg7[%add3A_258, %dma_start3A_259] : memref<320000x128xf32, #tpu.memory_space<hbm>> -> memref<40x128xf32, #tpu.memory_space<hbm>>
      %dma_start3A_261 = arith.constant 0 : i32
      %dma_start3A_262 = tpu.memref_slice %arg7[%add3A_258, %dma_start3A_261] : memref<320000x128xf32, #tpu.memory_space<hbm>> -> memref<40x128xf32, #tpu.memory_space<hbm>>
      tpu.enqueue_dma source(%arg17 : memref<40x128xf32, #tpu.memory_space<vmem>>) target(%dma_start3A_262 : memref<40x128xf32, #tpu.memory_space<hbm>>) target_semaphore(%arg26 : memref<!tpu.dma_semaphore, #tpu.memory_space<semaphore_mem>>)
      "tpu.region"() ({
        %run_scoped3A = tpu.sem_alloc : memref<!tpu.dma_semaphore, #tpu.memory_space<semaphore_mem>>
        %dma_start3A_581 = arith.constant 0 : i32
        %dma_start3A_582 = arith.constant 0 : i32
        %dma_start3A_583 = tpu.memref_slice %arg23[%dma_start3A_581, %dma_start3A_582] : memref<10240x64xf32, #tpu.memory_space<vmem_shared>> -> memref<10240x64xf32, #tpu.memory_space<vmem_shared>>
        tpu.enqueue_indirect_dma source(%arg21 : memref<40x64xf32, #tpu.memory_space<vmem>>) target(%dma_start3A_583 : memref<10240x64xf32, #tpu.memory_space<vmem_shared>>) offsets(%arg13 : memref<40xi32, #tpu.memory_space<vmem>>) semaphore(%run_scoped3A : memref<!tpu.dma_semaphore, #tpu.memory_space<semaphore_mem>>) {add = true}
        %dma_wait3A_584 = arith.constant 0 : i32
        %dma_wait3A_585 = arith.constant 0 : i32
        %dma_wait3A_586 = tpu.memref_slice %arg23[%dma_wait3A_584, %dma_wait3A_585] : memref<10240x64xf32, #tpu.memory_space<vmem_shared>> -> memref<10240x64xf32, #tpu.memory_space<vmem_shared>>
        tpu.wait_indirect_dma semaphore(%run_scoped3A : memref<!tpu.dma_semaphore, #tpu.memory_space<semaphore_mem>>) src(%arg21 : memref<40x64xf32, #tpu.memory_space<vmem>>) dst(%dma_wait3A_586 : memref<10240x64xf32, #tpu.memory_space<vmem_shared>>)
        tpu.yield
      }) : () -> ()
      %mul3A_263 = arith.constant 10000 : i32
      %mul3A_264 = arith.muli %add3A, %mul3A_263 : i32
      %mul3A_265 = arith.constant 40 : i32
      %mul3A_266 = arith.muli %add3A_232, %mul3A_265 : i32
      %add3A_267 = arith.addi %mul3A_264, %mul3A_266 : i32
      %dma_wait3A_268 = arith.constant 0 : i32
      %dma_wait3A_269 = tpu.memref_slice %arg7[%add3A_267, %dma_wait3A_268] : memref<320000x128xf32, #tpu.memory_space<hbm>> -> memref<40x128xf32, #tpu.memory_space<hbm>>
      %dma_wait3A_270 = arith.constant 0 : i32
      %dma_wait3A_271 = tpu.memref_slice %arg7[%add3A_267, %dma_wait3A_270] : memref<320000x128xf32, #tpu.memory_space<hbm>> -> memref<40x128xf32, #tpu.memory_space<hbm>>
      tpu.wait_dma2 semaphore(%arg26 : memref<!tpu.dma_semaphore, #tpu.memory_space<semaphore_mem>>) src(%arg17 : memref<40x128xf32, #tpu.memory_space<vmem>>) dst(%dma_wait3A_271 : memref<40x128xf32, #tpu.memory_space<hbm>>)
      %add3A_272 = arith.constant 2 : i32
      %add3A_273 = arith.addi %add3A_232, %add3A_272 : i32
      %dma_wait3A_274 = arith.constant 0 : i32
      %dma_wait3A_275 = tpu.memref_slice %arg3[%add3A, %add3A_273, %dma_wait3A_274] : memref<32x250x40xi32, #tpu.memory_space<hbm>> -> memref<1x1x40xi32, #tpu.memory_space<hbm>>
      %dma_wait3A_276 = tpu.memref_squeeze %dma_wait3A_275 : memref<1x1x40xi32, #tpu.memory_space<hbm>> -> memref<40xi32, #tpu.memory_space<hbm>>
      %dma_wait3A_277 = arith.constant 0 : i32
      %dma_wait3A_278 = tpu.memref_slice %arg3[%add3A, %add3A_273, %dma_wait3A_277] : memref<32x250x40xi32, #tpu.memory_space<hbm>> -> memref<1x1x40xi32, #tpu.memory_space<hbm>>
      %dma_wait3A_279 = tpu.memref_squeeze %dma_wait3A_278 : memref<1x1x40xi32, #tpu.memory_space<hbm>> -> memref<40xi32, #tpu.memory_space<hbm>>
      tpu.wait_dma2 semaphore(%arg30 : memref<!tpu.dma_semaphore, #tpu.memory_space<semaphore_mem>>) src(%dma_wait3A_279 : memref<40xi32, #tpu.memory_space<hbm>>) dst(%arg11 : memref<40xi32, #tpu.memory_space<vmem>>)
      %dma_wait3A_280 = arith.constant 0 : i32
      %dma_wait3A_281 = tpu.memref_slice %arg4[%add3A, %add3A_273, %dma_wait3A_280] : memref<32x250x40xi32, #tpu.memory_space<hbm>> -> memref<1x1x40xi32, #tpu.memory_space<hbm>>
      %dma_wait3A_282 = tpu.memref_squeeze %dma_wait3A_281 : memref<1x1x40xi32, #tpu.memory_space<hbm>> -> memref<40xi32, #tpu.memory_space<hbm>>
      %dma_wait3A_283 = arith.constant 0 : i32
      %dma_wait3A_284 = tpu.memref_slice %arg4[%add3A, %add3A_273, %dma_wait3A_283] : memref<32x250x40xi32, #tpu.memory_space<hbm>> -> memref<1x1x40xi32, #tpu.memory_space<hbm>>
      %dma_wait3A_285 = tpu.memref_squeeze %dma_wait3A_284 : memref<1x1x40xi32, #tpu.memory_space<hbm>> -> memref<40xi32, #tpu.memory_space<hbm>>
      tpu.wait_dma2 semaphore(%arg30 : memref<!tpu.dma_semaphore, #tpu.memory_space<semaphore_mem>>) src(%dma_wait3A_285 : memref<40xi32, #tpu.memory_space<hbm>>) dst(%arg15 : memref<40xi32, #tpu.memory_space<vmem>>)
      %add3A_286 = arith.constant 2 : i32
      %add3A_287 = arith.addi %add3A_232, %add3A_286 : i32
      %mul3A_288 = arith.constant 10000 : i32
      %mul3A_289 = arith.muli %add3A, %mul3A_288 : i32
      %mul3A_290 = arith.constant 40 : i32
      %mul3A_291 = arith.muli %add3A_287, %mul3A_290 : i32
      %add3A_292 = arith.addi %mul3A_289, %mul3A_291 : i32
      %dma_start3A_293 = arith.constant 0 : i32
      %dma_start3A_294 = arith.constant 0 : i32
      %dma_start3A_295 = tpu.memref_slice %arg2[%dma_start3A_293, %dma_start3A_294] : memref<10000x128xf32, #tpu.memory_space<hbm>> -> memref<10000x128xf32, #tpu.memory_space<hbm>>
      tpu.enqueue_indirect_dma source(%dma_start3A_295 : memref<10000x128xf32, #tpu.memory_space<hbm>>) target(%arg17 : memref<40x128xf32, #tpu.memory_space<vmem>>) offsets(%arg11 : memref<40xi32, #tpu.memory_space<vmem>>) semaphore(%arg24 : memref<!tpu.dma_semaphore, #tpu.memory_space<semaphore_mem>>)
      %dma_start3A_296 = arith.constant 0 : i32
      %dma_start3A_297 = arith.constant 0 : i32
      %dma_start3A_298 = tpu.memref_slice %arg2[%dma_start3A_296, %dma_start3A_297] : memref<10000x128xf32, #tpu.memory_space<hbm>> -> memref<10000x128xf32, #tpu.memory_space<hbm>>
      tpu.enqueue_indirect_dma source(%dma_start3A_298 : memref<10000x128xf32, #tpu.memory_space<hbm>>) target(%arg19 : memref<40x128xf32, #tpu.memory_space<vmem>>) offsets(%arg15 : memref<40xi32, #tpu.memory_space<vmem>>) semaphore(%arg24 : memref<!tpu.dma_semaphore, #tpu.memory_space<semaphore_mem>>)
      %dma_start3A_299 = arith.constant 0 : i32
      %dma_start3A_300 = tpu.memref_slice %arg5[%add3A_292, %dma_start3A_299] : memref<320000x64xf32, #tpu.memory_space<hbm>> -> memref<40x64xf32, #tpu.memory_space<hbm>>
      %dma_start3A_301 = arith.constant 0 : i32
      %dma_start3A_302 = tpu.memref_slice %arg5[%add3A_292, %dma_start3A_301] : memref<320000x64xf32, #tpu.memory_space<hbm>> -> memref<40x64xf32, #tpu.memory_space<hbm>>
      tpu.enqueue_dma source(%dma_start3A_302 : memref<40x64xf32, #tpu.memory_space<hbm>>) target(%arg21 : memref<40x64xf32, #tpu.memory_space<vmem>>) target_semaphore(%arg24 : memref<!tpu.dma_semaphore, #tpu.memory_space<semaphore_mem>>)
      %add3A_303 = arith.constant 4 : i32
      %add3A_304 = arith.addi %add3A_232, %add3A_303 : i32
      %dma_start3A_305 = arith.constant 0 : i32
      %dma_start3A_306 = tpu.memref_slice %arg3[%add3A, %add3A_304, %dma_start3A_305] : memref<32x250x40xi32, #tpu.memory_space<hbm>> -> memref<1x1x40xi32, #tpu.memory_space<hbm>>
      %dma_start3A_307 = tpu.memref_squeeze %dma_start3A_306 : memref<1x1x40xi32, #tpu.memory_space<hbm>> -> memref<40xi32, #tpu.memory_space<hbm>>
      %dma_start3A_308 = arith.constant 0 : i32
      %dma_start3A_309 = tpu.memref_slice %arg3[%add3A, %add3A_304, %dma_start3A_308] : memref<32x250x40xi32, #tpu.memory_space<hbm>> -> memref<1x1x40xi32, #tpu.memory_space<hbm>>
      %dma_start3A_310 = tpu.memref_squeeze %dma_start3A_309 : memref<1x1x40xi32, #tpu.memory_space<hbm>> -> memref<40xi32, #tpu.memory_space<hbm>>
      tpu.enqueue_dma source(%dma_start3A_310 : memref<40xi32, #tpu.memory_space<hbm>>) target(%arg9 : memref<40xi32, #tpu.memory_space<vmem>>) target_semaphore(%arg28 : memref<!tpu.dma_semaphore, #tpu.memory_space<semaphore_mem>>)
      %dma_start3A_311 = arith.constant 0 : i32
      %dma_start3A_312 = tpu.memref_slice %arg4[%add3A, %add3A_304, %dma_start3A_311] : memref<32x250x40xi32, #tpu.memory_space<hbm>> -> memref<1x1x40xi32, #tpu.memory_space<hbm>>
      %dma_start3A_313 = tpu.memref_squeeze %dma_start3A_312 : memref<1x1x40xi32, #tpu.memory_space<hbm>> -> memref<40xi32, #tpu.memory_space<hbm>>
      %dma_start3A_314 = arith.constant 0 : i32
      %dma_start3A_315 = tpu.memref_slice %arg4[%add3A, %add3A_304, %dma_start3A_314] : memref<32x250x40xi32, #tpu.memory_space<hbm>> -> memref<1x1x40xi32, #tpu.memory_space<hbm>>
      %dma_start3A_316 = tpu.memref_squeeze %dma_start3A_315 : memref<1x1x40xi32, #tpu.memory_space<hbm>> -> memref<40xi32, #tpu.memory_space<hbm>>
      tpu.enqueue_dma source(%dma_start3A_316 : memref<40xi32, #tpu.memory_space<hbm>>) target(%arg13 : memref<40xi32, #tpu.memory_space<vmem>>) target_semaphore(%arg28 : memref<!tpu.dma_semaphore, #tpu.memory_space<semaphore_mem>>)
      %mul3A_317 = arith.constant 4 : i32
      %mul3A_318 = arith.muli %mul3A_317, %scan3A_228 : i32
      %add3A_319 = arith.constant 1 : i32
      %add3A_320 = arith.addi %mul3A_318, %add3A_319 : i32
      %mul3A_321 = arith.constant 10000 : i32
      %mul3A_322 = arith.muli %add3A, %mul3A_321 : i32
      %mul3A_323 = arith.constant 40 : i32
      %mul3A_324 = arith.muli %add3A_320, %mul3A_323 : i32
      %add3A_325 = arith.addi %mul3A_322, %mul3A_324 : i32
      %dma_wait3A_326 = arith.constant 0 : i32
      %dma_wait3A_327 = arith.constant 0 : i32
      %dma_wait3A_328 = tpu.memref_slice %arg2[%dma_wait3A_326, %dma_wait3A_327] : memref<10000x128xf32, #tpu.memory_space<hbm>> -> memref<10000x128xf32, #tpu.memory_space<hbm>>
      tpu.wait_indirect_dma semaphore(%arg25 : memref<!tpu.dma_semaphore, #tpu.memory_space<semaphore_mem>>) src(%dma_wait3A_328 : memref<10000x128xf32, #tpu.memory_space<hbm>>) dst(%arg18 : memref<40x128xf32, #tpu.memory_space<vmem>>)
      %dma_wait3A_329 = arith.constant 0 : i32
      %dma_wait3A_330 = arith.constant 0 : i32
      %dma_wait3A_331 = tpu.memref_slice %arg2[%dma_wait3A_329, %dma_wait3A_330] : memref<10000x128xf32, #tpu.memory_space<hbm>> -> memref<10000x128xf32, #tpu.memory_space<hbm>>
      tpu.wait_indirect_dma semaphore(%arg25 : memref<!tpu.dma_semaphore, #tpu.memory_space<semaphore_mem>>) src(%dma_wait3A_331 : memref<10000x128xf32, #tpu.memory_space<hbm>>) dst(%arg20 : memref<40x128xf32, #tpu.memory_space<vmem>>)
      %dma_wait3A_332 = arith.constant 0 : i32
      %dma_wait3A_333 = tpu.memref_slice %arg5[%add3A_325, %dma_wait3A_332] : memref<320000x64xf32, #tpu.memory_space<hbm>> -> memref<40x64xf32, #tpu.memory_space<hbm>>
      %dma_wait3A_334 = arith.constant 0 : i32
      %dma_wait3A_335 = tpu.memref_slice %arg5[%add3A_325, %dma_wait3A_334] : memref<320000x64xf32, #tpu.memory_space<hbm>> -> memref<40x64xf32, #tpu.memory_space<hbm>>
      tpu.wait_dma2 semaphore(%arg25 : memref<!tpu.dma_semaphore, #tpu.memory_space<semaphore_mem>>) src(%dma_wait3A_335 : memref<40x64xf32, #tpu.memory_space<hbm>>) dst(%arg22 : memref<40x64xf32, #tpu.memory_space<vmem>>)
      %scan3A_336 = arith.constant 0 : i32
      %scan3A_337 = arith.constant 0 : i32
      %scan3A_338 = arith.constant 40 : i32
      %scan3A_339 = arith.addi %scan3A_337, %scan3A_338 : i32
      %scan3A_340 = arith.constant 1 : i32
      scf.for %scan3A_581 = %scan3A_337 to %scan3A_339 step %scan3A_340  : i32 {
        %get3A = arith.index_cast %scan3A_581 : i32 to index
        %get3A_582 = arith.constant 0 : index
        %get3A_583 = tpu.vector_load %arg18[%get3A, %get3A_582] {strides = array<i32>} : memref<40x128xf32, #tpu.memory_space<vmem>>, vector<1x16xf32>,
        %get3A_584 = vector.shape_cast %get3A_583 : vector<1x16xf32> to vector<16xf32>
        %get3A_585 = arith.index_cast %scan3A_581 : i32 to index
        %get3A_586 = arith.constant 64 : index
        %get3A_587 = tpu.vector_load %arg18[%get3A_585, %get3A_586] {strides = array<i32>} : memref<40x128xf32, #tpu.memory_space<vmem>>, vector<1x16xf32>,
        %get3A_588 = vector.shape_cast %get3A_587 : vector<1x16xf32> to vector<16xf32>
        %get3A_589 = arith.index_cast %scan3A_581 : i32 to index
        %get3A_590 = arith.constant 0 : index
        %get3A_591 = tpu.vector_load %arg20[%get3A_589, %get3A_590] {strides = array<i32>} : memref<40x128xf32, #tpu.memory_space<vmem>>, vector<1x16xf32>,
        %get3A_592 = vector.shape_cast %get3A_591 : vector<1x16xf32> to vector<16xf32>
        %get3A_593 = arith.index_cast %scan3A_581 : i32 to index
        %get3A_594 = arith.constant 64 : index
        %get3A_595 = tpu.vector_load %arg20[%get3A_593, %get3A_594] {strides = array<i32>} : memref<40x128xf32, #tpu.memory_space<vmem>>, vector<1x16xf32>,
        %get3A_596 = vector.shape_cast %get3A_595 : vector<1x16xf32> to vector<16xf32>
        %add3A_597 = arith.addf %get3A_584, %get3A_596 : vector<16xf32>
        %max3A = arith.constant 0.000000e+00 : f32
        %max3A_598 = vector.broadcast %max3A : f32 to vector<16xf32>
        %max3A_599 = arith.maximumf %add3A_597, %max3A_598 : vector<16xf32>
        %swap3A = arith.index_cast %scan3A_581 : i32 to index
        %swap3A_600 = arith.constant 0 : index
        %swap3A_601 = tpu.vector_load %arg18[%swap3A, %swap3A_600] {strides = array<i32>} : memref<40x128xf32, #tpu.memory_space<vmem>>, vector<1x16xf32>,
        %swap3A_602 = vector.shape_cast %swap3A_601 : vector<1x16xf32> to vector<16xf32>
        %swap3A_603 = vector.shape_cast %max3A_599 : vector<16xf32> to vector<1x16xf32>
        tpu.vector_store %arg18[%swap3A, %swap3A_600], %swap3A_603 {strides = array<i32>} : memref<40x128xf32, #tpu.memory_space<vmem>>, vector<1x16xf32>,
        %add3A_604 = arith.addf %get3A_588, %get3A_592 : vector<16xf32>
        %max3A_605 = arith.constant 0.000000e+00 : f32
        %max3A_606 = vector.broadcast %max3A_605 : f32 to vector<16xf32>
        %max3A_607 = arith.maximumf %add3A_604, %max3A_606 : vector<16xf32>
        %swap3A_608 = arith.index_cast %scan3A_581 : i32 to index
        %swap3A_609 = arith.constant 64 : index
        %swap3A_610 = tpu.vector_load %arg18[%swap3A_608, %swap3A_609] {strides = array<i32>} : memref<40x128xf32, #tpu.memory_space<vmem>>, vector<1x16xf32>,
        %swap3A_611 = vector.shape_cast %swap3A_610 : vector<1x16xf32> to vector<16xf32>
        %swap3A_612 = vector.shape_cast %max3A_607 : vector<16xf32> to vector<1x16xf32>
        tpu.vector_store %arg18[%swap3A_608, %swap3A_609], %swap3A_612 {strides = array<i32>} : memref<40x128xf32, #tpu.memory_space<vmem>>, vector<1x16xf32>,
        %get3A_613 = arith.index_cast %scan3A_581 : i32 to index
        %get3A_614 = arith.constant 16 : index
        %get3A_615 = tpu.vector_load %arg18[%get3A_613, %get3A_614] {strides = array<i32>} : memref<40x128xf32, #tpu.memory_space<vmem>>, vector<1x16xf32>,
        %get3A_616 = vector.shape_cast %get3A_615 : vector<1x16xf32> to vector<16xf32>
        %get3A_617 = arith.index_cast %scan3A_581 : i32 to index
        %get3A_618 = arith.constant 80 : index
        %get3A_619 = tpu.vector_load %arg18[%get3A_617, %get3A_618] {strides = array<i32>} : memref<40x128xf32, #tpu.memory_space<vmem>>, vector<1x16xf32>,
        %get3A_620 = vector.shape_cast %get3A_619 : vector<1x16xf32> to vector<16xf32>
        %get3A_621 = arith.index_cast %scan3A_581 : i32 to index
        %get3A_622 = arith.constant 16 : index
        %get3A_623 = tpu.vector_load %arg20[%get3A_621, %get3A_622] {strides = array<i32>} : memref<40x128xf32, #tpu.memory_space<vmem>>, vector<1x16xf32>,
        %get3A_624 = vector.shape_cast %get3A_623 : vector<1x16xf32> to vector<16xf32>
        %get3A_625 = arith.index_cast %scan3A_581 : i32 to index
        %get3A_626 = arith.constant 80 : index
        %get3A_627 = tpu.vector_load %arg20[%get3A_625, %get3A_626] {strides = array<i32>} : memref<40x128xf32, #tpu.memory_space<vmem>>, vector<1x16xf32>,
        %get3A_628 = vector.shape_cast %get3A_627 : vector<1x16xf32> to vector<16xf32>
        %add3A_629 = arith.addf %get3A_616, %get3A_628 : vector<16xf32>
        %max3A_630 = arith.constant 0.000000e+00 : f32
        %max3A_631 = vector.broadcast %max3A_630 : f32 to vector<16xf32>
        %max3A_632 = arith.maximumf %add3A_629, %max3A_631 : vector<16xf32>
        %swap3A_633 = arith.index_cast %scan3A_581 : i32 to index
        %swap3A_634 = arith.constant 16 : index
        %swap3A_635 = tpu.vector_load %arg18[%swap3A_633, %swap3A_634] {strides = array<i32>} : memref<40x128xf32, #tpu.memory_space<vmem>>, vector<1x16xf32>,
        %swap3A_636 = vector.shape_cast %swap3A_635 : vector<1x16xf32> to vector<16xf32>
        %swap3A_637 = vector.shape_cast %max3A_632 : vector<16xf32> to vector<1x16xf32>
        tpu.vector_store %arg18[%swap3A_633, %swap3A_634], %swap3A_637 {strides = array<i32>} : memref<40x128xf32, #tpu.memory_space<vmem>>, vector<1x16xf32>,
        %add3A_638 = arith.addf %get3A_620, %get3A_624 : vector<16xf32>
        %max3A_639 = arith.constant 0.000000e+00 : f32
        %max3A_640 = vector.broadcast %max3A_639 : f32 to vector<16xf32>
        %max3A_641 = arith.maximumf %add3A_638, %max3A_640 : vector<16xf32>
        %swap3A_642 = arith.index_cast %scan3A_581 : i32 to index
        %swap3A_643 = arith.constant 80 : index
        %swap3A_644 = tpu.vector_load %arg18[%swap3A_642, %swap3A_643] {strides = array<i32>} : memref<40x128xf32, #tpu.memory_space<vmem>>, vector<1x16xf32>,
        %swap3A_645 = vector.shape_cast %swap3A_644 : vector<1x16xf32> to vector<16xf32>
        %swap3A_646 = vector.shape_cast %max3A_641 : vector<16xf32> to vector<1x16xf32>
        tpu.vector_store %arg18[%swap3A_642, %swap3A_643], %swap3A_646 {strides = array<i32>} : memref<40x128xf32, #tpu.memory_space<vmem>>, vector<1x16xf32>,
        %get3A_647 = arith.index_cast %scan3A_581 : i32 to index
        %get3A_648 = arith.constant 32 : index
        %get3A_649 = tpu.vector_load %arg18[%get3A_647, %get3A_648] {strides = array<i32>} : memref<40x128xf32, #tpu.memory_space<vmem>>, vector<1x16xf32>,
        %get3A_650 = vector.shape_cast %get3A_649 : vector<1x16xf32> to vector<16xf32>
        %get3A_651 = arith.index_cast %scan3A_581 : i32 to index
        %get3A_652 = arith.constant 96 : index
        %get3A_653 = tpu.vector_load %arg18[%get3A_651, %get3A_652] {strides = array<i32>} : memref<40x128xf32, #tpu.memory_space<vmem>>, vector<1x16xf32>,
        %get3A_654 = vector.shape_cast %get3A_653 : vector<1x16xf32> to vector<16xf32>
        %get3A_655 = arith.index_cast %scan3A_581 : i32 to index
        %get3A_656 = arith.constant 32 : index
        %get3A_657 = tpu.vector_load %arg20[%get3A_655, %get3A_656] {strides = array<i32>} : memref<40x128xf32, #tpu.memory_space<vmem>>, vector<1x16xf32>,
        %get3A_658 = vector.shape_cast %get3A_657 : vector<1x16xf32> to vector<16xf32>
        %get3A_659 = arith.index_cast %scan3A_581 : i32 to index
        %get3A_660 = arith.constant 96 : index
        %get3A_661 = tpu.vector_load %arg20[%get3A_659, %get3A_660] {strides = array<i32>} : memref<40x128xf32, #tpu.memory_space<vmem>>, vector<1x16xf32>,
        %get3A_662 = vector.shape_cast %get3A_661 : vector<1x16xf32> to vector<16xf32>
        %add3A_663 = arith.addf %get3A_650, %get3A_662 : vector<16xf32>
        %max3A_664 = arith.constant 0.000000e+00 : f32
        %max3A_665 = vector.broadcast %max3A_664 : f32 to vector<16xf32>
        %max3A_666 = arith.maximumf %add3A_663, %max3A_665 : vector<16xf32>
        %swap3A_667 = arith.index_cast %scan3A_581 : i32 to index
        %swap3A_668 = arith.constant 32 : index
        %swap3A_669 = tpu.vector_load %arg18[%swap3A_667, %swap3A_668] {strides = array<i32>} : memref<40x128xf32, #tpu.memory_space<vmem>>, vector<1x16xf32>,
        %swap3A_670 = vector.shape_cast %swap3A_669 : vector<1x16xf32> to vector<16xf32>
        %swap3A_671 = vector.shape_cast %max3A_666 : vector<16xf32> to vector<1x16xf32>
        tpu.vector_store %arg18[%swap3A_667, %swap3A_668], %swap3A_671 {strides = array<i32>} : memref<40x128xf32, #tpu.memory_space<vmem>>, vector<1x16xf32>,
        %add3A_672 = arith.addf %get3A_654, %get3A_658 : vector<16xf32>
        %max3A_673 = arith.constant 0.000000e+00 : f32
        %max3A_674 = vector.broadcast %max3A_673 : f32 to vector<16xf32>
        %max3A_675 = arith.maximumf %add3A_672, %max3A_674 : vector<16xf32>
        %swap3A_676 = arith.index_cast %scan3A_581 : i32 to index
        %swap3A_677 = arith.constant 96 : index
        %swap3A_678 = tpu.vector_load %arg18[%swap3A_676, %swap3A_677] {strides = array<i32>} : memref<40x128xf32, #tpu.memory_space<vmem>>, vector<1x16xf32>,
        %swap3A_679 = vector.shape_cast %swap3A_678 : vector<1x16xf32> to vector<16xf32>
        %swap3A_680 = vector.shape_cast %max3A_675 : vector<16xf32> to vector<1x16xf32>
        tpu.vector_store %arg18[%swap3A_676, %swap3A_677], %swap3A_680 {strides = array<i32>} : memref<40x128xf32, #tpu.memory_space<vmem>>, vector<1x16xf32>,
        %get3A_681 = arith.index_cast %scan3A_581 : i32 to index
        %get3A_682 = arith.constant 48 : index
        %get3A_683 = tpu.vector_load %arg18[%get3A_681, %get3A_682] {strides = array<i32>} : memref<40x128xf32, #tpu.memory_space<vmem>>, vector<1x16xf32>,
        %get3A_684 = vector.shape_cast %get3A_683 : vector<1x16xf32> to vector<16xf32>
        %get3A_685 = arith.index_cast %scan3A_581 : i32 to index
        %get3A_686 = arith.constant 112 : index
        %get3A_687 = tpu.vector_load %arg18[%get3A_685, %get3A_686] {strides = array<i32>} : memref<40x128xf32, #tpu.memory_space<vmem>>, vector<1x16xf32>,
        %get3A_688 = vector.shape_cast %get3A_687 : vector<1x16xf32> to vector<16xf32>
        %get3A_689 = arith.index_cast %scan3A_581 : i32 to index
        %get3A_690 = arith.constant 48 : index
        %get3A_691 = tpu.vector_load %arg20[%get3A_689, %get3A_690] {strides = array<i32>} : memref<40x128xf32, #tpu.memory_space<vmem>>, vector<1x16xf32>,
        %get3A_692 = vector.shape_cast %get3A_691 : vector<1x16xf32> to vector<16xf32>
        %get3A_693 = arith.index_cast %scan3A_581 : i32 to index
        %get3A_694 = arith.constant 112 : index
        %get3A_695 = tpu.vector_load %arg20[%get3A_693, %get3A_694] {strides = array<i32>} : memref<40x128xf32, #tpu.memory_space<vmem>>, vector<1x16xf32>,
        %get3A_696 = vector.shape_cast %get3A_695 : vector<1x16xf32> to vector<16xf32>
        %add3A_697 = arith.addf %get3A_684, %get3A_696 : vector<16xf32>
        %max3A_698 = arith.constant 0.000000e+00 : f32
        %max3A_699 = vector.broadcast %max3A_698 : f32 to vector<16xf32>
        %max3A_700 = arith.maximumf %add3A_697, %max3A_699 : vector<16xf32>
        %swap3A_701 = arith.index_cast %scan3A_581 : i32 to index
        %swap3A_702 = arith.constant 48 : index
        %swap3A_703 = tpu.vector_load %arg18[%swap3A_701, %swap3A_702] {strides = array<i32>} : memref<40x128xf32, #tpu.memory_space<vmem>>, vector<1x16xf32>,
        %swap3A_704 = vector.shape_cast %swap3A_703 : vector<1x16xf32> to vector<16xf32>
        %swap3A_705 = vector.shape_cast %max3A_700 : vector<16xf32> to vector<1x16xf32>
        tpu.vector_store %arg18[%swap3A_701, %swap3A_702], %swap3A_705 {strides = array<i32>} : memref<40x128xf32, #tpu.memory_space<vmem>>, vector<1x16xf32>,
        %add3A_706 = arith.addf %get3A_688, %get3A_692 : vector<16xf32>
        %max3A_707 = arith.constant 0.000000e+00 : f32
        %max3A_708 = vector.broadcast %max3A_707 : f32 to vector<16xf32>
        %max3A_709 = arith.maximumf %add3A_706, %max3A_708 : vector<16xf32>
        %swap3A_710 = arith.index_cast %scan3A_581 : i32 to index
        %swap3A_711 = arith.constant 112 : index
        %swap3A_712 = tpu.vector_load %arg18[%swap3A_710, %swap3A_711] {strides = array<i32>} : memref<40x128xf32, #tpu.memory_space<vmem>>, vector<1x16xf32>,
        %swap3A_713 = vector.shape_cast %swap3A_712 : vector<1x16xf32> to vector<16xf32>
        %swap3A_714 = vector.shape_cast %max3A_709 : vector<16xf32> to vector<1x16xf32>
        tpu.vector_store %arg18[%swap3A_710, %swap3A_711], %swap3A_714 {strides = array<i32>} : memref<40x128xf32, #tpu.memory_space<vmem>>, vector<1x16xf32>,
      }
      %scan3A_341 = arith.constant 40 : i32
      %mul3A_342 = arith.constant 10000 : i32
      %mul3A_343 = arith.muli %add3A, %mul3A_342 : i32
      %mul3A_344 = arith.constant 40 : i32
      %mul3A_345 = arith.muli %add3A_320, %mul3A_344 : i32
      %add3A_346 = arith.addi %mul3A_343, %mul3A_345 : i32
      %dma_start3A_347 = arith.constant 0 : i32
      %dma_start3A_348 = tpu.memref_slice %arg7[%add3A_346, %dma_start3A_347] : memref<320000x128xf32, #tpu.memory_space<hbm>> -> memref<40x128xf32, #tpu.memory_space<hbm>>
      %dma_start3A_349 = arith.constant 0 : i32
      %dma_start3A_350 = tpu.memref_slice %arg7[%add3A_346, %dma_start3A_349] : memref<320000x128xf32, #tpu.memory_space<hbm>> -> memref<40x128xf32, #tpu.memory_space<hbm>>
      tpu.enqueue_dma source(%arg18 : memref<40x128xf32, #tpu.memory_space<vmem>>) target(%dma_start3A_350 : memref<40x128xf32, #tpu.memory_space<hbm>>) target_semaphore(%arg27 : memref<!tpu.dma_semaphore, #tpu.memory_space<semaphore_mem>>)
      "tpu.region"() ({
        %run_scoped3A = tpu.sem_alloc : memref<!tpu.dma_semaphore, #tpu.memory_space<semaphore_mem>>
        %dma_start3A_581 = arith.constant 0 : i32
        %dma_start3A_582 = arith.constant 0 : i32
        %dma_start3A_583 = tpu.memref_slice %arg23[%dma_start3A_581, %dma_start3A_582] : memref<10240x64xf32, #tpu.memory_space<vmem_shared>> -> memref<10240x64xf32, #tpu.memory_space<vmem_shared>>
        tpu.enqueue_indirect_dma source(%arg22 : memref<40x64xf32, #tpu.memory_space<vmem>>) target(%dma_start3A_583 : memref<10240x64xf32, #tpu.memory_space<vmem_shared>>) offsets(%arg14 : memref<40xi32, #tpu.memory_space<vmem>>) semaphore(%run_scoped3A : memref<!tpu.dma_semaphore, #tpu.memory_space<semaphore_mem>>) {add = true}
        %dma_wait3A_584 = arith.constant 0 : i32
        %dma_wait3A_585 = arith.constant 0 : i32
        %dma_wait3A_586 = tpu.memref_slice %arg23[%dma_wait3A_584, %dma_wait3A_585] : memref<10240x64xf32, #tpu.memory_space<vmem_shared>> -> memref<10240x64xf32, #tpu.memory_space<vmem_shared>>
        tpu.wait_indirect_dma semaphore(%run_scoped3A : memref<!tpu.dma_semaphore, #tpu.memory_space<semaphore_mem>>) src(%arg22 : memref<40x64xf32, #tpu.memory_space<vmem>>) dst(%dma_wait3A_586 : memref<10240x64xf32, #tpu.memory_space<vmem_shared>>)
        tpu.yield
      }) : () -> ()
      %mul3A_351 = arith.constant 10000 : i32
      %mul3A_352 = arith.muli %add3A, %mul3A_351 : i32
      %mul3A_353 = arith.constant 40 : i32
      %mul3A_354 = arith.muli %add3A_320, %mul3A_353 : i32
      %add3A_355 = arith.addi %mul3A_352, %mul3A_354 : i32
      %dma_wait3A_356 = arith.constant 0 : i32
      %dma_wait3A_357 = tpu.memref_slice %arg7[%add3A_355, %dma_wait3A_356] : memref<320000x128xf32, #tpu.memory_space<hbm>> -> memref<40x128xf32, #tpu.memory_space<hbm>>
      %dma_wait3A_358 = arith.constant 0 : i32
      %dma_wait3A_359 = tpu.memref_slice %arg7[%add3A_355, %dma_wait3A_358] : memref<320000x128xf32, #tpu.memory_space<hbm>> -> memref<40x128xf32, #tpu.memory_space<hbm>>
      tpu.wait_dma2 semaphore(%arg27 : memref<!tpu.dma_semaphore, #tpu.memory_space<semaphore_mem>>) src(%arg18 : memref<40x128xf32, #tpu.memory_space<vmem>>) dst(%dma_wait3A_359 : memref<40x128xf32, #tpu.memory_space<hbm>>)
      %add3A_360 = arith.constant 2 : i32
      %add3A_361 = arith.addi %add3A_320, %add3A_360 : i32
      %dma_wait3A_362 = arith.constant 0 : i32
      %dma_wait3A_363 = tpu.memref_slice %arg3[%add3A, %add3A_361, %dma_wait3A_362] : memref<32x250x40xi32, #tpu.memory_space<hbm>> -> memref<1x1x40xi32, #tpu.memory_space<hbm>>
      %dma_wait3A_364 = tpu.memref_squeeze %dma_wait3A_363 : memref<1x1x40xi32, #tpu.memory_space<hbm>> -> memref<40xi32, #tpu.memory_space<hbm>>
      %dma_wait3A_365 = arith.constant 0 : i32
      %dma_wait3A_366 = tpu.memref_slice %arg3[%add3A, %add3A_361, %dma_wait3A_365] : memref<32x250x40xi32, #tpu.memory_space<hbm>> -> memref<1x1x40xi32, #tpu.memory_space<hbm>>
      %dma_wait3A_367 = tpu.memref_squeeze %dma_wait3A_366 : memref<1x1x40xi32, #tpu.memory_space<hbm>> -> memref<40xi32, #tpu.memory_space<hbm>>
      tpu.wait_dma2 semaphore(%arg31 : memref<!tpu.dma_semaphore, #tpu.memory_space<semaphore_mem>>) src(%dma_wait3A_367 : memref<40xi32, #tpu.memory_space<hbm>>) dst(%arg12 : memref<40xi32, #tpu.memory_space<vmem>>)
      %dma_wait3A_368 = arith.constant 0 : i32
      %dma_wait3A_369 = tpu.memref_slice %arg4[%add3A, %add3A_361, %dma_wait3A_368] : memref<32x250x40xi32, #tpu.memory_space<hbm>> -> memref<1x1x40xi32, #tpu.memory_space<hbm>>
      %dma_wait3A_370 = tpu.memref_squeeze %dma_wait3A_369 : memref<1x1x40xi32, #tpu.memory_space<hbm>> -> memref<40xi32, #tpu.memory_space<hbm>>
      %dma_wait3A_371 = arith.constant 0 : i32
      %dma_wait3A_372 = tpu.memref_slice %arg4[%add3A, %add3A_361, %dma_wait3A_371] : memref<32x250x40xi32, #tpu.memory_space<hbm>> -> memref<1x1x40xi32, #tpu.memory_space<hbm>>
      %dma_wait3A_373 = tpu.memref_squeeze %dma_wait3A_372 : memref<1x1x40xi32, #tpu.memory_space<hbm>> -> memref<40xi32, #tpu.memory_space<hbm>>
      tpu.wait_dma2 semaphore(%arg31 : memref<!tpu.dma_semaphore, #tpu.memory_space<semaphore_mem>>) src(%dma_wait3A_373 : memref<40xi32, #tpu.memory_space<hbm>>) dst(%arg16 : memref<40xi32, #tpu.memory_space<vmem>>)
      %add3A_374 = arith.constant 2 : i32
      %add3A_375 = arith.addi %add3A_320, %add3A_374 : i32
      %mul3A_376 = arith.constant 10000 : i32
      %mul3A_377 = arith.muli %add3A, %mul3A_376 : i32
      %mul3A_378 = arith.constant 40 : i32
      %mul3A_379 = arith.muli %add3A_375, %mul3A_378 : i32
      %add3A_380 = arith.addi %mul3A_377, %mul3A_379 : i32
      %dma_start3A_381 = arith.constant 0 : i32
      %dma_start3A_382 = arith.constant 0 : i32
      %dma_start3A_383 = tpu.memref_slice %arg2[%dma_start3A_381, %dma_start3A_382] : memref<10000x128xf32, #tpu.memory_space<hbm>> -> memref<10000x128xf32, #tpu.memory_space<hbm>>
      tpu.enqueue_indirect_dma source(%dma_start3A_383 : memref<10000x128xf32, #tpu.memory_space<hbm>>) target(%arg18 : memref<40x128xf32, #tpu.memory_space<vmem>>) offsets(%arg12 : memref<40xi32, #tpu.memory_space<vmem>>) semaphore(%arg25 : memref<!tpu.dma_semaphore, #tpu.memory_space<semaphore_mem>>)
      %dma_start3A_384 = arith.constant 0 : i32
      %dma_start3A_385 = arith.constant 0 : i32
      %dma_start3A_386 = tpu.memref_slice %arg2[%dma_start3A_384, %dma_start3A_385] : memref<10000x128xf32, #tpu.memory_space<hbm>> -> memref<10000x128xf32, #tpu.memory_space<hbm>>
      tpu.enqueue_indirect_dma source(%dma_start3A_386 : memref<10000x128xf32, #tpu.memory_space<hbm>>) target(%arg20 : memref<40x128xf32, #tpu.memory_space<vmem>>) offsets(%arg16 : memref<40xi32, #tpu.memory_space<vmem>>) semaphore(%arg25 : memref<!tpu.dma_semaphore, #tpu.memory_space<semaphore_mem>>)
      %dma_start3A_387 = arith.constant 0 : i32
      %dma_start3A_388 = tpu.memref_slice %arg5[%add3A_380, %dma_start3A_387] : memref<320000x64xf32, #tpu.memory_space<hbm>> -> memref<40x64xf32, #tpu.memory_space<hbm>>
      %dma_start3A_389 = arith.constant 0 : i32
      %dma_start3A_390 = tpu.memref_slice %arg5[%add3A_380, %dma_start3A_389] : memref<320000x64xf32, #tpu.memory_space<hbm>> -> memref<40x64xf32, #tpu.memory_space<hbm>>
      tpu.enqueue_dma source(%dma_start3A_390 : memref<40x64xf32, #tpu.memory_space<hbm>>) target(%arg22 : memref<40x64xf32, #tpu.memory_space<vmem>>) target_semaphore(%arg25 : memref<!tpu.dma_semaphore, #tpu.memory_space<semaphore_mem>>)
      %add3A_391 = arith.constant 4 : i32
      %add3A_392 = arith.addi %add3A_320, %add3A_391 : i32
      %dma_start3A_393 = arith.constant 0 : i32
      %dma_start3A_394 = tpu.memref_slice %arg3[%add3A, %add3A_392, %dma_start3A_393] : memref<32x250x40xi32, #tpu.memory_space<hbm>> -> memref<1x1x40xi32, #tpu.memory_space<hbm>>
      %dma_start3A_395 = tpu.memref_squeeze %dma_start3A_394 : memref<1x1x40xi32, #tpu.memory_space<hbm>> -> memref<40xi32, #tpu.memory_space<hbm>>
      %dma_start3A_396 = arith.constant 0 : i32
      %dma_start3A_397 = tpu.memref_slice %arg3[%add3A, %add3A_392, %dma_start3A_396] : memref<32x250x40xi32, #tpu.memory_space<hbm>> -> memref<1x1x40xi32, #tpu.memory_space<hbm>>
      %dma_start3A_398 = tpu.memref_squeeze %dma_start3A_397 : memref<1x1x40xi32, #tpu.memory_space<hbm>> -> memref<40xi32, #tpu.memory_space<hbm>>
      tpu.enqueue_dma source(%dma_start3A_398 : memref<40xi32, #tpu.memory_space<hbm>>) target(%arg10 : memref<40xi32, #tpu.memory_space<vmem>>) target_semaphore(%arg29 : memref<!tpu.dma_semaphore, #tpu.memory_space<semaphore_mem>>)
      %dma_start3A_399 = arith.constant 0 : i32
      %dma_start3A_400 = tpu.memref_slice %arg4[%add3A, %add3A_392, %dma_start3A_399] : memref<32x250x40xi32, #tpu.memory_space<hbm>> -> memref<1x1x40xi32, #tpu.memory_space<hbm>>
      %dma_start3A_401 = tpu.memref_squeeze %dma_start3A_400 : memref<1x1x40xi32, #tpu.memory_space<hbm>> -> memref<40xi32, #tpu.memory_space<hbm>>
      %dma_start3A_402 = arith.constant 0 : i32
      %dma_start3A_403 = tpu.memref_slice %arg4[%add3A, %add3A_392, %dma_start3A_402] : memref<32x250x40xi32, #tpu.memory_space<hbm>> -> memref<1x1x40xi32, #tpu.memory_space<hbm>>
      %dma_start3A_404 = tpu.memref_squeeze %dma_start3A_403 : memref<1x1x40xi32, #tpu.memory_space<hbm>> -> memref<40xi32, #tpu.memory_space<hbm>>
      tpu.enqueue_dma source(%dma_start3A_404 : memref<40xi32, #tpu.memory_space<hbm>>) target(%arg14 : memref<40xi32, #tpu.memory_space<vmem>>) target_semaphore(%arg29 : memref<!tpu.dma_semaphore, #tpu.memory_space<semaphore_mem>>)
      %mul3A_405 = arith.constant 4 : i32
      %mul3A_406 = arith.muli %mul3A_405, %scan3A_228 : i32
      %add3A_407 = arith.constant 2 : i32
      %add3A_408 = arith.addi %mul3A_406, %add3A_407 : i32
      %mul3A_409 = arith.constant 10000 : i32
      %mul3A_410 = arith.muli %add3A, %mul3A_409 : i32
      %mul3A_411 = arith.constant 40 : i32
      %mul3A_412 = arith.muli %add3A_408, %mul3A_411 : i32
      %add3A_413 = arith.addi %mul3A_410, %mul3A_412 : i32
      %dma_wait3A_414 = arith.constant 0 : i32
      %dma_wait3A_415 = arith.constant 0 : i32
      %dma_wait3A_416 = tpu.memref_slice %arg2[%dma_wait3A_414, %dma_wait3A_415] : memref<10000x128xf32, #tpu.memory_space<hbm>> -> memref<10000x128xf32, #tpu.memory_space<hbm>>
      tpu.wait_indirect_dma semaphore(%arg24 : memref<!tpu.dma_semaphore, #tpu.memory_space<semaphore_mem>>) src(%dma_wait3A_416 : memref<10000x128xf32, #tpu.memory_space<hbm>>) dst(%arg17 : memref<40x128xf32, #tpu.memory_space<vmem>>)
      %dma_wait3A_417 = arith.constant 0 : i32
      %dma_wait3A_418 = arith.constant 0 : i32
      %dma_wait3A_419 = tpu.memref_slice %arg2[%dma_wait3A_417, %dma_wait3A_418] : memref<10000x128xf32, #tpu.memory_space<hbm>> -> memref<10000x128xf32, #tpu.memory_space<hbm>>
      tpu.wait_indirect_dma semaphore(%arg24 : memref<!tpu.dma_semaphore, #tpu.memory_space<semaphore_mem>>) src(%dma_wait3A_419 : memref<10000x128xf32, #tpu.memory_space<hbm>>) dst(%arg19 : memref<40x128xf32, #tpu.memory_space<vmem>>)
      %dma_wait3A_420 = arith.constant 0 : i32
      %dma_wait3A_421 = tpu.memref_slice %arg5[%add3A_413, %dma_wait3A_420] : memref<320000x64xf32, #tpu.memory_space<hbm>> -> memref<40x64xf32, #tpu.memory_space<hbm>>
      %dma_wait3A_422 = arith.constant 0 : i32
      %dma_wait3A_423 = tpu.memref_slice %arg5[%add3A_413, %dma_wait3A_422] : memref<320000x64xf32, #tpu.memory_space<hbm>> -> memref<40x64xf32, #tpu.memory_space<hbm>>
      tpu.wait_dma2 semaphore(%arg24 : memref<!tpu.dma_semaphore, #tpu.memory_space<semaphore_mem>>) src(%dma_wait3A_423 : memref<40x64xf32, #tpu.memory_space<hbm>>) dst(%arg21 : memref<40x64xf32, #tpu.memory_space<vmem>>)
      %scan3A_424 = arith.constant 0 : i32
      %scan3A_425 = arith.constant 0 : i32
      %scan3A_426 = arith.constant 40 : i32
      %scan3A_427 = arith.addi %scan3A_425, %scan3A_426 : i32
      %scan3A_428 = arith.constant 1 : i32
      scf.for %scan3A_581 = %scan3A_425 to %scan3A_427 step %scan3A_428  : i32 {
        %get3A = arith.index_cast %scan3A_581 : i32 to index
        %get3A_582 = arith.constant 0 : index
        %get3A_583 = tpu.vector_load %arg17[%get3A, %get3A_582] {strides = array<i32>} : memref<40x128xf32, #tpu.memory_space<vmem>>, vector<1x16xf32>,
        %get3A_584 = vector.shape_cast %get3A_583 : vector<1x16xf32> to vector<16xf32>
        %get3A_585 = arith.index_cast %scan3A_581 : i32 to index
        %get3A_586 = arith.constant 64 : index
        %get3A_587 = tpu.vector_load %arg17[%get3A_585, %get3A_586] {strides = array<i32>} : memref<40x128xf32, #tpu.memory_space<vmem>>, vector<1x16xf32>,
        %get3A_588 = vector.shape_cast %get3A_587 : vector<1x16xf32> to vector<16xf32>
        %get3A_589 = arith.index_cast %scan3A_581 : i32 to index
        %get3A_590 = arith.constant 0 : index
        %get3A_591 = tpu.vector_load %arg19[%get3A_589, %get3A_590] {strides = array<i32>} : memref<40x128xf32, #tpu.memory_space<vmem>>, vector<1x16xf32>,
        %get3A_592 = vector.shape_cast %get3A_591 : vector<1x16xf32> to vector<16xf32>
        %get3A_593 = arith.index_cast %scan3A_581 : i32 to index
        %get3A_594 = arith.constant 64 : index
        %get3A_595 = tpu.vector_load %arg19[%get3A_593, %get3A_594] {strides = array<i32>} : memref<40x128xf32, #tpu.memory_space<vmem>>, vector<1x16xf32>,
        %get3A_596 = vector.shape_cast %get3A_595 : vector<1x16xf32> to vector<16xf32>
        %add3A_597 = arith.addf %get3A_584, %get3A_596 : vector<16xf32>
        %max3A = arith.constant 0.000000e+00 : f32
        %max3A_598 = vector.broadcast %max3A : f32 to vector<16xf32>
        %max3A_599 = arith.maximumf %add3A_597, %max3A_598 : vector<16xf32>
        %swap3A = arith.index_cast %scan3A_581 : i32 to index
        %swap3A_600 = arith.constant 0 : index
        %swap3A_601 = tpu.vector_load %arg17[%swap3A, %swap3A_600] {strides = array<i32>} : memref<40x128xf32, #tpu.memory_space<vmem>>, vector<1x16xf32>,
        %swap3A_602 = vector.shape_cast %swap3A_601 : vector<1x16xf32> to vector<16xf32>
        %swap3A_603 = vector.shape_cast %max3A_599 : vector<16xf32> to vector<1x16xf32>
        tpu.vector_store %arg17[%swap3A, %swap3A_600], %swap3A_603 {strides = array<i32>} : memref<40x128xf32, #tpu.memory_space<vmem>>, vector<1x16xf32>,
        %add3A_604 = arith.addf %get3A_588, %get3A_592 : vector<16xf32>
        %max3A_605 = arith.constant 0.000000e+00 : f32
        %max3A_606 = vector.broadcast %max3A_605 : f32 to vector<16xf32>
        %max3A_607 = arith.maximumf %add3A_604, %max3A_606 : vector<16xf32>
        %swap3A_608 = arith.index_cast %scan3A_581 : i32 to index
        %swap3A_609 = arith.constant 64 : index
        %swap3A_610 = tpu.vector_load %arg17[%swap3A_608, %swap3A_609] {strides = array<i32>} : memref<40x128xf32, #tpu.memory_space<vmem>>, vector<1x16xf32>,
        %swap3A_611 = vector.shape_cast %swap3A_610 : vector<1x16xf32> to vector<16xf32>
        %swap3A_612 = vector.shape_cast %max3A_607 : vector<16xf32> to vector<1x16xf32>
        tpu.vector_store %arg17[%swap3A_608, %swap3A_609], %swap3A_612 {strides = array<i32>} : memref<40x128xf32, #tpu.memory_space<vmem>>, vector<1x16xf32>,
        %get3A_613 = arith.index_cast %scan3A_581 : i32 to index
        %get3A_614 = arith.constant 16 : index
        %get3A_615 = tpu.vector_load %arg17[%get3A_613, %get3A_614] {strides = array<i32>} : memref<40x128xf32, #tpu.memory_space<vmem>>, vector<1x16xf32>,
        %get3A_616 = vector.shape_cast %get3A_615 : vector<1x16xf32> to vector<16xf32>
        %get3A_617 = arith.index_cast %scan3A_581 : i32 to index
        %get3A_618 = arith.constant 80 : index
        %get3A_619 = tpu.vector_load %arg17[%get3A_617, %get3A_618] {strides = array<i32>} : memref<40x128xf32, #tpu.memory_space<vmem>>, vector<1x16xf32>,
        %get3A_620 = vector.shape_cast %get3A_619 : vector<1x16xf32> to vector<16xf32>
        %get3A_621 = arith.index_cast %scan3A_581 : i32 to index
        %get3A_622 = arith.constant 16 : index
        %get3A_623 = tpu.vector_load %arg19[%get3A_621, %get3A_622] {strides = array<i32>} : memref<40x128xf32, #tpu.memory_space<vmem>>, vector<1x16xf32>,
        %get3A_624 = vector.shape_cast %get3A_623 : vector<1x16xf32> to vector<16xf32>
        %get3A_625 = arith.index_cast %scan3A_581 : i32 to index
        %get3A_626 = arith.constant 80 : index
        %get3A_627 = tpu.vector_load %arg19[%get3A_625, %get3A_626] {strides = array<i32>} : memref<40x128xf32, #tpu.memory_space<vmem>>, vector<1x16xf32>,
        %get3A_628 = vector.shape_cast %get3A_627 : vector<1x16xf32> to vector<16xf32>
        %add3A_629 = arith.addf %get3A_616, %get3A_628 : vector<16xf32>
        %max3A_630 = arith.constant 0.000000e+00 : f32
        %max3A_631 = vector.broadcast %max3A_630 : f32 to vector<16xf32>
        %max3A_632 = arith.maximumf %add3A_629, %max3A_631 : vector<16xf32>
        %swap3A_633 = arith.index_cast %scan3A_581 : i32 to index
        %swap3A_634 = arith.constant 16 : index
        %swap3A_635 = tpu.vector_load %arg17[%swap3A_633, %swap3A_634] {strides = array<i32>} : memref<40x128xf32, #tpu.memory_space<vmem>>, vector<1x16xf32>,
        %swap3A_636 = vector.shape_cast %swap3A_635 : vector<1x16xf32> to vector<16xf32>
        %swap3A_637 = vector.shape_cast %max3A_632 : vector<16xf32> to vector<1x16xf32>
        tpu.vector_store %arg17[%swap3A_633, %swap3A_634], %swap3A_637 {strides = array<i32>} : memref<40x128xf32, #tpu.memory_space<vmem>>, vector<1x16xf32>,
        %add3A_638 = arith.addf %get3A_620, %get3A_624 : vector<16xf32>
        %max3A_639 = arith.constant 0.000000e+00 : f32
        %max3A_640 = vector.broadcast %max3A_639 : f32 to vector<16xf32>
        %max3A_641 = arith.maximumf %add3A_638, %max3A_640 : vector<16xf32>
        %swap3A_642 = arith.index_cast %scan3A_581 : i32 to index
        %swap3A_643 = arith.constant 80 : index
        %swap3A_644 = tpu.vector_load %arg17[%swap3A_642, %swap3A_643] {strides = array<i32>} : memref<40x128xf32, #tpu.memory_space<vmem>>, vector<1x16xf32>,
        %swap3A_645 = vector.shape_cast %swap3A_644 : vector<1x16xf32> to vector<16xf32>
        %swap3A_646 = vector.shape_cast %max3A_641 : vector<16xf32> to vector<1x16xf32>
        tpu.vector_store %arg17[%swap3A_642, %swap3A_643], %swap3A_646 {strides = array<i32>} : memref<40x128xf32, #tpu.memory_space<vmem>>, vector<1x16xf32>,
        %get3A_647 = arith.index_cast %scan3A_581 : i32 to index
        %get3A_648 = arith.constant 32 : index
        %get3A_649 = tpu.vector_load %arg17[%get3A_647, %get3A_648] {strides = array<i32>} : memref<40x128xf32, #tpu.memory_space<vmem>>, vector<1x16xf32>,
        %get3A_650 = vector.shape_cast %get3A_649 : vector<1x16xf32> to vector<16xf32>
        %get3A_651 = arith.index_cast %scan3A_581 : i32 to index
        %get3A_652 = arith.constant 96 : index
        %get3A_653 = tpu.vector_load %arg17[%get3A_651, %get3A_652] {strides = array<i32>} : memref<40x128xf32, #tpu.memory_space<vmem>>, vector<1x16xf32>,
        %get3A_654 = vector.shape_cast %get3A_653 : vector<1x16xf32> to vector<16xf32>
        %get3A_655 = arith.index_cast %scan3A_581 : i32 to index
        %get3A_656 = arith.constant 32 : index
        %get3A_657 = tpu.vector_load %arg19[%get3A_655, %get3A_656] {strides = array<i32>} : memref<40x128xf32, #tpu.memory_space<vmem>>, vector<1x16xf32>,
        %get3A_658 = vector.shape_cast %get3A_657 : vector<1x16xf32> to vector<16xf32>
        %get3A_659 = arith.index_cast %scan3A_581 : i32 to index
        %get3A_660 = arith.constant 96 : index
        %get3A_661 = tpu.vector_load %arg19[%get3A_659, %get3A_660] {strides = array<i32>} : memref<40x128xf32, #tpu.memory_space<vmem>>, vector<1x16xf32>,
        %get3A_662 = vector.shape_cast %get3A_661 : vector<1x16xf32> to vector<16xf32>
        %add3A_663 = arith.addf %get3A_650, %get3A_662 : vector<16xf32>
        %max3A_664 = arith.constant 0.000000e+00 : f32
        %max3A_665 = vector.broadcast %max3A_664 : f32 to vector<16xf32>
        %max3A_666 = arith.maximumf %add3A_663, %max3A_665 : vector<16xf32>
        %swap3A_667 = arith.index_cast %scan3A_581 : i32 to index
        %swap3A_668 = arith.constant 32 : index
        %swap3A_669 = tpu.vector_load %arg17[%swap3A_667, %swap3A_668] {strides = array<i32>} : memref<40x128xf32, #tpu.memory_space<vmem>>, vector<1x16xf32>,
        %swap3A_670 = vector.shape_cast %swap3A_669 : vector<1x16xf32> to vector<16xf32>
        %swap3A_671 = vector.shape_cast %max3A_666 : vector<16xf32> to vector<1x16xf32>
        tpu.vector_store %arg17[%swap3A_667, %swap3A_668], %swap3A_671 {strides = array<i32>} : memref<40x128xf32, #tpu.memory_space<vmem>>, vector<1x16xf32>,
        %add3A_672 = arith.addf %get3A_654, %get3A_658 : vector<16xf32>
        %max3A_673 = arith.constant 0.000000e+00 : f32
        %max3A_674 = vector.broadcast %max3A_673 : f32 to vector<16xf32>
        %max3A_675 = arith.maximumf %add3A_672, %max3A_674 : vector<16xf32>
        %swap3A_676 = arith.index_cast %scan3A_581 : i32 to index
        %swap3A_677 = arith.constant 96 : index
        %swap3A_678 = tpu.vector_load %arg17[%swap3A_676, %swap3A_677] {strides = array<i32>} : memref<40x128xf32, #tpu.memory_space<vmem>>, vector<1x16xf32>,
        %swap3A_679 = vector.shape_cast %swap3A_678 : vector<1x16xf32> to vector<16xf32>
        %swap3A_680 = vector.shape_cast %max3A_675 : vector<16xf32> to vector<1x16xf32>
        tpu.vector_store %arg17[%swap3A_676, %swap3A_677], %swap3A_680 {strides = array<i32>} : memref<40x128xf32, #tpu.memory_space<vmem>>, vector<1x16xf32>,
        %get3A_681 = arith.index_cast %scan3A_581 : i32 to index
        %get3A_682 = arith.constant 48 : index
        %get3A_683 = tpu.vector_load %arg17[%get3A_681, %get3A_682] {strides = array<i32>} : memref<40x128xf32, #tpu.memory_space<vmem>>, vector<1x16xf32>,
        %get3A_684 = vector.shape_cast %get3A_683 : vector<1x16xf32> to vector<16xf32>
        %get3A_685 = arith.index_cast %scan3A_581 : i32 to index
        %get3A_686 = arith.constant 112 : index
        %get3A_687 = tpu.vector_load %arg17[%get3A_685, %get3A_686] {strides = array<i32>} : memref<40x128xf32, #tpu.memory_space<vmem>>, vector<1x16xf32>,
        %get3A_688 = vector.shape_cast %get3A_687 : vector<1x16xf32> to vector<16xf32>
        %get3A_689 = arith.index_cast %scan3A_581 : i32 to index
        %get3A_690 = arith.constant 48 : index
        %get3A_691 = tpu.vector_load %arg19[%get3A_689, %get3A_690] {strides = array<i32>} : memref<40x128xf32, #tpu.memory_space<vmem>>, vector<1x16xf32>,
        %get3A_692 = vector.shape_cast %get3A_691 : vector<1x16xf32> to vector<16xf32>
        %get3A_693 = arith.index_cast %scan3A_581 : i32 to index
        %get3A_694 = arith.constant 112 : index
        %get3A_695 = tpu.vector_load %arg19[%get3A_693, %get3A_694] {strides = array<i32>} : memref<40x128xf32, #tpu.memory_space<vmem>>, vector<1x16xf32>,
        %get3A_696 = vector.shape_cast %get3A_695 : vector<1x16xf32> to vector<16xf32>
        %add3A_697 = arith.addf %get3A_684, %get3A_696 : vector<16xf32>
        %max3A_698 = arith.constant 0.000000e+00 : f32
        %max3A_699 = vector.broadcast %max3A_698 : f32 to vector<16xf32>
        %max3A_700 = arith.maximumf %add3A_697, %max3A_699 : vector<16xf32>
        %swap3A_701 = arith.index_cast %scan3A_581 : i32 to index
        %swap3A_702 = arith.constant 48 : index
        %swap3A_703 = tpu.vector_load %arg17[%swap3A_701, %swap3A_702] {strides = array<i32>} : memref<40x128xf32, #tpu.memory_space<vmem>>, vector<1x16xf32>,
        %swap3A_704 = vector.shape_cast %swap3A_703 : vector<1x16xf32> to vector<16xf32>
        %swap3A_705 = vector.shape_cast %max3A_700 : vector<16xf32> to vector<1x16xf32>
        tpu.vector_store %arg17[%swap3A_701, %swap3A_702], %swap3A_705 {strides = array<i32>} : memref<40x128xf32, #tpu.memory_space<vmem>>, vector<1x16xf32>,
        %add3A_706 = arith.addf %get3A_688, %get3A_692 : vector<16xf32>
        %max3A_707 = arith.constant 0.000000e+00 : f32
        %max3A_708 = vector.broadcast %max3A_707 : f32 to vector<16xf32>
        %max3A_709 = arith.maximumf %add3A_706, %max3A_708 : vector<16xf32>
        %swap3A_710 = arith.index_cast %scan3A_581 : i32 to index
        %swap3A_711 = arith.constant 112 : index
        %swap3A_712 = tpu.vector_load %arg17[%swap3A_710, %swap3A_711] {strides = array<i32>} : memref<40x128xf32, #tpu.memory_space<vmem>>, vector<1x16xf32>,
        %swap3A_713 = vector.shape_cast %swap3A_712 : vector<1x16xf32> to vector<16xf32>
        %swap3A_714 = vector.shape_cast %max3A_709 : vector<16xf32> to vector<1x16xf32>
        tpu.vector_store %arg17[%swap3A_710, %swap3A_711], %swap3A_714 {strides = array<i32>} : memref<40x128xf32, #tpu.memory_space<vmem>>, vector<1x16xf32>,
      }
      %scan3A_429 = arith.constant 40 : i32
      %mul3A_430 = arith.constant 10000 : i32
      %mul3A_431 = arith.muli %add3A, %mul3A_430 : i32
      %mul3A_432 = arith.constant 40 : i32
      %mul3A_433 = arith.muli %add3A_408, %mul3A_432 : i32
      %add3A_434 = arith.addi %mul3A_431, %mul3A_433 : i32
      %dma_start3A_435 = arith.constant 0 : i32
      %dma_start3A_436 = tpu.memref_slice %arg7[%add3A_434, %dma_start3A_435] : memref<320000x128xf32, #tpu.memory_space<hbm>> -> memref<40x128xf32, #tpu.memory_space<hbm>>
      %dma_start3A_437 = arith.constant 0 : i32
      %dma_start3A_438 = tpu.memref_slice %arg7[%add3A_434, %dma_start3A_437] : memref<320000x128xf32, #tpu.memory_space<hbm>> -> memref<40x128xf32, #tpu.memory_space<hbm>>
      tpu.enqueue_dma source(%arg17 : memref<40x128xf32, #tpu.memory_space<vmem>>) target(%dma_start3A_438 : memref<40x128xf32, #tpu.memory_space<hbm>>) target_semaphore(%arg26 : memref<!tpu.dma_semaphore, #tpu.memory_space<semaphore_mem>>)
      "tpu.region"() ({
        %run_scoped3A = tpu.sem_alloc : memref<!tpu.dma_semaphore, #tpu.memory_space<semaphore_mem>>
        %dma_start3A_581 = arith.constant 0 : i32
        %dma_start3A_582 = arith.constant 0 : i32
        %dma_start3A_583 = tpu.memref_slice %arg23[%dma_start3A_581, %dma_start3A_582] : memref<10240x64xf32, #tpu.memory_space<vmem_shared>> -> memref<10240x64xf32, #tpu.memory_space<vmem_shared>>
        tpu.enqueue_indirect_dma source(%arg21 : memref<40x64xf32, #tpu.memory_space<vmem>>) target(%dma_start3A_583 : memref<10240x64xf32, #tpu.memory_space<vmem_shared>>) offsets(%arg15 : memref<40xi32, #tpu.memory_space<vmem>>) semaphore(%run_scoped3A : memref<!tpu.dma_semaphore, #tpu.memory_space<semaphore_mem>>) {add = true}
        %dma_wait3A_584 = arith.constant 0 : i32
        %dma_wait3A_585 = arith.constant 0 : i32
        %dma_wait3A_586 = tpu.memref_slice %arg23[%dma_wait3A_584, %dma_wait3A_585] : memref<10240x64xf32, #tpu.memory_space<vmem_shared>> -> memref<10240x64xf32, #tpu.memory_space<vmem_shared>>
        tpu.wait_indirect_dma semaphore(%run_scoped3A : memref<!tpu.dma_semaphore, #tpu.memory_space<semaphore_mem>>) src(%arg21 : memref<40x64xf32, #tpu.memory_space<vmem>>) dst(%dma_wait3A_586 : memref<10240x64xf32, #tpu.memory_space<vmem_shared>>)
        tpu.yield
      }) : () -> ()
      %mul3A_439 = arith.constant 10000 : i32
      %mul3A_440 = arith.muli %add3A, %mul3A_439 : i32
      %mul3A_441 = arith.constant 40 : i32
      %mul3A_442 = arith.muli %add3A_408, %mul3A_441 : i32
      %add3A_443 = arith.addi %mul3A_440, %mul3A_442 : i32
      %dma_wait3A_444 = arith.constant 0 : i32
      %dma_wait3A_445 = tpu.memref_slice %arg7[%add3A_443, %dma_wait3A_444] : memref<320000x128xf32, #tpu.memory_space<hbm>> -> memref<40x128xf32, #tpu.memory_space<hbm>>
      %dma_wait3A_446 = arith.constant 0 : i32
      %dma_wait3A_447 = tpu.memref_slice %arg7[%add3A_443, %dma_wait3A_446] : memref<320000x128xf32, #tpu.memory_space<hbm>> -> memref<40x128xf32, #tpu.memory_space<hbm>>
      tpu.wait_dma2 semaphore(%arg26 : memref<!tpu.dma_semaphore, #tpu.memory_space<semaphore_mem>>) src(%arg17 : memref<40x128xf32, #tpu.memory_space<vmem>>) dst(%dma_wait3A_447 : memref<40x128xf32, #tpu.memory_space<hbm>>)
      %add3A_448 = arith.constant 2 : i32
      %add3A_449 = arith.addi %add3A_408, %add3A_448 : i32
      %dma_wait3A_450 = arith.constant 0 : i32
      %dma_wait3A_451 = tpu.memref_slice %arg3[%add3A, %add3A_449, %dma_wait3A_450] : memref<32x250x40xi32, #tpu.memory_space<hbm>> -> memref<1x1x40xi32, #tpu.memory_space<hbm>>
      %dma_wait3A_452 = tpu.memref_squeeze %dma_wait3A_451 : memref<1x1x40xi32, #tpu.memory_space<hbm>> -> memref<40xi32, #tpu.memory_space<hbm>>
      %dma_wait3A_453 = arith.constant 0 : i32
      %dma_wait3A_454 = tpu.memref_slice %arg3[%add3A, %add3A_449, %dma_wait3A_453] : memref<32x250x40xi32, #tpu.memory_space<hbm>> -> memref<1x1x40xi32, #tpu.memory_space<hbm>>
      %dma_wait3A_455 = tpu.memref_squeeze %dma_wait3A_454 : memref<1x1x40xi32, #tpu.memory_space<hbm>> -> memref<40xi32, #tpu.memory_space<hbm>>
      tpu.wait_dma2 semaphore(%arg28 : memref<!tpu.dma_semaphore, #tpu.memory_space<semaphore_mem>>) src(%dma_wait3A_455 : memref<40xi32, #tpu.memory_space<hbm>>) dst(%arg9 : memref<40xi32, #tpu.memory_space<vmem>>)
      %dma_wait3A_456 = arith.constant 0 : i32
      %dma_wait3A_457 = tpu.memref_slice %arg4[%add3A, %add3A_449, %dma_wait3A_456] : memref<32x250x40xi32, #tpu.memory_space<hbm>> -> memref<1x1x40xi32, #tpu.memory_space<hbm>>
      %dma_wait3A_458 = tpu.memref_squeeze %dma_wait3A_457 : memref<1x1x40xi32, #tpu.memory_space<hbm>> -> memref<40xi32, #tpu.memory_space<hbm>>
      %dma_wait3A_459 = arith.constant 0 : i32
      %dma_wait3A_460 = tpu.memref_slice %arg4[%add3A, %add3A_449, %dma_wait3A_459] : memref<32x250x40xi32, #tpu.memory_space<hbm>> -> memref<1x1x40xi32, #tpu.memory_space<hbm>>
      %dma_wait3A_461 = tpu.memref_squeeze %dma_wait3A_460 : memref<1x1x40xi32, #tpu.memory_space<hbm>> -> memref<40xi32, #tpu.memory_space<hbm>>
      tpu.wait_dma2 semaphore(%arg28 : memref<!tpu.dma_semaphore, #tpu.memory_space<semaphore_mem>>) src(%dma_wait3A_461 : memref<40xi32, #tpu.memory_space<hbm>>) dst(%arg13 : memref<40xi32, #tpu.memory_space<vmem>>)
      %add3A_462 = arith.constant 2 : i32
      %add3A_463 = arith.addi %add3A_408, %add3A_462 : i32
      %mul3A_464 = arith.constant 10000 : i32
      %mul3A_465 = arith.muli %add3A, %mul3A_464 : i32
      %mul3A_466 = arith.constant 40 : i32
      %mul3A_467 = arith.muli %add3A_463, %mul3A_466 : i32
      %add3A_468 = arith.addi %mul3A_465, %mul3A_467 : i32
      %dma_start3A_469 = arith.constant 0 : i32
      %dma_start3A_470 = arith.constant 0 : i32
      %dma_start3A_471 = tpu.memref_slice %arg2[%dma_start3A_469, %dma_start3A_470] : memref<10000x128xf32, #tpu.memory_space<hbm>> -> memref<10000x128xf32, #tpu.memory_space<hbm>>
      tpu.enqueue_indirect_dma source(%dma_start3A_471 : memref<10000x128xf32, #tpu.memory_space<hbm>>) target(%arg17 : memref<40x128xf32, #tpu.memory_space<vmem>>) offsets(%arg9 : memref<40xi32, #tpu.memory_space<vmem>>) semaphore(%arg24 : memref<!tpu.dma_semaphore, #tpu.memory_space<semaphore_mem>>)
      %dma_start3A_472 = arith.constant 0 : i32
      %dma_start3A_473 = arith.constant 0 : i32
      %dma_start3A_474 = tpu.memref_slice %arg2[%dma_start3A_472, %dma_start3A_473] : memref<10000x128xf32, #tpu.memory_space<hbm>> -> memref<10000x128xf32, #tpu.memory_space<hbm>>
      tpu.enqueue_indirect_dma source(%dma_start3A_474 : memref<10000x128xf32, #tpu.memory_space<hbm>>) target(%arg19 : memref<40x128xf32, #tpu.memory_space<vmem>>) offsets(%arg13 : memref<40xi32, #tpu.memory_space<vmem>>) semaphore(%arg24 : memref<!tpu.dma_semaphore, #tpu.memory_space<semaphore_mem>>)
      %dma_start3A_475 = arith.constant 0 : i32
      %dma_start3A_476 = tpu.memref_slice %arg5[%add3A_468, %dma_start3A_475] : memref<320000x64xf32, #tpu.memory_space<hbm>> -> memref<40x64xf32, #tpu.memory_space<hbm>>
      %dma_start3A_477 = arith.constant 0 : i32
      %dma_start3A_478 = tpu.memref_slice %arg5[%add3A_468, %dma_start3A_477] : memref<320000x64xf32, #tpu.memory_space<hbm>> -> memref<40x64xf32, #tpu.memory_space<hbm>>
      tpu.enqueue_dma source(%dma_start3A_478 : memref<40x64xf32, #tpu.memory_space<hbm>>) target(%arg21 : memref<40x64xf32, #tpu.memory_space<vmem>>) target_semaphore(%arg24 : memref<!tpu.dma_semaphore, #tpu.memory_space<semaphore_mem>>)
      %add3A_479 = arith.constant 4 : i32
      %add3A_480 = arith.addi %add3A_408, %add3A_479 : i32
      %dma_start3A_481 = arith.constant 0 : i32
      %dma_start3A_482 = tpu.memref_slice %arg3[%add3A, %add3A_480, %dma_start3A_481] : memref<32x250x40xi32, #tpu.memory_space<hbm>> -> memref<1x1x40xi32, #tpu.memory_space<hbm>>
      %dma_start3A_483 = tpu.memref_squeeze %dma_start3A_482 : memref<1x1x40xi32, #tpu.memory_space<hbm>> -> memref<40xi32, #tpu.memory_space<hbm>>
      %dma_start3A_484 = arith.constant 0 : i32
      %dma_start3A_485 = tpu.memref_slice %arg3[%add3A, %add3A_480, %dma_start3A_484] : memref<32x250x40xi32, #tpu.memory_space<hbm>> -> memref<1x1x40xi32, #tpu.memory_space<hbm>>
      %dma_start3A_486 = tpu.memref_squeeze %dma_start3A_485 : memref<1x1x40xi32, #tpu.memory_space<hbm>> -> memref<40xi32, #tpu.memory_space<hbm>>
      tpu.enqueue_dma source(%dma_start3A_486 : memref<40xi32, #tpu.memory_space<hbm>>) target(%arg11 : memref<40xi32, #tpu.memory_space<vmem>>) target_semaphore(%arg30 : memref<!tpu.dma_semaphore, #tpu.memory_space<semaphore_mem>>)
      %dma_start3A_487 = arith.constant 0 : i32
      %dma_start3A_488 = tpu.memref_slice %arg4[%add3A, %add3A_480, %dma_start3A_487] : memref<32x250x40xi32, #tpu.memory_space<hbm>> -> memref<1x1x40xi32, #tpu.memory_space<hbm>>
      %dma_start3A_489 = tpu.memref_squeeze %dma_start3A_488 : memref<1x1x40xi32, #tpu.memory_space<hbm>> -> memref<40xi32, #tpu.memory_space<hbm>>
      %dma_start3A_490 = arith.constant 0 : i32
      %dma_start3A_491 = tpu.memref_slice %arg4[%add3A, %add3A_480, %dma_start3A_490] : memref<32x250x40xi32, #tpu.memory_space<hbm>> -> memref<1x1x40xi32, #tpu.memory_space<hbm>>
      %dma_start3A_492 = tpu.memref_squeeze %dma_start3A_491 : memref<1x1x40xi32, #tpu.memory_space<hbm>> -> memref<40xi32, #tpu.memory_space<hbm>>
      tpu.enqueue_dma source(%dma_start3A_492 : memref<40xi32, #tpu.memory_space<hbm>>) target(%arg15 : memref<40xi32, #tpu.memory_space<vmem>>) target_semaphore(%arg30 : memref<!tpu.dma_semaphore, #tpu.memory_space<semaphore_mem>>)
      %mul3A_493 = arith.constant 4 : i32
      %mul3A_494 = arith.muli %mul3A_493, %scan3A_228 : i32
      %add3A_495 = arith.constant 3 : i32
      %add3A_496 = arith.addi %mul3A_494, %add3A_495 : i32
      %mul3A_497 = arith.constant 10000 : i32
      %mul3A_498 = arith.muli %add3A, %mul3A_497 : i32
      %mul3A_499 = arith.constant 40 : i32
      %mul3A_500 = arith.muli %add3A_496, %mul3A_499 : i32
      %add3A_501 = arith.addi %mul3A_498, %mul3A_500 : i32
      %dma_wait3A_502 = arith.constant 0 : i32
      %dma_wait3A_503 = arith.constant 0 : i32
      %dma_wait3A_504 = tpu.memref_slice %arg2[%dma_wait3A_502, %dma_wait3A_503] : memref<10000x128xf32, #tpu.memory_space<hbm>> -> memref<10000x128xf32, #tpu.memory_space<hbm>>
      tpu.wait_indirect_dma semaphore(%arg25 : memref<!tpu.dma_semaphore, #tpu.memory_space<semaphore_mem>>) src(%dma_wait3A_504 : memref<10000x128xf32, #tpu.memory_space<hbm>>) dst(%arg18 : memref<40x128xf32, #tpu.memory_space<vmem>>)
      %dma_wait3A_505 = arith.constant 0 : i32
      %dma_wait3A_506 = arith.constant 0 : i32
      %dma_wait3A_507 = tpu.memref_slice %arg2[%dma_wait3A_505, %dma_wait3A_506] : memref<10000x128xf32, #tpu.memory_space<hbm>> -> memref<10000x128xf32, #tpu.memory_space<hbm>>
      tpu.wait_indirect_dma semaphore(%arg25 : memref<!tpu.dma_semaphore, #tpu.memory_space<semaphore_mem>>) src(%dma_wait3A_507 : memref<10000x128xf32, #tpu.memory_space<hbm>>) dst(%arg20 : memref<40x128xf32, #tpu.memory_space<vmem>>)
      %dma_wait3A_508 = arith.constant 0 : i32
      %dma_wait3A_509 = tpu.memref_slice %arg5[%add3A_501, %dma_wait3A_508] : memref<320000x64xf32, #tpu.memory_space<hbm>> -> memref<40x64xf32, #tpu.memory_space<hbm>>
      %dma_wait3A_510 = arith.constant 0 : i32
      %dma_wait3A_511 = tpu.memref_slice %arg5[%add3A_501, %dma_wait3A_510] : memref<320000x64xf32, #tpu.memory_space<hbm>> -> memref<40x64xf32, #tpu.memory_space<hbm>>
      tpu.wait_dma2 semaphore(%arg25 : memref<!tpu.dma_semaphore, #tpu.memory_space<semaphore_mem>>) src(%dma_wait3A_511 : memref<40x64xf32, #tpu.memory_space<hbm>>) dst(%arg22 : memref<40x64xf32, #tpu.memory_space<vmem>>)
      %scan3A_512 = arith.constant 0 : i32
      %scan3A_513 = arith.constant 0 : i32
      %scan3A_514 = arith.constant 40 : i32
      %scan3A_515 = arith.addi %scan3A_513, %scan3A_514 : i32
      %scan3A_516 = arith.constant 1 : i32
      scf.for %scan3A_581 = %scan3A_513 to %scan3A_515 step %scan3A_516  : i32 {
        %get3A = arith.index_cast %scan3A_581 : i32 to index
        %get3A_582 = arith.constant 0 : index
        %get3A_583 = tpu.vector_load %arg18[%get3A, %get3A_582] {strides = array<i32>} : memref<40x128xf32, #tpu.memory_space<vmem>>, vector<1x16xf32>,
        %get3A_584 = vector.shape_cast %get3A_583 : vector<1x16xf32> to vector<16xf32>
        %get3A_585 = arith.index_cast %scan3A_581 : i32 to index
        %get3A_586 = arith.constant 64 : index
        %get3A_587 = tpu.vector_load %arg18[%get3A_585, %get3A_586] {strides = array<i32>} : memref<40x128xf32, #tpu.memory_space<vmem>>, vector<1x16xf32>,
        %get3A_588 = vector.shape_cast %get3A_587 : vector<1x16xf32> to vector<16xf32>
        %get3A_589 = arith.index_cast %scan3A_581 : i32 to index
        %get3A_590 = arith.constant 0 : index
        %get3A_591 = tpu.vector_load %arg20[%get3A_589, %get3A_590] {strides = array<i32>} : memref<40x128xf32, #tpu.memory_space<vmem>>, vector<1x16xf32>,
        %get3A_592 = vector.shape_cast %get3A_591 : vector<1x16xf32> to vector<16xf32>
        %get3A_593 = arith.index_cast %scan3A_581 : i32 to index
        %get3A_594 = arith.constant 64 : index
        %get3A_595 = tpu.vector_load %arg20[%get3A_593, %get3A_594] {strides = array<i32>} : memref<40x128xf32, #tpu.memory_space<vmem>>, vector<1x16xf32>,
        %get3A_596 = vector.shape_cast %get3A_595 : vector<1x16xf32> to vector<16xf32>
        %add3A_597 = arith.addf %get3A_584, %get3A_596 : vector<16xf32>
        %max3A = arith.constant 0.000000e+00 : f32
        %max3A_598 = vector.broadcast %max3A : f32 to vector<16xf32>
        %max3A_599 = arith.maximumf %add3A_597, %max3A_598 : vector<16xf32>
        %swap3A = arith.index_cast %scan3A_581 : i32 to index
        %swap3A_600 = arith.constant 0 : index
        %swap3A_601 = tpu.vector_load %arg18[%swap3A, %swap3A_600] {strides = array<i32>} : memref<40x128xf32, #tpu.memory_space<vmem>>, vector<1x16xf32>,
        %swap3A_602 = vector.shape_cast %swap3A_601 : vector<1x16xf32> to vector<16xf32>
        %swap3A_603 = vector.shape_cast %max3A_599 : vector<16xf32> to vector<1x16xf32>
        tpu.vector_store %arg18[%swap3A, %swap3A_600], %swap3A_603 {strides = array<i32>} : memref<40x128xf32, #tpu.memory_space<vmem>>, vector<1x16xf32>,
        %add3A_604 = arith.addf %get3A_588, %get3A_592 : vector<16xf32>
        %max3A_605 = arith.constant 0.000000e+00 : f32
        %max3A_606 = vector.broadcast %max3A_605 : f32 to vector<16xf32>
        %max3A_607 = arith.maximumf %add3A_604, %max3A_606 : vector<16xf32>
        %swap3A_608 = arith.index_cast %scan3A_581 : i32 to index
        %swap3A_609 = arith.constant 64 : index
        %swap3A_610 = tpu.vector_load %arg18[%swap3A_608, %swap3A_609] {strides = array<i32>} : memref<40x128xf32, #tpu.memory_space<vmem>>, vector<1x16xf32>,
        %swap3A_611 = vector.shape_cast %swap3A_610 : vector<1x16xf32> to vector<16xf32>
        %swap3A_612 = vector.shape_cast %max3A_607 : vector<16xf32> to vector<1x16xf32>
        tpu.vector_store %arg18[%swap3A_608, %swap3A_609], %swap3A_612 {strides = array<i32>} : memref<40x128xf32, #tpu.memory_space<vmem>>, vector<1x16xf32>,
        %get3A_613 = arith.index_cast %scan3A_581 : i32 to index
        %get3A_614 = arith.constant 16 : index
        %get3A_615 = tpu.vector_load %arg18[%get3A_613, %get3A_614] {strides = array<i32>} : memref<40x128xf32, #tpu.memory_space<vmem>>, vector<1x16xf32>,
        %get3A_616 = vector.shape_cast %get3A_615 : vector<1x16xf32> to vector<16xf32>
        %get3A_617 = arith.index_cast %scan3A_581 : i32 to index
        %get3A_618 = arith.constant 80 : index
        %get3A_619 = tpu.vector_load %arg18[%get3A_617, %get3A_618] {strides = array<i32>} : memref<40x128xf32, #tpu.memory_space<vmem>>, vector<1x16xf32>,
        %get3A_620 = vector.shape_cast %get3A_619 : vector<1x16xf32> to vector<16xf32>
        %get3A_621 = arith.index_cast %scan3A_581 : i32 to index
        %get3A_622 = arith.constant 16 : index
        %get3A_623 = tpu.vector_load %arg20[%get3A_621, %get3A_622] {strides = array<i32>} : memref<40x128xf32, #tpu.memory_space<vmem>>, vector<1x16xf32>,
        %get3A_624 = vector.shape_cast %get3A_623 : vector<1x16xf32> to vector<16xf32>
        %get3A_625 = arith.index_cast %scan3A_581 : i32 to index
        %get3A_626 = arith.constant 80 : index
        %get3A_627 = tpu.vector_load %arg20[%get3A_625, %get3A_626] {strides = array<i32>} : memref<40x128xf32, #tpu.memory_space<vmem>>, vector<1x16xf32>,
        %get3A_628 = vector.shape_cast %get3A_627 : vector<1x16xf32> to vector<16xf32>
        %add3A_629 = arith.addf %get3A_616, %get3A_628 : vector<16xf32>
        %max3A_630 = arith.constant 0.000000e+00 : f32
        %max3A_631 = vector.broadcast %max3A_630 : f32 to vector<16xf32>
        %max3A_632 = arith.maximumf %add3A_629, %max3A_631 : vector<16xf32>
        %swap3A_633 = arith.index_cast %scan3A_581 : i32 to index
        %swap3A_634 = arith.constant 16 : index
        %swap3A_635 = tpu.vector_load %arg18[%swap3A_633, %swap3A_634] {strides = array<i32>} : memref<40x128xf32, #tpu.memory_space<vmem>>, vector<1x16xf32>,
        %swap3A_636 = vector.shape_cast %swap3A_635 : vector<1x16xf32> to vector<16xf32>
        %swap3A_637 = vector.shape_cast %max3A_632 : vector<16xf32> to vector<1x16xf32>
        tpu.vector_store %arg18[%swap3A_633, %swap3A_634], %swap3A_637 {strides = array<i32>} : memref<40x128xf32, #tpu.memory_space<vmem>>, vector<1x16xf32>,
        %add3A_638 = arith.addf %get3A_620, %get3A_624 : vector<16xf32>
        %max3A_639 = arith.constant 0.000000e+00 : f32
        %max3A_640 = vector.broadcast %max3A_639 : f32 to vector<16xf32>
        %max3A_641 = arith.maximumf %add3A_638, %max3A_640 : vector<16xf32>
        %swap3A_642 = arith.index_cast %scan3A_581 : i32 to index
        %swap3A_643 = arith.constant 80 : index
        %swap3A_644 = tpu.vector_load %arg18[%swap3A_642, %swap3A_643] {strides = array<i32>} : memref<40x128xf32, #tpu.memory_space<vmem>>, vector<1x16xf32>,
        %swap3A_645 = vector.shape_cast %swap3A_644 : vector<1x16xf32> to vector<16xf32>
        %swap3A_646 = vector.shape_cast %max3A_641 : vector<16xf32> to vector<1x16xf32>
        tpu.vector_store %arg18[%swap3A_642, %swap3A_643], %swap3A_646 {strides = array<i32>} : memref<40x128xf32, #tpu.memory_space<vmem>>, vector<1x16xf32>,
        %get3A_647 = arith.index_cast %scan3A_581 : i32 to index
        %get3A_648 = arith.constant 32 : index
        %get3A_649 = tpu.vector_load %arg18[%get3A_647, %get3A_648] {strides = array<i32>} : memref<40x128xf32, #tpu.memory_space<vmem>>, vector<1x16xf32>,
        %get3A_650 = vector.shape_cast %get3A_649 : vector<1x16xf32> to vector<16xf32>
        %get3A_651 = arith.index_cast %scan3A_581 : i32 to index
        %get3A_652 = arith.constant 96 : index
        %get3A_653 = tpu.vector_load %arg18[%get3A_651, %get3A_652] {strides = array<i32>} : memref<40x128xf32, #tpu.memory_space<vmem>>, vector<1x16xf32>,
        %get3A_654 = vector.shape_cast %get3A_653 : vector<1x16xf32> to vector<16xf32>
        %get3A_655 = arith.index_cast %scan3A_581 : i32 to index
        %get3A_656 = arith.constant 32 : index
        %get3A_657 = tpu.vector_load %arg20[%get3A_655, %get3A_656] {strides = array<i32>} : memref<40x128xf32, #tpu.memory_space<vmem>>, vector<1x16xf32>,
        %get3A_658 = vector.shape_cast %get3A_657 : vector<1x16xf32> to vector<16xf32>
        %get3A_659 = arith.index_cast %scan3A_581 : i32 to index
        %get3A_660 = arith.constant 96 : index
        %get3A_661 = tpu.vector_load %arg20[%get3A_659, %get3A_660] {strides = array<i32>} : memref<40x128xf32, #tpu.memory_space<vmem>>, vector<1x16xf32>,
        %get3A_662 = vector.shape_cast %get3A_661 : vector<1x16xf32> to vector<16xf32>
        %add3A_663 = arith.addf %get3A_650, %get3A_662 : vector<16xf32>
        %max3A_664 = arith.constant 0.000000e+00 : f32
        %max3A_665 = vector.broadcast %max3A_664 : f32 to vector<16xf32>
        %max3A_666 = arith.maximumf %add3A_663, %max3A_665 : vector<16xf32>
        %swap3A_667 = arith.index_cast %scan3A_581 : i32 to index
        %swap3A_668 = arith.constant 32 : index
        %swap3A_669 = tpu.vector_load %arg18[%swap3A_667, %swap3A_668] {strides = array<i32>} : memref<40x128xf32, #tpu.memory_space<vmem>>, vector<1x16xf32>,
        %swap3A_670 = vector.shape_cast %swap3A_669 : vector<1x16xf32> to vector<16xf32>
        %swap3A_671 = vector.shape_cast %max3A_666 : vector<16xf32> to vector<1x16xf32>
        tpu.vector_store %arg18[%swap3A_667, %swap3A_668], %swap3A_671 {strides = array<i32>} : memref<40x128xf32, #tpu.memory_space<vmem>>, vector<1x16xf32>,
        %add3A_672 = arith.addf %get3A_654, %get3A_658 : vector<16xf32>
        %max3A_673 = arith.constant 0.000000e+00 : f32
        %max3A_674 = vector.broadcast %max3A_673 : f32 to vector<16xf32>
        %max3A_675 = arith.maximumf %add3A_672, %max3A_674 : vector<16xf32>
        %swap3A_676 = arith.index_cast %scan3A_581 : i32 to index
        %swap3A_677 = arith.constant 96 : index
        %swap3A_678 = tpu.vector_load %arg18[%swap3A_676, %swap3A_677] {strides = array<i32>} : memref<40x128xf32, #tpu.memory_space<vmem>>, vector<1x16xf32>,
        %swap3A_679 = vector.shape_cast %swap3A_678 : vector<1x16xf32> to vector<16xf32>
        %swap3A_680 = vector.shape_cast %max3A_675 : vector<16xf32> to vector<1x16xf32>
        tpu.vector_store %arg18[%swap3A_676, %swap3A_677], %swap3A_680 {strides = array<i32>} : memref<40x128xf32, #tpu.memory_space<vmem>>, vector<1x16xf32>,
        %get3A_681 = arith.index_cast %scan3A_581 : i32 to index
        %get3A_682 = arith.constant 48 : index
        %get3A_683 = tpu.vector_load %arg18[%get3A_681, %get3A_682] {strides = array<i32>} : memref<40x128xf32, #tpu.memory_space<vmem>>, vector<1x16xf32>,
        %get3A_684 = vector.shape_cast %get3A_683 : vector<1x16xf32> to vector<16xf32>
        %get3A_685 = arith.index_cast %scan3A_581 : i32 to index
        %get3A_686 = arith.constant 112 : index
        %get3A_687 = tpu.vector_load %arg18[%get3A_685, %get3A_686] {strides = array<i32>} : memref<40x128xf32, #tpu.memory_space<vmem>>, vector<1x16xf32>,
        %get3A_688 = vector.shape_cast %get3A_687 : vector<1x16xf32> to vector<16xf32>
        %get3A_689 = arith.index_cast %scan3A_581 : i32 to index
        %get3A_690 = arith.constant 48 : index
        %get3A_691 = tpu.vector_load %arg20[%get3A_689, %get3A_690] {strides = array<i32>} : memref<40x128xf32, #tpu.memory_space<vmem>>, vector<1x16xf32>,
        %get3A_692 = vector.shape_cast %get3A_691 : vector<1x16xf32> to vector<16xf32>
        %get3A_693 = arith.index_cast %scan3A_581 : i32 to index
        %get3A_694 = arith.constant 112 : index
        %get3A_695 = tpu.vector_load %arg20[%get3A_693, %get3A_694] {strides = array<i32>} : memref<40x128xf32, #tpu.memory_space<vmem>>, vector<1x16xf32>,
        %get3A_696 = vector.shape_cast %get3A_695 : vector<1x16xf32> to vector<16xf32>
        %add3A_697 = arith.addf %get3A_684, %get3A_696 : vector<16xf32>
        %max3A_698 = arith.constant 0.000000e+00 : f32
        %max3A_699 = vector.broadcast %max3A_698 : f32 to vector<16xf32>
        %max3A_700 = arith.maximumf %add3A_697, %max3A_699 : vector<16xf32>
        %swap3A_701 = arith.index_cast %scan3A_581 : i32 to index
        %swap3A_702 = arith.constant 48 : index
        %swap3A_703 = tpu.vector_load %arg18[%swap3A_701, %swap3A_702] {strides = array<i32>} : memref<40x128xf32, #tpu.memory_space<vmem>>, vector<1x16xf32>,
        %swap3A_704 = vector.shape_cast %swap3A_703 : vector<1x16xf32> to vector<16xf32>
        %swap3A_705 = vector.shape_cast %max3A_700 : vector<16xf32> to vector<1x16xf32>
        tpu.vector_store %arg18[%swap3A_701, %swap3A_702], %swap3A_705 {strides = array<i32>} : memref<40x128xf32, #tpu.memory_space<vmem>>, vector<1x16xf32>,
        %add3A_706 = arith.addf %get3A_688, %get3A_692 : vector<16xf32>
        %max3A_707 = arith.constant 0.000000e+00 : f32
        %max3A_708 = vector.broadcast %max3A_707 : f32 to vector<16xf32>
        %max3A_709 = arith.maximumf %add3A_706, %max3A_708 : vector<16xf32>
        %swap3A_710 = arith.index_cast %scan3A_581 : i32 to index
        %swap3A_711 = arith.constant 112 : index
        %swap3A_712 = tpu.vector_load %arg18[%swap3A_710, %swap3A_711] {strides = array<i32>} : memref<40x128xf32, #tpu.memory_space<vmem>>, vector<1x16xf32>,
        %swap3A_713 = vector.shape_cast %swap3A_712 : vector<1x16xf32> to vector<16xf32>
        %swap3A_714 = vector.shape_cast %max3A_709 : vector<16xf32> to vector<1x16xf32>
        tpu.vector_store %arg18[%swap3A_710, %swap3A_711], %swap3A_714 {strides = array<i32>} : memref<40x128xf32, #tpu.memory_space<vmem>>, vector<1x16xf32>,
      }
      %scan3A_517 = arith.constant 40 : i32
      %mul3A_518 = arith.constant 10000 : i32
      %mul3A_519 = arith.muli %add3A, %mul3A_518 : i32
      %mul3A_520 = arith.constant 40 : i32
      %mul3A_521 = arith.muli %add3A_496, %mul3A_520 : i32
      %add3A_522 = arith.addi %mul3A_519, %mul3A_521 : i32
      %dma_start3A_523 = arith.constant 0 : i32
      %dma_start3A_524 = tpu.memref_slice %arg7[%add3A_522, %dma_start3A_523] : memref<320000x128xf32, #tpu.memory_space<hbm>> -> memref<40x128xf32, #tpu.memory_space<hbm>>
      %dma_start3A_525 = arith.constant 0 : i32
      %dma_start3A_526 = tpu.memref_slice %arg7[%add3A_522, %dma_start3A_525] : memref<320000x128xf32, #tpu.memory_space<hbm>> -> memref<40x128xf32, #tpu.memory_space<hbm>>
      tpu.enqueue_dma source(%arg18 : memref<40x128xf32, #tpu.memory_space<vmem>>) target(%dma_start3A_526 : memref<40x128xf32, #tpu.memory_space<hbm>>) target_semaphore(%arg27 : memref<!tpu.dma_semaphore, #tpu.memory_space<semaphore_mem>>)
      "tpu.region"() ({
        %run_scoped3A = tpu.sem_alloc : memref<!tpu.dma_semaphore, #tpu.memory_space<semaphore_mem>>
        %dma_start3A_581 = arith.constant 0 : i32
        %dma_start3A_582 = arith.constant 0 : i32
        %dma_start3A_583 = tpu.memref_slice %arg23[%dma_start3A_581, %dma_start3A_582] : memref<10240x64xf32, #tpu.memory_space<vmem_shared>> -> memref<10240x64xf32, #tpu.memory_space<vmem_shared>>
        tpu.enqueue_indirect_dma source(%arg22 : memref<40x64xf32, #tpu.memory_space<vmem>>) target(%dma_start3A_583 : memref<10240x64xf32, #tpu.memory_space<vmem_shared>>) offsets(%arg16 : memref<40xi32, #tpu.memory_space<vmem>>) semaphore(%run_scoped3A : memref<!tpu.dma_semaphore, #tpu.memory_space<semaphore_mem>>) {add = true}
        %dma_wait3A_584 = arith.constant 0 : i32
        %dma_wait3A_585 = arith.constant 0 : i32
        %dma_wait3A_586 = tpu.memref_slice %arg23[%dma_wait3A_584, %dma_wait3A_585] : memref<10240x64xf32, #tpu.memory_space<vmem_shared>> -> memref<10240x64xf32, #tpu.memory_space<vmem_shared>>
        tpu.wait_indirect_dma semaphore(%run_scoped3A : memref<!tpu.dma_semaphore, #tpu.memory_space<semaphore_mem>>) src(%arg22 : memref<40x64xf32, #tpu.memory_space<vmem>>) dst(%dma_wait3A_586 : memref<10240x64xf32, #tpu.memory_space<vmem_shared>>)
        tpu.yield
      }) : () -> ()
      %mul3A_527 = arith.constant 10000 : i32
      %mul3A_528 = arith.muli %add3A, %mul3A_527 : i32
      %mul3A_529 = arith.constant 40 : i32
      %mul3A_530 = arith.muli %add3A_496, %mul3A_529 : i32
      %add3A_531 = arith.addi %mul3A_528, %mul3A_530 : i32
      %dma_wait3A_532 = arith.constant 0 : i32
      %dma_wait3A_533 = tpu.memref_slice %arg7[%add3A_531, %dma_wait3A_532] : memref<320000x128xf32, #tpu.memory_space<hbm>> -> memref<40x128xf32, #tpu.memory_space<hbm>>
      %dma_wait3A_534 = arith.constant 0 : i32
      %dma_wait3A_535 = tpu.memref_slice %arg7[%add3A_531, %dma_wait3A_534] : memref<320000x128xf32, #tpu.memory_space<hbm>> -> memref<40x128xf32, #tpu.memory_space<hbm>>
      tpu.wait_dma2 semaphore(%arg27 : memref<!tpu.dma_semaphore, #tpu.memory_space<semaphore_mem>>) src(%arg18 : memref<40x128xf32, #tpu.memory_space<vmem>>) dst(%dma_wait3A_535 : memref<40x128xf32, #tpu.memory_space<hbm>>)
      %add3A_536 = arith.constant 2 : i32
      %add3A_537 = arith.addi %add3A_496, %add3A_536 : i32
      %dma_wait3A_538 = arith.constant 0 : i32
      %dma_wait3A_539 = tpu.memref_slice %arg3[%add3A, %add3A_537, %dma_wait3A_538] : memref<32x250x40xi32, #tpu.memory_space<hbm>> -> memref<1x1x40xi32, #tpu.memory_space<hbm>>
      %dma_wait3A_540 = tpu.memref_squeeze %dma_wait3A_539 : memref<1x1x40xi32, #tpu.memory_space<hbm>> -> memref<40xi32, #tpu.memory_space<hbm>>
      %dma_wait3A_541 = arith.constant 0 : i32
      %dma_wait3A_542 = tpu.memref_slice %arg3[%add3A, %add3A_537, %dma_wait3A_541] : memref<32x250x40xi32, #tpu.memory_space<hbm>> -> memref<1x1x40xi32, #tpu.memory_space<hbm>>
      %dma_wait3A_543 = tpu.memref_squeeze %dma_wait3A_542 : memref<1x1x40xi32, #tpu.memory_space<hbm>> -> memref<40xi32, #tpu.memory_space<hbm>>
      tpu.wait_dma2 semaphore(%arg29 : memref<!tpu.dma_semaphore, #tpu.memory_space<semaphore_mem>>) src(%dma_wait3A_543 : memref<40xi32, #tpu.memory_space<hbm>>) dst(%arg10 : memref<40xi32, #tpu.memory_space<vmem>>)
      %dma_wait3A_544 = arith.constant 0 : i32
      %dma_wait3A_545 = tpu.memref_slice %arg4[%add3A, %add3A_537, %dma_wait3A_544] : memref<32x250x40xi32, #tpu.memory_space<hbm>> -> memref<1x1x40xi32, #tpu.memory_space<hbm>>
      %dma_wait3A_546 = tpu.memref_squeeze %dma_wait3A_545 : memref<1x1x40xi32, #tpu.memory_space<hbm>> -> memref<40xi32, #tpu.memory_space<hbm>>
      %dma_wait3A_547 = arith.constant 0 : i32
      %dma_wait3A_548 = tpu.memref_slice %arg4[%add3A, %add3A_537, %dma_wait3A_547] : memref<32x250x40xi32, #tpu.memory_space<hbm>> -> memref<1x1x40xi32, #tpu.memory_space<hbm>>
      %dma_wait3A_549 = tpu.memref_squeeze %dma_wait3A_548 : memref<1x1x40xi32, #tpu.memory_space<hbm>> -> memref<40xi32, #tpu.memory_space<hbm>>
      tpu.wait_dma2 semaphore(%arg29 : memref<!tpu.dma_semaphore, #tpu.memory_space<semaphore_mem>>) src(%dma_wait3A_549 : memref<40xi32, #tpu.memory_space<hbm>>) dst(%arg14 : memref<40xi32, #tpu.memory_space<vmem>>)
      %add3A_550 = arith.constant 2 : i32
      %add3A_551 = arith.addi %add3A_496, %add3A_550 : i32
      %mul3A_552 = arith.constant 10000 : i32
      %mul3A_553 = arith.muli %add3A, %mul3A_552 : i32
      %mul3A_554 = arith.constant 40 : i32
      %mul3A_555 = arith.muli %add3A_551, %mul3A_554 : i32
      %add3A_556 = arith.addi %mul3A_553, %mul3A_555 : i32
      %dma_start3A_557 = arith.constant 0 : i32
      %dma_start3A_558 = arith.constant 0 : i32
      %dma_start3A_559 = tpu.memref_slice %arg2[%dma_start3A_557, %dma_start3A_558] : memref<10000x128xf32, #tpu.memory_space<hbm>> -> memref<10000x128xf32, #tpu.memory_space<hbm>>
      tpu.enqueue_indirect_dma source(%dma_start3A_559 : memref<10000x128xf32, #tpu.memory_space<hbm>>) target(%arg18 : memref<40x128xf32, #tpu.memory_space<vmem>>) offsets(%arg10 : memref<40xi32, #tpu.memory_space<vmem>>) semaphore(%arg25 : memref<!tpu.dma_semaphore, #tpu.memory_space<semaphore_mem>>)
      %dma_start3A_560 = arith.constant 0 : i32
      %dma_start3A_561 = arith.constant 0 : i32
      %dma_start3A_562 = tpu.memref_slice %arg2[%dma_start3A_560, %dma_start3A_561] : memref<10000x128xf32, #tpu.memory_space<hbm>> -> memref<10000x128xf32, #tpu.memory_space<hbm>>
      tpu.enqueue_indirect_dma source(%dma_start3A_562 : memref<10000x128xf32, #tpu.memory_space<hbm>>) target(%arg20 : memref<40x128xf32, #tpu.memory_space<vmem>>) offsets(%arg14 : memref<40xi32, #tpu.memory_space<vmem>>) semaphore(%arg25 : memref<!tpu.dma_semaphore, #tpu.memory_space<semaphore_mem>>)
      %dma_start3A_563 = arith.constant 0 : i32
      %dma_start3A_564 = tpu.memref_slice %arg5[%add3A_556, %dma_start3A_563] : memref<320000x64xf32, #tpu.memory_space<hbm>> -> memref<40x64xf32, #tpu.memory_space<hbm>>
      %dma_start3A_565 = arith.constant 0 : i32
      %dma_start3A_566 = tpu.memref_slice %arg5[%add3A_556, %dma_start3A_565] : memref<320000x64xf32, #tpu.memory_space<hbm>> -> memref<40x64xf32, #tpu.memory_space<hbm>>
      tpu.enqueue_dma source(%dma_start3A_566 : memref<40x64xf32, #tpu.memory_space<hbm>>) target(%arg22 : memref<40x64xf32, #tpu.memory_space<vmem>>) target_semaphore(%arg25 : memref<!tpu.dma_semaphore, #tpu.memory_space<semaphore_mem>>)
      %add3A_567 = arith.constant 4 : i32
      %add3A_568 = arith.addi %add3A_496, %add3A_567 : i32
      %dma_start3A_569 = arith.constant 0 : i32
      %dma_start3A_570 = tpu.memref_slice %arg3[%add3A, %add3A_568, %dma_start3A_569] : memref<32x250x40xi32, #tpu.memory_space<hbm>> -> memref<1x1x40xi32, #tpu.memory_space<hbm>>
      %dma_start3A_571 = tpu.memref_squeeze %dma_start3A_570 : memref<1x1x40xi32, #tpu.memory_space<hbm>> -> memref<40xi32, #tpu.memory_space<hbm>>
      %dma_start3A_572 = arith.constant 0 : i32
      %dma_start3A_573 = tpu.memref_slice %arg3[%add3A, %add3A_568, %dma_start3A_572] : memref<32x250x40xi32, #tpu.memory_space<hbm>> -> memref<1x1x40xi32, #tpu.memory_space<hbm>>
      %dma_start3A_574 = tpu.memref_squeeze %dma_start3A_573 : memref<1x1x40xi32, #tpu.memory_space<hbm>> -> memref<40xi32, #tpu.memory_space<hbm>>
      tpu.enqueue_dma source(%dma_start3A_574 : memref<40xi32, #tpu.memory_space<hbm>>) target(%arg12 : memref<40xi32, #tpu.memory_space<vmem>>) target_semaphore(%arg31 : memref<!tpu.dma_semaphore, #tpu.memory_space<semaphore_mem>>)
      %dma_start3A_575 = arith.constant 0 : i32
      %dma_start3A_576 = tpu.memref_slice %arg4[%add3A, %add3A_568, %dma_start3A_575] : memref<32x250x40xi32, #tpu.memory_space<hbm>> -> memref<1x1x40xi32, #tpu.memory_space<hbm>>
      %dma_start3A_577 = tpu.memref_squeeze %dma_start3A_576 : memref<1x1x40xi32, #tpu.memory_space<hbm>> -> memref<40xi32, #tpu.memory_space<hbm>>
      %dma_start3A_578 = arith.constant 0 : i32
      %dma_start3A_579 = tpu.memref_slice %arg4[%add3A, %add3A_568, %dma_start3A_578] : memref<32x250x40xi32, #tpu.memory_space<hbm>> -> memref<1x1x40xi32, #tpu.memory_space<hbm>>
      %dma_start3A_580 = tpu.memref_squeeze %dma_start3A_579 : memref<1x1x40xi32, #tpu.memory_space<hbm>> -> memref<40xi32, #tpu.memory_space<hbm>>
      tpu.enqueue_dma source(%dma_start3A_580 : memref<40xi32, #tpu.memory_space<hbm>>) target(%arg16 : memref<40xi32, #tpu.memory_space<vmem>>) target_semaphore(%arg31 : memref<!tpu.dma_semaphore, #tpu.memory_space<semaphore_mem>>)
    }
    %scan3A_119 = arith.constant 62 : i32
    %mul3A_120 = arith.constant 10000 : i32
    %mul3A_121 = arith.muli %add3A, %mul3A_120 : i32
    %add3A_122 = arith.constant 9920 : i32
    %add3A_123 = arith.addi %mul3A_121, %add3A_122 : i32
    %dma_wait3A_124 = arith.constant 0 : i32
    %dma_wait3A_125 = arith.constant 0 : i32
    %dma_wait3A_126 = tpu.memref_slice %arg2[%dma_wait3A_124, %dma_wait3A_125] : memref<10000x128xf32, #tpu.memory_space<hbm>> -> memref<10000x128xf32, #tpu.memory_space<hbm>>
    tpu.wait_indirect_dma semaphore(%arg24 : memref<!tpu.dma_semaphore, #tpu.memory_space<semaphore_mem>>) src(%dma_wait3A_126 : memref<10000x128xf32, #tpu.memory_space<hbm>>) dst(%arg17 : memref<40x128xf32, #tpu.memory_space<vmem>>)
    %dma_wait3A_127 = arith.constant 0 : i32
    %dma_wait3A_128 = arith.constant 0 : i32
    %dma_wait3A_129 = tpu.memref_slice %arg2[%dma_wait3A_127, %dma_wait3A_128] : memref<10000x128xf32, #tpu.memory_space<hbm>> -> memref<10000x128xf32, #tpu.memory_space<hbm>>
    tpu.wait_indirect_dma semaphore(%arg24 : memref<!tpu.dma_semaphore, #tpu.memory_space<semaphore_mem>>) src(%dma_wait3A_129 : memref<10000x128xf32, #tpu.memory_space<hbm>>) dst(%arg19 : memref<40x128xf32, #tpu.memory_space<vmem>>)
    %dma_wait3A_130 = arith.constant 0 : i32
    %dma_wait3A_131 = tpu.memref_slice %arg5[%add3A_123, %dma_wait3A_130] : memref<320000x64xf32, #tpu.memory_space<hbm>> -> memref<40x64xf32, #tpu.memory_space<hbm>>
    %dma_wait3A_132 = arith.constant 0 : i32
    %dma_wait3A_133 = tpu.memref_slice %arg5[%add3A_123, %dma_wait3A_132] : memref<320000x64xf32, #tpu.memory_space<hbm>> -> memref<40x64xf32, #tpu.memory_space<hbm>>
    tpu.wait_dma2 semaphore(%arg24 : memref<!tpu.dma_semaphore, #tpu.memory_space<semaphore_mem>>) src(%dma_wait3A_133 : memref<40x64xf32, #tpu.memory_space<hbm>>) dst(%arg21 : memref<40x64xf32, #tpu.memory_space<vmem>>)
    %scan3A_134 = arith.constant 0 : i32
    %scan3A_135 = arith.constant 0 : i32
    %scan3A_136 = arith.constant 40 : i32
    %scan3A_137 = arith.addi %scan3A_135, %scan3A_136 : i32
    %scan3A_138 = arith.constant 1 : i32
    scf.for %scan3A_228 = %scan3A_135 to %scan3A_137 step %scan3A_138  : i32 {
      %get3A = arith.index_cast %scan3A_228 : i32 to index
      %get3A_229 = arith.constant 0 : index
      %get3A_230 = tpu.vector_load %arg17[%get3A, %get3A_229] {strides = array<i32>} : memref<40x128xf32, #tpu.memory_space<vmem>>, vector<1x16xf32>,
      %get3A_231 = vector.shape_cast %get3A_230 : vector<1x16xf32> to vector<16xf32>
      %get3A_232 = arith.index_cast %scan3A_228 : i32 to index
      %get3A_233 = arith.constant 64 : index
      %get3A_234 = tpu.vector_load %arg17[%get3A_232, %get3A_233] {strides = array<i32>} : memref<40x128xf32, #tpu.memory_space<vmem>>, vector<1x16xf32>,
      %get3A_235 = vector.shape_cast %get3A_234 : vector<1x16xf32> to vector<16xf32>
      %get3A_236 = arith.index_cast %scan3A_228 : i32 to index
      %get3A_237 = arith.constant 0 : index
      %get3A_238 = tpu.vector_load %arg19[%get3A_236, %get3A_237] {strides = array<i32>} : memref<40x128xf32, #tpu.memory_space<vmem>>, vector<1x16xf32>,
      %get3A_239 = vector.shape_cast %get3A_238 : vector<1x16xf32> to vector<16xf32>
      %get3A_240 = arith.index_cast %scan3A_228 : i32 to index
      %get3A_241 = arith.constant 64 : index
      %get3A_242 = tpu.vector_load %arg19[%get3A_240, %get3A_241] {strides = array<i32>} : memref<40x128xf32, #tpu.memory_space<vmem>>, vector<1x16xf32>,
      %get3A_243 = vector.shape_cast %get3A_242 : vector<1x16xf32> to vector<16xf32>
      %add3A_244 = arith.addf %get3A_231, %get3A_243 : vector<16xf32>
      %max3A = arith.constant 0.000000e+00 : f32
      %max3A_245 = vector.broadcast %max3A : f32 to vector<16xf32>
      %max3A_246 = arith.maximumf %add3A_244, %max3A_245 : vector<16xf32>
      %swap3A = arith.index_cast %scan3A_228 : i32 to index
      %swap3A_247 = arith.constant 0 : index
      %swap3A_248 = tpu.vector_load %arg17[%swap3A, %swap3A_247] {strides = array<i32>} : memref<40x128xf32, #tpu.memory_space<vmem>>, vector<1x16xf32>,
      %swap3A_249 = vector.shape_cast %swap3A_248 : vector<1x16xf32> to vector<16xf32>
      %swap3A_250 = vector.shape_cast %max3A_246 : vector<16xf32> to vector<1x16xf32>
      tpu.vector_store %arg17[%swap3A, %swap3A_247], %swap3A_250 {strides = array<i32>} : memref<40x128xf32, #tpu.memory_space<vmem>>, vector<1x16xf32>,
      %add3A_251 = arith.addf %get3A_235, %get3A_239 : vector<16xf32>
      %max3A_252 = arith.constant 0.000000e+00 : f32
      %max3A_253 = vector.broadcast %max3A_252 : f32 to vector<16xf32>
      %max3A_254 = arith.maximumf %add3A_251, %max3A_253 : vector<16xf32>
      %swap3A_255 = arith.index_cast %scan3A_228 : i32 to index
      %swap3A_256 = arith.constant 64 : index
      %swap3A_257 = tpu.vector_load %arg17[%swap3A_255, %swap3A_256] {strides = array<i32>} : memref<40x128xf32, #tpu.memory_space<vmem>>, vector<1x16xf32>,
      %swap3A_258 = vector.shape_cast %swap3A_257 : vector<1x16xf32> to vector<16xf32>
      %swap3A_259 = vector.shape_cast %max3A_254 : vector<16xf32> to vector<1x16xf32>
      tpu.vector_store %arg17[%swap3A_255, %swap3A_256], %swap3A_259 {strides = array<i32>} : memref<40x128xf32, #tpu.memory_space<vmem>>, vector<1x16xf32>,
      %get3A_260 = arith.index_cast %scan3A_228 : i32 to index
      %get3A_261 = arith.constant 16 : index
      %get3A_262 = tpu.vector_load %arg17[%get3A_260, %get3A_261] {strides = array<i32>} : memref<40x128xf32, #tpu.memory_space<vmem>>, vector<1x16xf32>,
      %get3A_263 = vector.shape_cast %get3A_262 : vector<1x16xf32> to vector<16xf32>
      %get3A_264 = arith.index_cast %scan3A_228 : i32 to index
      %get3A_265 = arith.constant 80 : index
      %get3A_266 = tpu.vector_load %arg17[%get3A_264, %get3A_265] {strides = array<i32>} : memref<40x128xf32, #tpu.memory_space<vmem>>, vector<1x16xf32>,
      %get3A_267 = vector.shape_cast %get3A_266 : vector<1x16xf32> to vector<16xf32>
      %get3A_268 = arith.index_cast %scan3A_228 : i32 to index
      %get3A_269 = arith.constant 16 : index
      %get3A_270 = tpu.vector_load %arg19[%get3A_268, %get3A_269] {strides = array<i32>} : memref<40x128xf32, #tpu.memory_space<vmem>>, vector<1x16xf32>,
      %get3A_271 = vector.shape_cast %get3A_270 : vector<1x16xf32> to vector<16xf32>
      %get3A_272 = arith.index_cast %scan3A_228 : i32 to index
      %get3A_273 = arith.constant 80 : index
      %get3A_274 = tpu.vector_load %arg19[%get3A_272, %get3A_273] {strides = array<i32>} : memref<40x128xf32, #tpu.memory_space<vmem>>, vector<1x16xf32>,
      %get3A_275 = vector.shape_cast %get3A_274 : vector<1x16xf32> to vector<16xf32>
      %add3A_276 = arith.addf %get3A_263, %get3A_275 : vector<16xf32>
      %max3A_277 = arith.constant 0.000000e+00 : f32
      %max3A_278 = vector.broadcast %max3A_277 : f32 to vector<16xf32>
      %max3A_279 = arith.maximumf %add3A_276, %max3A_278 : vector<16xf32>
      %swap3A_280 = arith.index_cast %scan3A_228 : i32 to index
      %swap3A_281 = arith.constant 16 : index
      %swap3A_282 = tpu.vector_load %arg17[%swap3A_280, %swap3A_281] {strides = array<i32>} : memref<40x128xf32, #tpu.memory_space<vmem>>, vector<1x16xf32>,
      %swap3A_283 = vector.shape_cast %swap3A_282 : vector<1x16xf32> to vector<16xf32>
      %swap3A_284 = vector.shape_cast %max3A_279 : vector<16xf32> to vector<1x16xf32>
      tpu.vector_store %arg17[%swap3A_280, %swap3A_281], %swap3A_284 {strides = array<i32>} : memref<40x128xf32, #tpu.memory_space<vmem>>, vector<1x16xf32>,
      %add3A_285 = arith.addf %get3A_267, %get3A_271 : vector<16xf32>
      %max3A_286 = arith.constant 0.000000e+00 : f32
      %max3A_287 = vector.broadcast %max3A_286 : f32 to vector<16xf32>
      %max3A_288 = arith.maximumf %add3A_285, %max3A_287 : vector<16xf32>
      %swap3A_289 = arith.index_cast %scan3A_228 : i32 to index
      %swap3A_290 = arith.constant 80 : index
      %swap3A_291 = tpu.vector_load %arg17[%swap3A_289, %swap3A_290] {strides = array<i32>} : memref<40x128xf32, #tpu.memory_space<vmem>>, vector<1x16xf32>,
      %swap3A_292 = vector.shape_cast %swap3A_291 : vector<1x16xf32> to vector<16xf32>
      %swap3A_293 = vector.shape_cast %max3A_288 : vector<16xf32> to vector<1x16xf32>
      tpu.vector_store %arg17[%swap3A_289, %swap3A_290], %swap3A_293 {strides = array<i32>} : memref<40x128xf32, #tpu.memory_space<vmem>>, vector<1x16xf32>,
      %get3A_294 = arith.index_cast %scan3A_228 : i32 to index
      %get3A_295 = arith.constant 32 : index
      %get3A_296 = tpu.vector_load %arg17[%get3A_294, %get3A_295] {strides = array<i32>} : memref<40x128xf32, #tpu.memory_space<vmem>>, vector<1x16xf32>,
      %get3A_297 = vector.shape_cast %get3A_296 : vector<1x16xf32> to vector<16xf32>
      %get3A_298 = arith.index_cast %scan3A_228 : i32 to index
      %get3A_299 = arith.constant 96 : index
      %get3A_300 = tpu.vector_load %arg17[%get3A_298, %get3A_299] {strides = array<i32>} : memref<40x128xf32, #tpu.memory_space<vmem>>, vector<1x16xf32>,
      %get3A_301 = vector.shape_cast %get3A_300 : vector<1x16xf32> to vector<16xf32>
      %get3A_302 = arith.index_cast %scan3A_228 : i32 to index
      %get3A_303 = arith.constant 32 : index
      %get3A_304 = tpu.vector_load %arg19[%get3A_302, %get3A_303] {strides = array<i32>} : memref<40x128xf32, #tpu.memory_space<vmem>>, vector<1x16xf32>,
      %get3A_305 = vector.shape_cast %get3A_304 : vector<1x16xf32> to vector<16xf32>
      %get3A_306 = arith.index_cast %scan3A_228 : i32 to index
      %get3A_307 = arith.constant 96 : index
      %get3A_308 = tpu.vector_load %arg19[%get3A_306, %get3A_307] {strides = array<i32>} : memref<40x128xf32, #tpu.memory_space<vmem>>, vector<1x16xf32>,
      %get3A_309 = vector.shape_cast %get3A_308 : vector<1x16xf32> to vector<16xf32>
      %add3A_310 = arith.addf %get3A_297, %get3A_309 : vector<16xf32>
      %max3A_311 = arith.constant 0.000000e+00 : f32
      %max3A_312 = vector.broadcast %max3A_311 : f32 to vector<16xf32>
      %max3A_313 = arith.maximumf %add3A_310, %max3A_312 : vector<16xf32>
      %swap3A_314 = arith.index_cast %scan3A_228 : i32 to index
      %swap3A_315 = arith.constant 32 : index
      %swap3A_316 = tpu.vector_load %arg17[%swap3A_314, %swap3A_315] {strides = array<i32>} : memref<40x128xf32, #tpu.memory_space<vmem>>, vector<1x16xf32>,
      %swap3A_317 = vector.shape_cast %swap3A_316 : vector<1x16xf32> to vector<16xf32>
      %swap3A_318 = vector.shape_cast %max3A_313 : vector<16xf32> to vector<1x16xf32>
      tpu.vector_store %arg17[%swap3A_314, %swap3A_315], %swap3A_318 {strides = array<i32>} : memref<40x128xf32, #tpu.memory_space<vmem>>, vector<1x16xf32>,
      %add3A_319 = arith.addf %get3A_301, %get3A_305 : vector<16xf32>
      %max3A_320 = arith.constant 0.000000e+00 : f32
      %max3A_321 = vector.broadcast %max3A_320 : f32 to vector<16xf32>
      %max3A_322 = arith.maximumf %add3A_319, %max3A_321 : vector<16xf32>
      %swap3A_323 = arith.index_cast %scan3A_228 : i32 to index
      %swap3A_324 = arith.constant 96 : index
      %swap3A_325 = tpu.vector_load %arg17[%swap3A_323, %swap3A_324] {strides = array<i32>} : memref<40x128xf32, #tpu.memory_space<vmem>>, vector<1x16xf32>,
      %swap3A_326 = vector.shape_cast %swap3A_325 : vector<1x16xf32> to vector<16xf32>
      %swap3A_327 = vector.shape_cast %max3A_322 : vector<16xf32> to vector<1x16xf32>
      tpu.vector_store %arg17[%swap3A_323, %swap3A_324], %swap3A_327 {strides = array<i32>} : memref<40x128xf32, #tpu.memory_space<vmem>>, vector<1x16xf32>,
      %get3A_328 = arith.index_cast %scan3A_228 : i32 to index
      %get3A_329 = arith.constant 48 : index
      %get3A_330 = tpu.vector_load %arg17[%get3A_328, %get3A_329] {strides = array<i32>} : memref<40x128xf32, #tpu.memory_space<vmem>>, vector<1x16xf32>,
      %get3A_331 = vector.shape_cast %get3A_330 : vector<1x16xf32> to vector<16xf32>
      %get3A_332 = arith.index_cast %scan3A_228 : i32 to index
      %get3A_333 = arith.constant 112 : index
      %get3A_334 = tpu.vector_load %arg17[%get3A_332, %get3A_333] {strides = array<i32>} : memref<40x128xf32, #tpu.memory_space<vmem>>, vector<1x16xf32>,
      %get3A_335 = vector.shape_cast %get3A_334 : vector<1x16xf32> to vector<16xf32>
      %get3A_336 = arith.index_cast %scan3A_228 : i32 to index
      %get3A_337 = arith.constant 48 : index
      %get3A_338 = tpu.vector_load %arg19[%get3A_336, %get3A_337] {strides = array<i32>} : memref<40x128xf32, #tpu.memory_space<vmem>>, vector<1x16xf32>,
      %get3A_339 = vector.shape_cast %get3A_338 : vector<1x16xf32> to vector<16xf32>
      %get3A_340 = arith.index_cast %scan3A_228 : i32 to index
      %get3A_341 = arith.constant 112 : index
      %get3A_342 = tpu.vector_load %arg19[%get3A_340, %get3A_341] {strides = array<i32>} : memref<40x128xf32, #tpu.memory_space<vmem>>, vector<1x16xf32>,
      %get3A_343 = vector.shape_cast %get3A_342 : vector<1x16xf32> to vector<16xf32>
      %add3A_344 = arith.addf %get3A_331, %get3A_343 : vector<16xf32>
      %max3A_345 = arith.constant 0.000000e+00 : f32
      %max3A_346 = vector.broadcast %max3A_345 : f32 to vector<16xf32>
      %max3A_347 = arith.maximumf %add3A_344, %max3A_346 : vector<16xf32>
      %swap3A_348 = arith.index_cast %scan3A_228 : i32 to index
      %swap3A_349 = arith.constant 48 : index
      %swap3A_350 = tpu.vector_load %arg17[%swap3A_348, %swap3A_349] {strides = array<i32>} : memref<40x128xf32, #tpu.memory_space<vmem>>, vector<1x16xf32>,
      %swap3A_351 = vector.shape_cast %swap3A_350 : vector<1x16xf32> to vector<16xf32>
      %swap3A_352 = vector.shape_cast %max3A_347 : vector<16xf32> to vector<1x16xf32>
      tpu.vector_store %arg17[%swap3A_348, %swap3A_349], %swap3A_352 {strides = array<i32>} : memref<40x128xf32, #tpu.memory_space<vmem>>, vector<1x16xf32>,
      %add3A_353 = arith.addf %get3A_335, %get3A_339 : vector<16xf32>
      %max3A_354 = arith.constant 0.000000e+00 : f32
      %max3A_355 = vector.broadcast %max3A_354 : f32 to vector<16xf32>
      %max3A_356 = arith.maximumf %add3A_353, %max3A_355 : vector<16xf32>
      %swap3A_357 = arith.index_cast %scan3A_228 : i32 to index
      %swap3A_358 = arith.constant 112 : index
      %swap3A_359 = tpu.vector_load %arg17[%swap3A_357, %swap3A_358] {strides = array<i32>} : memref<40x128xf32, #tpu.memory_space<vmem>>, vector<1x16xf32>,
      %swap3A_360 = vector.shape_cast %swap3A_359 : vector<1x16xf32> to vector<16xf32>
      %swap3A_361 = vector.shape_cast %max3A_356 : vector<16xf32> to vector<1x16xf32>
      tpu.vector_store %arg17[%swap3A_357, %swap3A_358], %swap3A_361 {strides = array<i32>} : memref<40x128xf32, #tpu.memory_space<vmem>>, vector<1x16xf32>,
    }
    %scan3A_139 = arith.constant 40 : i32
    %mul3A_140 = arith.constant 10000 : i32
    %mul3A_141 = arith.muli %add3A, %mul3A_140 : i32
    %add3A_142 = arith.constant 9920 : i32
    %add3A_143 = arith.addi %mul3A_141, %add3A_142 : i32
    %dma_start3A_144 = arith.constant 0 : i32
    %dma_start3A_145 = tpu.memref_slice %arg7[%add3A_143, %dma_start3A_144] : memref<320000x128xf32, #tpu.memory_space<hbm>> -> memref<40x128xf32, #tpu.memory_space<hbm>>
    %dma_start3A_146 = arith.constant 0 : i32
    %dma_start3A_147 = tpu.memref_slice %arg7[%add3A_143, %dma_start3A_146] : memref<320000x128xf32, #tpu.memory_space<hbm>> -> memref<40x128xf32, #tpu.memory_space<hbm>>
    tpu.enqueue_dma source(%arg17 : memref<40x128xf32, #tpu.memory_space<vmem>>) target(%dma_start3A_147 : memref<40x128xf32, #tpu.memory_space<hbm>>) target_semaphore(%arg26 : memref<!tpu.dma_semaphore, #tpu.memory_space<semaphore_mem>>)
    "tpu.region"() ({
      %run_scoped3A = tpu.sem_alloc : memref<!tpu.dma_semaphore, #tpu.memory_space<semaphore_mem>>
      %dma_start3A_228 = arith.constant 0 : i32
      %dma_start3A_229 = arith.constant 0 : i32
      %dma_start3A_230 = tpu.memref_slice %arg23[%dma_start3A_228, %dma_start3A_229] : memref<10240x64xf32, #tpu.memory_space<vmem_shared>> -> memref<10240x64xf32, #tpu.memory_space<vmem_shared>>
      tpu.enqueue_indirect_dma source(%arg21 : memref<40x64xf32, #tpu.memory_space<vmem>>) target(%dma_start3A_230 : memref<10240x64xf32, #tpu.memory_space<vmem_shared>>) offsets(%arg13 : memref<40xi32, #tpu.memory_space<vmem>>) semaphore(%run_scoped3A : memref<!tpu.dma_semaphore, #tpu.memory_space<semaphore_mem>>) {add = true}
      %dma_wait3A_231 = arith.constant 0 : i32
      %dma_wait3A_232 = arith.constant 0 : i32
      %dma_wait3A_233 = tpu.memref_slice %arg23[%dma_wait3A_231, %dma_wait3A_232] : memref<10240x64xf32, #tpu.memory_space<vmem_shared>> -> memref<10240x64xf32, #tpu.memory_space<vmem_shared>>
      tpu.wait_indirect_dma semaphore(%run_scoped3A : memref<!tpu.dma_semaphore, #tpu.memory_space<semaphore_mem>>) src(%arg21 : memref<40x64xf32, #tpu.memory_space<vmem>>) dst(%dma_wait3A_233 : memref<10240x64xf32, #tpu.memory_space<vmem_shared>>)
      tpu.yield
    }) : () -> ()
    %mul3A_148 = arith.constant 10000 : i32
    %mul3A_149 = arith.muli %add3A, %mul3A_148 : i32
    %add3A_150 = arith.constant 9920 : i32
    %add3A_151 = arith.addi %mul3A_149, %add3A_150 : i32
    %dma_wait3A_152 = arith.constant 0 : i32
    %dma_wait3A_153 = tpu.memref_slice %arg7[%add3A_151, %dma_wait3A_152] : memref<320000x128xf32, #tpu.memory_space<hbm>> -> memref<40x128xf32, #tpu.memory_space<hbm>>
    %dma_wait3A_154 = arith.constant 0 : i32
    %dma_wait3A_155 = tpu.memref_slice %arg7[%add3A_151, %dma_wait3A_154] : memref<320000x128xf32, #tpu.memory_space<hbm>> -> memref<40x128xf32, #tpu.memory_space<hbm>>
    tpu.wait_dma2 semaphore(%arg26 : memref<!tpu.dma_semaphore, #tpu.memory_space<semaphore_mem>>) src(%arg17 : memref<40x128xf32, #tpu.memory_space<vmem>>) dst(%dma_wait3A_155 : memref<40x128xf32, #tpu.memory_space<hbm>>)
    %mul3A_156 = arith.constant 10000 : i32
    %mul3A_157 = arith.muli %add3A, %mul3A_156 : i32
    %add3A_158 = arith.constant 9960 : i32
    %add3A_159 = arith.addi %mul3A_157, %add3A_158 : i32
    %dma_wait3A_160 = arith.constant 0 : i32
    %dma_wait3A_161 = arith.constant 0 : i32
    %dma_wait3A_162 = tpu.memref_slice %arg2[%dma_wait3A_160, %dma_wait3A_161] : memref<10000x128xf32, #tpu.memory_space<hbm>> -> memref<10000x128xf32, #tpu.memory_space<hbm>>
    tpu.wait_indirect_dma semaphore(%arg25 : memref<!tpu.dma_semaphore, #tpu.memory_space<semaphore_mem>>) src(%dma_wait3A_162 : memref<10000x128xf32, #tpu.memory_space<hbm>>) dst(%arg18 : memref<40x128xf32, #tpu.memory_space<vmem>>)
    %dma_wait3A_163 = arith.constant 0 : i32
    %dma_wait3A_164 = arith.constant 0 : i32
    %dma_wait3A_165 = tpu.memref_slice %arg2[%dma_wait3A_163, %dma_wait3A_164] : memref<10000x128xf32, #tpu.memory_space<hbm>> -> memref<10000x128xf32, #tpu.memory_space<hbm>>
    tpu.wait_indirect_dma semaphore(%arg25 : memref<!tpu.dma_semaphore, #tpu.memory_space<semaphore_mem>>) src(%dma_wait3A_165 : memref<10000x128xf32, #tpu.memory_space<hbm>>) dst(%arg20 : memref<40x128xf32, #tpu.memory_space<vmem>>)
    %dma_wait3A_166 = arith.constant 0 : i32
    %dma_wait3A_167 = tpu.memref_slice %arg5[%add3A_159, %dma_wait3A_166] : memref<320000x64xf32, #tpu.memory_space<hbm>> -> memref<40x64xf32, #tpu.memory_space<hbm>>
    %dma_wait3A_168 = arith.constant 0 : i32
    %dma_wait3A_169 = tpu.memref_slice %arg5[%add3A_159, %dma_wait3A_168] : memref<320000x64xf32, #tpu.memory_space<hbm>> -> memref<40x64xf32, #tpu.memory_space<hbm>>
    tpu.wait_dma2 semaphore(%arg25 : memref<!tpu.dma_semaphore, #tpu.memory_space<semaphore_mem>>) src(%dma_wait3A_169 : memref<40x64xf32, #tpu.memory_space<hbm>>) dst(%arg22 : memref<40x64xf32, #tpu.memory_space<vmem>>)
    %scan3A_170 = arith.constant 0 : i32
    %scan3A_171 = arith.constant 0 : i32
    %scan3A_172 = arith.constant 40 : i32
    %scan3A_173 = arith.addi %scan3A_171, %scan3A_172 : i32
    %scan3A_174 = arith.constant 1 : i32
    scf.for %scan3A_228 = %scan3A_171 to %scan3A_173 step %scan3A_174  : i32 {
      %get3A = arith.index_cast %scan3A_228 : i32 to index
      %get3A_229 = arith.constant 0 : index
      %get3A_230 = tpu.vector_load %arg18[%get3A, %get3A_229] {strides = array<i32>} : memref<40x128xf32, #tpu.memory_space<vmem>>, vector<1x16xf32>,
      %get3A_231 = vector.shape_cast %get3A_230 : vector<1x16xf32> to vector<16xf32>
      %get3A_232 = arith.index_cast %scan3A_228 : i32 to index
      %get3A_233 = arith.constant 64 : index
      %get3A_234 = tpu.vector_load %arg18[%get3A_232, %get3A_233] {strides = array<i32>} : memref<40x128xf32, #tpu.memory_space<vmem>>, vector<1x16xf32>,
      %get3A_235 = vector.shape_cast %get3A_234 : vector<1x16xf32> to vector<16xf32>
      %get3A_236 = arith.index_cast %scan3A_228 : i32 to index
      %get3A_237 = arith.constant 0 : index
      %get3A_238 = tpu.vector_load %arg20[%get3A_236, %get3A_237] {strides = array<i32>} : memref<40x128xf32, #tpu.memory_space<vmem>>, vector<1x16xf32>,
      %get3A_239 = vector.shape_cast %get3A_238 : vector<1x16xf32> to vector<16xf32>
      %get3A_240 = arith.index_cast %scan3A_228 : i32 to index
      %get3A_241 = arith.constant 64 : index
      %get3A_242 = tpu.vector_load %arg20[%get3A_240, %get3A_241] {strides = array<i32>} : memref<40x128xf32, #tpu.memory_space<vmem>>, vector<1x16xf32>,
      %get3A_243 = vector.shape_cast %get3A_242 : vector<1x16xf32> to vector<16xf32>
      %add3A_244 = arith.addf %get3A_231, %get3A_243 : vector<16xf32>
      %max3A = arith.constant 0.000000e+00 : f32
      %max3A_245 = vector.broadcast %max3A : f32 to vector<16xf32>
      %max3A_246 = arith.maximumf %add3A_244, %max3A_245 : vector<16xf32>
      %swap3A = arith.index_cast %scan3A_228 : i32 to index
      %swap3A_247 = arith.constant 0 : index
      %swap3A_248 = tpu.vector_load %arg18[%swap3A, %swap3A_247] {strides = array<i32>} : memref<40x128xf32, #tpu.memory_space<vmem>>, vector<1x16xf32>,
      %swap3A_249 = vector.shape_cast %swap3A_248 : vector<1x16xf32> to vector<16xf32>
      %swap3A_250 = vector.shape_cast %max3A_246 : vector<16xf32> to vector<1x16xf32>
      tpu.vector_store %arg18[%swap3A, %swap3A_247], %swap3A_250 {strides = array<i32>} : memref<40x128xf32, #tpu.memory_space<vmem>>, vector<1x16xf32>,
      %add3A_251 = arith.addf %get3A_235, %get3A_239 : vector<16xf32>
      %max3A_252 = arith.constant 0.000000e+00 : f32
      %max3A_253 = vector.broadcast %max3A_252 : f32 to vector<16xf32>
      %max3A_254 = arith.maximumf %add3A_251, %max3A_253 : vector<16xf32>
      %swap3A_255 = arith.index_cast %scan3A_228 : i32 to index
      %swap3A_256 = arith.constant 64 : index
      %swap3A_257 = tpu.vector_load %arg18[%swap3A_255, %swap3A_256] {strides = array<i32>} : memref<40x128xf32, #tpu.memory_space<vmem>>, vector<1x16xf32>,
      %swap3A_258 = vector.shape_cast %swap3A_257 : vector<1x16xf32> to vector<16xf32>
      %swap3A_259 = vector.shape_cast %max3A_254 : vector<16xf32> to vector<1x16xf32>
      tpu.vector_store %arg18[%swap3A_255, %swap3A_256], %swap3A_259 {strides = array<i32>} : memref<40x128xf32, #tpu.memory_space<vmem>>, vector<1x16xf32>,
      %get3A_260 = arith.index_cast %scan3A_228 : i32 to index
      %get3A_261 = arith.constant 16 : index
      %get3A_262 = tpu.vector_load %arg18[%get3A_260, %get3A_261] {strides = array<i32>} : memref<40x128xf32, #tpu.memory_space<vmem>>, vector<1x16xf32>,
      %get3A_263 = vector.shape_cast %get3A_262 : vector<1x16xf32> to vector<16xf32>
      %get3A_264 = arith.index_cast %scan3A_228 : i32 to index
      %get3A_265 = arith.constant 80 : index
      %get3A_266 = tpu.vector_load %arg18[%get3A_264, %get3A_265] {strides = array<i32>} : memref<40x128xf32, #tpu.memory_space<vmem>>, vector<1x16xf32>,
      %get3A_267 = vector.shape_cast %get3A_266 : vector<1x16xf32> to vector<16xf32>
      %get3A_268 = arith.index_cast %scan3A_228 : i32 to index
      %get3A_269 = arith.constant 16 : index
      %get3A_270 = tpu.vector_load %arg20[%get3A_268, %get3A_269] {strides = array<i32>} : memref<40x128xf32, #tpu.memory_space<vmem>>, vector<1x16xf32>,
      %get3A_271 = vector.shape_cast %get3A_270 : vector<1x16xf32> to vector<16xf32>
      %get3A_272 = arith.index_cast %scan3A_228 : i32 to index
      %get3A_273 = arith.constant 80 : index
      %get3A_274 = tpu.vector_load %arg20[%get3A_272, %get3A_273] {strides = array<i32>} : memref<40x128xf32, #tpu.memory_space<vmem>>, vector<1x16xf32>,
      %get3A_275 = vector.shape_cast %get3A_274 : vector<1x16xf32> to vector<16xf32>
      %add3A_276 = arith.addf %get3A_263, %get3A_275 : vector<16xf32>
      %max3A_277 = arith.constant 0.000000e+00 : f32
      %max3A_278 = vector.broadcast %max3A_277 : f32 to vector<16xf32>
      %max3A_279 = arith.maximumf %add3A_276, %max3A_278 : vector<16xf32>
      %swap3A_280 = arith.index_cast %scan3A_228 : i32 to index
      %swap3A_281 = arith.constant 16 : index
      %swap3A_282 = tpu.vector_load %arg18[%swap3A_280, %swap3A_281] {strides = array<i32>} : memref<40x128xf32, #tpu.memory_space<vmem>>, vector<1x16xf32>,
      %swap3A_283 = vector.shape_cast %swap3A_282 : vector<1x16xf32> to vector<16xf32>
      %swap3A_284 = vector.shape_cast %max3A_279 : vector<16xf32> to vector<1x16xf32>
      tpu.vector_store %arg18[%swap3A_280, %swap3A_281], %swap3A_284 {strides = array<i32>} : memref<40x128xf32, #tpu.memory_space<vmem>>, vector<1x16xf32>,
      %add3A_285 = arith.addf %get3A_267, %get3A_271 : vector<16xf32>
      %max3A_286 = arith.constant 0.000000e+00 : f32
      %max3A_287 = vector.broadcast %max3A_286 : f32 to vector<16xf32>
      %max3A_288 = arith.maximumf %add3A_285, %max3A_287 : vector<16xf32>
      %swap3A_289 = arith.index_cast %scan3A_228 : i32 to index
      %swap3A_290 = arith.constant 80 : index
      %swap3A_291 = tpu.vector_load %arg18[%swap3A_289, %swap3A_290] {strides = array<i32>} : memref<40x128xf32, #tpu.memory_space<vmem>>, vector<1x16xf32>,
      %swap3A_292 = vector.shape_cast %swap3A_291 : vector<1x16xf32> to vector<16xf32>
      %swap3A_293 = vector.shape_cast %max3A_288 : vector<16xf32> to vector<1x16xf32>
      tpu.vector_store %arg18[%swap3A_289, %swap3A_290], %swap3A_293 {strides = array<i32>} : memref<40x128xf32, #tpu.memory_space<vmem>>, vector<1x16xf32>,
      %get3A_294 = arith.index_cast %scan3A_228 : i32 to index
      %get3A_295 = arith.constant 32 : index
      %get3A_296 = tpu.vector_load %arg18[%get3A_294, %get3A_295] {strides = array<i32>} : memref<40x128xf32, #tpu.memory_space<vmem>>, vector<1x16xf32>,
      %get3A_297 = vector.shape_cast %get3A_296 : vector<1x16xf32> to vector<16xf32>
      %get3A_298 = arith.index_cast %scan3A_228 : i32 to index
      %get3A_299 = arith.constant 96 : index
      %get3A_300 = tpu.vector_load %arg18[%get3A_298, %get3A_299] {strides = array<i32>} : memref<40x128xf32, #tpu.memory_space<vmem>>, vector<1x16xf32>,
      %get3A_301 = vector.shape_cast %get3A_300 : vector<1x16xf32> to vector<16xf32>
      %get3A_302 = arith.index_cast %scan3A_228 : i32 to index
      %get3A_303 = arith.constant 32 : index
      %get3A_304 = tpu.vector_load %arg20[%get3A_302, %get3A_303] {strides = array<i32>} : memref<40x128xf32, #tpu.memory_space<vmem>>, vector<1x16xf32>,
      %get3A_305 = vector.shape_cast %get3A_304 : vector<1x16xf32> to vector<16xf32>
      %get3A_306 = arith.index_cast %scan3A_228 : i32 to index
      %get3A_307 = arith.constant 96 : index
      %get3A_308 = tpu.vector_load %arg20[%get3A_306, %get3A_307] {strides = array<i32>} : memref<40x128xf32, #tpu.memory_space<vmem>>, vector<1x16xf32>,
      %get3A_309 = vector.shape_cast %get3A_308 : vector<1x16xf32> to vector<16xf32>
      %add3A_310 = arith.addf %get3A_297, %get3A_309 : vector<16xf32>
      %max3A_311 = arith.constant 0.000000e+00 : f32
      %max3A_312 = vector.broadcast %max3A_311 : f32 to vector<16xf32>
      %max3A_313 = arith.maximumf %add3A_310, %max3A_312 : vector<16xf32>
      %swap3A_314 = arith.index_cast %scan3A_228 : i32 to index
      %swap3A_315 = arith.constant 32 : index
      %swap3A_316 = tpu.vector_load %arg18[%swap3A_314, %swap3A_315] {strides = array<i32>} : memref<40x128xf32, #tpu.memory_space<vmem>>, vector<1x16xf32>,
      %swap3A_317 = vector.shape_cast %swap3A_316 : vector<1x16xf32> to vector<16xf32>
      %swap3A_318 = vector.shape_cast %max3A_313 : vector<16xf32> to vector<1x16xf32>
      tpu.vector_store %arg18[%swap3A_314, %swap3A_315], %swap3A_318 {strides = array<i32>} : memref<40x128xf32, #tpu.memory_space<vmem>>, vector<1x16xf32>,
      %add3A_319 = arith.addf %get3A_301, %get3A_305 : vector<16xf32>
      %max3A_320 = arith.constant 0.000000e+00 : f32
      %max3A_321 = vector.broadcast %max3A_320 : f32 to vector<16xf32>
      %max3A_322 = arith.maximumf %add3A_319, %max3A_321 : vector<16xf32>
      %swap3A_323 = arith.index_cast %scan3A_228 : i32 to index
      %swap3A_324 = arith.constant 96 : index
      %swap3A_325 = tpu.vector_load %arg18[%swap3A_323, %swap3A_324] {strides = array<i32>} : memref<40x128xf32, #tpu.memory_space<vmem>>, vector<1x16xf32>,
      %swap3A_326 = vector.shape_cast %swap3A_325 : vector<1x16xf32> to vector<16xf32>
      %swap3A_327 = vector.shape_cast %max3A_322 : vector<16xf32> to vector<1x16xf32>
      tpu.vector_store %arg18[%swap3A_323, %swap3A_324], %swap3A_327 {strides = array<i32>} : memref<40x128xf32, #tpu.memory_space<vmem>>, vector<1x16xf32>,
      %get3A_328 = arith.index_cast %scan3A_228 : i32 to index
      %get3A_329 = arith.constant 48 : index
      %get3A_330 = tpu.vector_load %arg18[%get3A_328, %get3A_329] {strides = array<i32>} : memref<40x128xf32, #tpu.memory_space<vmem>>, vector<1x16xf32>,
      %get3A_331 = vector.shape_cast %get3A_330 : vector<1x16xf32> to vector<16xf32>
      %get3A_332 = arith.index_cast %scan3A_228 : i32 to index
      %get3A_333 = arith.constant 112 : index
      %get3A_334 = tpu.vector_load %arg18[%get3A_332, %get3A_333] {strides = array<i32>} : memref<40x128xf32, #tpu.memory_space<vmem>>, vector<1x16xf32>,
      %get3A_335 = vector.shape_cast %get3A_334 : vector<1x16xf32> to vector<16xf32>
      %get3A_336 = arith.index_cast %scan3A_228 : i32 to index
      %get3A_337 = arith.constant 48 : index
      %get3A_338 = tpu.vector_load %arg20[%get3A_336, %get3A_337] {strides = array<i32>} : memref<40x128xf32, #tpu.memory_space<vmem>>, vector<1x16xf32>,
      %get3A_339 = vector.shape_cast %get3A_338 : vector<1x16xf32> to vector<16xf32>
      %get3A_340 = arith.index_cast %scan3A_228 : i32 to index
      %get3A_341 = arith.constant 112 : index
      %get3A_342 = tpu.vector_load %arg20[%get3A_340, %get3A_341] {strides = array<i32>} : memref<40x128xf32, #tpu.memory_space<vmem>>, vector<1x16xf32>,
      %get3A_343 = vector.shape_cast %get3A_342 : vector<1x16xf32> to vector<16xf32>
      %add3A_344 = arith.addf %get3A_331, %get3A_343 : vector<16xf32>
      %max3A_345 = arith.constant 0.000000e+00 : f32
      %max3A_346 = vector.broadcast %max3A_345 : f32 to vector<16xf32>
      %max3A_347 = arith.maximumf %add3A_344, %max3A_346 : vector<16xf32>
      %swap3A_348 = arith.index_cast %scan3A_228 : i32 to index
      %swap3A_349 = arith.constant 48 : index
      %swap3A_350 = tpu.vector_load %arg18[%swap3A_348, %swap3A_349] {strides = array<i32>} : memref<40x128xf32, #tpu.memory_space<vmem>>, vector<1x16xf32>,
      %swap3A_351 = vector.shape_cast %swap3A_350 : vector<1x16xf32> to vector<16xf32>
      %swap3A_352 = vector.shape_cast %max3A_347 : vector<16xf32> to vector<1x16xf32>
      tpu.vector_store %arg18[%swap3A_348, %swap3A_349], %swap3A_352 {strides = array<i32>} : memref<40x128xf32, #tpu.memory_space<vmem>>, vector<1x16xf32>,
      %add3A_353 = arith.addf %get3A_335, %get3A_339 : vector<16xf32>
      %max3A_354 = arith.constant 0.000000e+00 : f32
      %max3A_355 = vector.broadcast %max3A_354 : f32 to vector<16xf32>
      %max3A_356 = arith.maximumf %add3A_353, %max3A_355 : vector<16xf32>
      %swap3A_357 = arith.index_cast %scan3A_228 : i32 to index
      %swap3A_358 = arith.constant 112 : index
      %swap3A_359 = tpu.vector_load %arg18[%swap3A_357, %swap3A_358] {strides = array<i32>} : memref<40x128xf32, #tpu.memory_space<vmem>>, vector<1x16xf32>,
      %swap3A_360 = vector.shape_cast %swap3A_359 : vector<1x16xf32> to vector<16xf32>
      %swap3A_361 = vector.shape_cast %max3A_356 : vector<16xf32> to vector<1x16xf32>
      tpu.vector_store %arg18[%swap3A_357, %swap3A_358], %swap3A_361 {strides = array<i32>} : memref<40x128xf32, #tpu.memory_space<vmem>>, vector<1x16xf32>,
    }
    %scan3A_175 = arith.constant 40 : i32
    %mul3A_176 = arith.constant 10000 : i32
    %mul3A_177 = arith.muli %add3A, %mul3A_176 : i32
    %add3A_178 = arith.constant 9960 : i32
    %add3A_179 = arith.addi %mul3A_177, %add3A_178 : i32
    %dma_start3A_180 = arith.constant 0 : i32
    %dma_start3A_181 = tpu.memref_slice %arg7[%add3A_179, %dma_start3A_180] : memref<320000x128xf32, #tpu.memory_space<hbm>> -> memref<40x128xf32, #tpu.memory_space<hbm>>
    %dma_start3A_182 = arith.constant 0 : i32
    %dma_start3A_183 = tpu.memref_slice %arg7[%add3A_179, %dma_start3A_182] : memref<320000x128xf32, #tpu.memory_space<hbm>> -> memref<40x128xf32, #tpu.memory_space<hbm>>
    tpu.enqueue_dma source(%arg18 : memref<40x128xf32, #tpu.memory_space<vmem>>) target(%dma_start3A_183 : memref<40x128xf32, #tpu.memory_space<hbm>>) target_semaphore(%arg27 : memref<!tpu.dma_semaphore, #tpu.memory_space<semaphore_mem>>)
    "tpu.region"() ({
      %run_scoped3A = tpu.sem_alloc : memref<!tpu.dma_semaphore, #tpu.memory_space<semaphore_mem>>
      %dma_start3A_228 = arith.constant 0 : i32
      %dma_start3A_229 = arith.constant 0 : i32
      %dma_start3A_230 = tpu.memref_slice %arg23[%dma_start3A_228, %dma_start3A_229] : memref<10240x64xf32, #tpu.memory_space<vmem_shared>> -> memref<10240x64xf32, #tpu.memory_space<vmem_shared>>
      tpu.enqueue_indirect_dma source(%arg22 : memref<40x64xf32, #tpu.memory_space<vmem>>) target(%dma_start3A_230 : memref<10240x64xf32, #tpu.memory_space<vmem_shared>>) offsets(%arg14 : memref<40xi32, #tpu.memory_space<vmem>>) semaphore(%run_scoped3A : memref<!tpu.dma_semaphore, #tpu.memory_space<semaphore_mem>>) {add = true}
      %dma_wait3A_231 = arith.constant 0 : i32
      %dma_wait3A_232 = arith.constant 0 : i32
      %dma_wait3A_233 = tpu.memref_slice %arg23[%dma_wait3A_231, %dma_wait3A_232] : memref<10240x64xf32, #tpu.memory_space<vmem_shared>> -> memref<10240x64xf32, #tpu.memory_space<vmem_shared>>
      tpu.wait_indirect_dma semaphore(%run_scoped3A : memref<!tpu.dma_semaphore, #tpu.memory_space<semaphore_mem>>) src(%arg22 : memref<40x64xf32, #tpu.memory_space<vmem>>) dst(%dma_wait3A_233 : memref<10240x64xf32, #tpu.memory_space<vmem_shared>>)
      tpu.yield
    }) : () -> ()
    %mul3A_184 = arith.constant 10000 : i32
    %mul3A_185 = arith.muli %add3A, %mul3A_184 : i32
    %add3A_186 = arith.constant 9960 : i32
    %add3A_187 = arith.addi %mul3A_185, %add3A_186 : i32
    %dma_wait3A_188 = arith.constant 0 : i32
    %dma_wait3A_189 = tpu.memref_slice %arg7[%add3A_187, %dma_wait3A_188] : memref<320000x128xf32, #tpu.memory_space<hbm>> -> memref<40x128xf32, #tpu.memory_space<hbm>>
    %dma_wait3A_190 = arith.constant 0 : i32
    %dma_wait3A_191 = tpu.memref_slice %arg7[%add3A_187, %dma_wait3A_190] : memref<320000x128xf32, #tpu.memory_space<hbm>> -> memref<40x128xf32, #tpu.memory_space<hbm>>
    tpu.wait_dma2 semaphore(%arg27 : memref<!tpu.dma_semaphore, #tpu.memory_space<semaphore_mem>>) src(%arg18 : memref<40x128xf32, #tpu.memory_space<vmem>>) dst(%dma_wait3A_191 : memref<40x128xf32, #tpu.memory_space<hbm>>)
    %dma_wait3A_192 = arith.constant 250 : i32
    %dma_wait3A_193 = arith.constant 0 : i32
    %dma_wait3A_194 = tpu.memref_slice %arg3[%add3A, %dma_wait3A_192, %dma_wait3A_193] : memref<32x250x40xi32, #tpu.memory_space<hbm>> -> memref<1x1x40xi32, #tpu.memory_space<hbm>>
    %dma_wait3A_195 = tpu.memref_squeeze %dma_wait3A_194 : memref<1x1x40xi32, #tpu.memory_space<hbm>> -> memref<40xi32, #tpu.memory_space<hbm>>
    %dma_wait3A_196 = arith.constant 0 : i32
    %dma_wait3A_197 = tpu.memref_slice %arg3[%add3A, %dma_wait3A_192, %dma_wait3A_196] : memref<32x250x40xi32, #tpu.memory_space<hbm>> -> memref<1x1x40xi32, #tpu.memory_space<hbm>>
    %dma_wait3A_198 = tpu.memref_squeeze %dma_wait3A_197 : memref<1x1x40xi32, #tpu.memory_space<hbm>> -> memref<40xi32, #tpu.memory_space<hbm>>
    tpu.wait_dma2 semaphore(%arg30 : memref<!tpu.dma_semaphore, #tpu.memory_space<semaphore_mem>>) src(%dma_wait3A_198 : memref<40xi32, #tpu.memory_space<hbm>>) dst(%arg11 : memref<40xi32, #tpu.memory_space<vmem>>)
    %dma_wait3A_199 = arith.constant 250 : i32
    %dma_wait3A_200 = arith.constant 0 : i32
    %dma_wait3A_201 = tpu.memref_slice %arg4[%add3A, %dma_wait3A_199, %dma_wait3A_200] : memref<32x250x40xi32, #tpu.memory_space<hbm>> -> memref<1x1x40xi32, #tpu.memory_space<hbm>>
    %dma_wait3A_202 = tpu.memref_squeeze %dma_wait3A_201 : memref<1x1x40xi32, #tpu.memory_space<hbm>> -> memref<40xi32, #tpu.memory_space<hbm>>
    %dma_wait3A_203 = arith.constant 0 : i32
    %dma_wait3A_204 = tpu.memref_slice %arg4[%add3A, %dma_wait3A_199, %dma_wait3A_203] : memref<32x250x40xi32, #tpu.memory_space<hbm>> -> memref<1x1x40xi32, #tpu.memory_space<hbm>>
    %dma_wait3A_205 = tpu.memref_squeeze %dma_wait3A_204 : memref<1x1x40xi32, #tpu.memory_space<hbm>> -> memref<40xi32, #tpu.memory_space<hbm>>
    tpu.wait_dma2 semaphore(%arg30 : memref<!tpu.dma_semaphore, #tpu.memory_space<semaphore_mem>>) src(%dma_wait3A_205 : memref<40xi32, #tpu.memory_space<hbm>>) dst(%arg15 : memref<40xi32, #tpu.memory_space<vmem>>)
    %dma_wait3A_206 = arith.constant 251 : i32
    %dma_wait3A_207 = arith.constant 0 : i32
    %dma_wait3A_208 = tpu.memref_slice %arg3[%add3A, %dma_wait3A_206, %dma_wait3A_207] : memref<32x250x40xi32, #tpu.memory_space<hbm>> -> memref<1x1x40xi32, #tpu.memory_space<hbm>>
    %dma_wait3A_209 = tpu.memref_squeeze %dma_wait3A_208 : memref<1x1x40xi32, #tpu.memory_space<hbm>> -> memref<40xi32, #tpu.memory_space<hbm>>
    %dma_wait3A_210 = arith.constant 0 : i32
    %dma_wait3A_211 = tpu.memref_slice %arg3[%add3A, %dma_wait3A_206, %dma_wait3A_210] : memref<32x250x40xi32, #tpu.memory_space<hbm>> -> memref<1x1x40xi32, #tpu.memory_space<hbm>>
    %dma_wait3A_212 = tpu.memref_squeeze %dma_wait3A_211 : memref<1x1x40xi32, #tpu.memory_space<hbm>> -> memref<40xi32, #tpu.memory_space<hbm>>
    tpu.wait_dma2 semaphore(%arg31 : memref<!tpu.dma_semaphore, #tpu.memory_space<semaphore_mem>>) src(%dma_wait3A_212 : memref<40xi32, #tpu.memory_space<hbm>>) dst(%arg12 : memref<40xi32, #tpu.memory_space<vmem>>)
    %dma_wait3A_213 = arith.constant 251 : i32
    %dma_wait3A_214 = arith.constant 0 : i32
    %dma_wait3A_215 = tpu.memref_slice %arg4[%add3A, %dma_wait3A_213, %dma_wait3A_214] : memref<32x250x40xi32, #tpu.memory_space<hbm>> -> memref<1x1x40xi32, #tpu.memory_space<hbm>>
    %dma_wait3A_216 = tpu.memref_squeeze %dma_wait3A_215 : memref<1x1x40xi32, #tpu.memory_space<hbm>> -> memref<40xi32, #tpu.memory_space<hbm>>
    %dma_wait3A_217 = arith.constant 0 : i32
    %dma_wait3A_218 = tpu.memref_slice %arg4[%add3A, %dma_wait3A_213, %dma_wait3A_217] : memref<32x250x40xi32, #tpu.memory_space<hbm>> -> memref<1x1x40xi32, #tpu.memory_space<hbm>>
    %dma_wait3A_219 = tpu.memref_squeeze %dma_wait3A_218 : memref<1x1x40xi32, #tpu.memory_space<hbm>> -> memref<40xi32, #tpu.memory_space<hbm>>
    tpu.wait_dma2 semaphore(%arg31 : memref<!tpu.dma_semaphore, #tpu.memory_space<semaphore_mem>>) src(%dma_wait3A_219 : memref<40xi32, #tpu.memory_space<hbm>>) dst(%arg16 : memref<40xi32, #tpu.memory_space<vmem>>)
    %barrier3A_220 = arith.constant 0 : index
    tpu.barrier barrier_id(%barrier3A_220)
    %mul3A_221 = arith.constant 640 : i32
    %mul3A_222 = arith.muli %arg1, %mul3A_221 : i32
    %mul3A_223 = arith.constant 10240 : i32
    %mul3A_224 = arith.muli %arg0, %mul3A_223 : i32
    %mul3A_225 = arith.constant 640 : i32
    %mul3A_226 = arith.muli %arg1, %mul3A_225 : i32
    %add3A_227 = arith.addi %mul3A_224, %mul3A_226 : i32
    "tpu.region"() ({
      %run_scoped3A = tpu.sem_alloc : memref<!tpu.dma_semaphore, #tpu.memory_space<semaphore_mem>>
      %dma_start3A_228 = arith.constant 0 : i32
      %dma_start3A_229 = tpu.memref_slice %arg8[%add3A_227, %dma_start3A_228] : memref<20480x64xf32, #tpu.memory_space<hbm>> -> memref<640x64xf32, #tpu.memory_space<hbm>>
      %dma_start3A_230 = arith.constant 0 : i32
      %dma_start3A_231 = tpu.memref_slice %arg23[%mul3A_222, %dma_start3A_230] : memref<10240x64xf32, #tpu.memory_space<vmem_shared>> -> memref<640x64xf32, #tpu.memory_space<vmem_shared>>
      tpu.enqueue_dma source(%dma_start3A_231 : memref<640x64xf32, #tpu.memory_space<vmem_shared>>) target(%dma_start3A_229 : memref<640x64xf32, #tpu.memory_space<hbm>>) target_semaphore(%run_scoped3A : memref<!tpu.dma_semaphore, #tpu.memory_space<semaphore_mem>>)
      %dma_wait3A_232 = arith.constant 0 : i32
      %dma_wait3A_233 = tpu.memref_slice %arg8[%add3A_227, %dma_wait3A_232] : memref<20480x64xf32, #tpu.memory_space<hbm>> -> memref<640x64xf32, #tpu.memory_space<hbm>>
      %dma_wait3A_234 = arith.constant 0 : i32
      %dma_wait3A_235 = tpu.memref_slice %arg23[%mul3A_222, %dma_wait3A_234] : memref<10240x64xf32, #tpu.memory_space<vmem_shared>> -> memref<640x64xf32, #tpu.memory_space<vmem_shared>>
      tpu.wait_dma2 semaphore(%run_scoped3A : memref<!tpu.dma_semaphore, #tpu.memory_space<semaphore_mem>>) src(%dma_wait3A_235 : memref<640x64xf32, #tpu.memory_space<vmem_shared>>) dst(%dma_wait3A_233 : memref<640x64xf32, #tpu.memory_space<hbm>>)
      tpu.yield
    }) : () -> ()
    return
  }
}

module attributes {stable_mosaic.version = 14 : i64} {
  func.func @body(%arg0: i32, %arg1: memref<4000x16xf32, #tpu.memory_space<vmem>>, %arg2: memref<16x64xf32, #tpu.memory_space<vmem>>, %arg3: memref<1x64xf32, #tpu.memory_space<vmem>>, %arg4: memref<4000x64xf32, #tpu.memory_space<vmem>>) attributes {dimension_semantics = [#tpu.dimension_semantics<arbitrary>], iteration_bounds = array<i64: 80>, scalar_prefetch = 0 : i64, scratch_operands = 0 : i64, tpu.core_type = #tpu.core_type<tc>, window_params = [{transform_indices = @transform_0, window_bounds = array<i64: 4000, 16>}, {pipeline_mode = #tpu.pipeline_mode<synchronous>, transform_indices = @transform_1, window_bounds = array<i64: 16, 64>}, {pipeline_mode = #tpu.pipeline_mode<synchronous>, transform_indices = @transform_2, window_bounds = array<i64: 1, 64>}, {transform_indices = @transform_3, window_bounds = array<i64: 4000, 64>}]} {
    %get3A = arith.constant 0 : index
    %get3A_0 = arith.constant 0 : index
    %get3A_1 = vector.load %arg1[%get3A, %get3A_0] : memref<4000x16xf32, #tpu.memory_space<vmem>>, vector<4000x16xf32>
    %get3A_2 = arith.constant 0 : index
    %get3A_3 = arith.constant 0 : index
    %get3A_4 = vector.load %arg2[%get3A_2, %get3A_3] : memref<16x64xf32, #tpu.memory_space<vmem>>, vector<16x64xf32>
    %dot_general3A = arith.constant dense<0.000000e+00> : vector<4000x64xf32>
    %dot_general3A_5 = tpu.matmul %get3A_1, %get3A_4, %dot_general3A {dimension_numbers = #tpu.dot_dimension_numbers<[1], [0], [0], [1], [0, 0, 1, 1], [], []>, transpose_lhs_hint = false} : vector<4000x16xf32>, vector<16x64xf32>, vector<4000x64xf32> -> vector<4000x64xf32>
    %get3A_6 = arith.constant 0 : index
    %get3A_7 = arith.constant 0 : index
    %get3A_8 = vector.load %arg3[%get3A_6, %get3A_7] : memref<1x64xf32, #tpu.memory_space<vmem>>, vector<1x64xf32>
    %add3A = vector.broadcast %get3A_8 : vector<1x64xf32> to vector<4000x64xf32>
    %add3A_9 = arith.addf %dot_general3A_5, %add3A : vector<4000x64xf32>
    %max3A = arith.constant 0.000000e+00 : f32
    %max3A_10 = vector.broadcast %max3A : f32 to vector<4000x64xf32>
    %max3A_11 = arith.maximumf %add3A_9, %max3A_10 : vector<4000x64xf32>
    %swap3A = arith.constant 0 : index
    %swap3A_12 = arith.constant 0 : index
    %swap3A_13 = vector.load %arg4[%swap3A, %swap3A_12] : memref<4000x64xf32, #tpu.memory_space<vmem>>, vector<4000x64xf32>
    tpu.vector_store %arg4[%swap3A, %swap3A_12], %max3A_11 {strides = array<i32>} : memref<4000x64xf32, #tpu.memory_space<vmem>>, vector<4000x64xf32>,
    return
  }
  func.func @transform_0(%arg0: i32) -> (i32, i32) {
    %c0_i32 = arith.constant 0 : i32
    %c0_i32_0 = arith.constant 0 : i32
    return %arg0, %c0_i32 : i32, i32
  }
  func.func @transform_1(%arg0: i32) -> (i32, i32) {
    %c0_i32 = arith.constant 0 : i32
    %c0_i32_0 = arith.constant 0 : i32
    %c0_i32_1 = arith.constant 0 : i32
    return %c0_i32, %c0_i32_0 : i32, i32
  }
  func.func @transform_2(%arg0: i32) -> (i32, i32) {
    %c0_i32 = arith.constant 0 : i32
    %c0_i32_0 = arith.constant 0 : i32
    %c0_i32_1 = arith.constant 0 : i32
    return %c0_i32, %c0_i32_0 : i32, i32
  }
  func.func @transform_3(%arg0: i32) -> (i32, i32) {
    %c0_i32 = arith.constant 0 : i32
    %c0_i32_0 = arith.constant 0 : i32
    return %arg0, %c0_i32 : i32, i32
  }
}

module attributes {stable_mosaic.version = 14 : i64} {
  func.func @body(%arg0: memref<10000x128xf32, #tpu.memory_space<vmem>>, %arg1: memref<128x64xf32, #tpu.memory_space<vmem>>, %arg2: memref<1x64xf32, #tpu.memory_space<vmem>>, %arg3: memref<128x64xf32, #tpu.memory_space<vmem>>, %arg4: memref<1x64xf32, #tpu.memory_space<vmem>>, %arg5: memref<128x64xf32, #tpu.memory_space<vmem>>, %arg6: memref<1x64xf32, #tpu.memory_space<vmem>>, %arg7: memref<10000x128xf32, #tpu.memory_space<vmem>>, %arg8: memref<10000x64xf32, #tpu.memory_space<vmem>>) attributes {dimension_semantics = [], scalar_prefetch = 0 : i64, scratch_operands = 0 : i64, tpu.core_type = #tpu.core_type<tc>} {
    %get3A = arith.constant 0 : index
    %get3A_0 = arith.constant 0 : index
    %get3A_1 = vector.load %arg0[%get3A, %get3A_0] : memref<10000x128xf32, #tpu.memory_space<vmem>>, vector<10000x128xf32>
    %get3A_2 = arith.constant 0 : index
    %get3A_3 = arith.constant 0 : index
    %get3A_4 = vector.load %arg1[%get3A_2, %get3A_3] : memref<128x64xf32, #tpu.memory_space<vmem>>, vector<128x64xf32>
    %dot_general3A = arith.constant dense<0.000000e+00> : vector<10000x64xf32>
    %dot_general3A_5 = tpu.matmul %get3A_1, %get3A_4, %dot_general3A {dimension_numbers = #tpu.dot_dimension_numbers<[1], [0], [0], [1], [0, 0, 1, 1], [], []>, transpose_lhs_hint = false} : vector<10000x128xf32>, vector<128x64xf32>, vector<10000x64xf32> -> vector<10000x64xf32>
    %get3A_6 = arith.constant 0 : index
    %get3A_7 = arith.constant 0 : index
    %get3A_8 = vector.load %arg2[%get3A_6, %get3A_7] : memref<1x64xf32, #tpu.memory_space<vmem>>, vector<1x64xf32>
    %add3A = vector.broadcast %get3A_8 : vector<1x64xf32> to vector<10000x64xf32>
    %add3A_9 = arith.addf %dot_general3A_5, %add3A : vector<10000x64xf32>
    %get3A_10 = arith.constant 0 : index
    %get3A_11 = arith.constant 0 : index
    %get3A_12 = vector.load %arg3[%get3A_10, %get3A_11] : memref<128x64xf32, #tpu.memory_space<vmem>>, vector<128x64xf32>
    %dot_general3A_13 = arith.constant dense<0.000000e+00> : vector<10000x64xf32>
    %dot_general3A_14 = tpu.matmul %get3A_1, %get3A_12, %dot_general3A_13 {dimension_numbers = #tpu.dot_dimension_numbers<[1], [0], [0], [1], [0, 0, 1, 1], [], []>, transpose_lhs_hint = false} : vector<10000x128xf32>, vector<128x64xf32>, vector<10000x64xf32> -> vector<10000x64xf32>
    %get3A_15 = arith.constant 0 : index
    %get3A_16 = arith.constant 0 : index
    %get3A_17 = vector.load %arg4[%get3A_15, %get3A_16] : memref<1x64xf32, #tpu.memory_space<vmem>>, vector<1x64xf32>
    %add3A_18 = vector.broadcast %get3A_17 : vector<1x64xf32> to vector<10000x64xf32>
    %add3A_19 = arith.addf %dot_general3A_14, %add3A_18 : vector<10000x64xf32>
    %concatenate3A = tpu.concatenate %add3A_9, %add3A_19 in 1 : vector<10000x64xf32>, vector<10000x64xf32> -> vector<10000x128xf32>
    %swap3A = arith.constant 0 : index
    %swap3A_20 = arith.constant 0 : index
    %swap3A_21 = vector.load %arg7[%swap3A, %swap3A_20] : memref<10000x128xf32, #tpu.memory_space<vmem>>, vector<10000x128xf32>
    tpu.vector_store %arg7[%swap3A, %swap3A_20], %concatenate3A {strides = array<i32>} : memref<10000x128xf32, #tpu.memory_space<vmem>>, vector<10000x128xf32>,
    %get3A_22 = arith.constant 0 : index
    %get3A_23 = arith.constant 0 : index
    %get3A_24 = vector.load %arg5[%get3A_22, %get3A_23] : memref<128x64xf32, #tpu.memory_space<vmem>>, vector<128x64xf32>
    %dot_general3A_25 = arith.constant dense<0.000000e+00> : vector<10000x64xf32>
    %dot_general3A_26 = tpu.matmul %get3A_1, %get3A_24, %dot_general3A_25 {dimension_numbers = #tpu.dot_dimension_numbers<[1], [0], [0], [1], [0, 0, 1, 1], [], []>, transpose_lhs_hint = false} : vector<10000x128xf32>, vector<128x64xf32>, vector<10000x64xf32> -> vector<10000x64xf32>
    %get3A_27 = arith.constant 0 : index
    %get3A_28 = arith.constant 0 : index
    %get3A_29 = vector.load %arg6[%get3A_27, %get3A_28] : memref<1x64xf32, #tpu.memory_space<vmem>>, vector<1x64xf32>
    %add3A_30 = vector.broadcast %get3A_29 : vector<1x64xf32> to vector<10000x64xf32>
    %add3A_31 = arith.addf %dot_general3A_26, %add3A_30 : vector<10000x64xf32>
    %max3A = arith.constant 0.000000e+00 : f32
    %max3A_32 = vector.broadcast %max3A : f32 to vector<10000x64xf32>
    %max3A_33 = arith.maximumf %add3A_31, %max3A_32 : vector<10000x64xf32>
    %swap3A_34 = arith.constant 0 : index
    %swap3A_35 = arith.constant 0 : index
    %swap3A_36 = vector.load %arg8[%swap3A_34, %swap3A_35] : memref<10000x64xf32, #tpu.memory_space<vmem>>, vector<10000x64xf32>
    tpu.vector_store %arg8[%swap3A_34, %swap3A_35], %max3A_33 {strides = array<i32>} : memref<10000x64xf32, #tpu.memory_space<vmem>>, vector<10000x64xf32>,
    return
  }
}

module attributes {stable_mosaic.version = 14 : i64} {
  func.func @body(%arg0: memref<10000x64xf32, #tpu.memory_space<vmem>>, %arg1: memref<20480x64xf32, #tpu.memory_space<vmem>>, %arg2: memref<64x64xf32, #tpu.memory_space<vmem>>, %arg3: memref<64x64xf32, #tpu.memory_space<vmem>>, %arg4: memref<1x64xf32, #tpu.memory_space<vmem>>, %arg5: memref<10000x50xf32, #tpu.memory_space<vmem>>) attributes {dimension_semantics = [], scalar_prefetch = 0 : i64, scratch_operands = 0 : i64, tpu.core_type = #tpu.core_type<tc>} {
    %get3A = arith.constant 0 : index
    %get3A_0 = arith.constant 0 : index
    %get3A_1 = vector.load %arg1[%get3A, %get3A_0] : memref<20480x64xf32, #tpu.memory_space<vmem>>, vector<10000x64xf32>
    %get3A_2 = arith.constant 10240 : index
    %get3A_3 = arith.constant 0 : index
    %get3A_4 = vector.load %arg1[%get3A_2, %get3A_3] : memref<20480x64xf32, #tpu.memory_space<vmem>>, vector<10000x64xf32>
    %add3A = arith.addf %get3A_1, %get3A_4 : vector<10000x64xf32>
    %get3A_5 = arith.constant 0 : index
    %get3A_6 = arith.constant 0 : index
    %get3A_7 = vector.load %arg0[%get3A_5, %get3A_6] : memref<10000x64xf32, #tpu.memory_space<vmem>>, vector<10000x64xf32>
    %get3A_8 = arith.constant 0 : index
    %get3A_9 = arith.constant 0 : index
    %get3A_10 = vector.load %arg2[%get3A_8, %get3A_9] : memref<64x64xf32, #tpu.memory_space<vmem>>, vector<64x64xf32>
    %dot_general3A = arith.constant dense<0.000000e+00> : vector<10000x64xf32>
    %dot_general3A_11 = tpu.matmul %get3A_7, %get3A_10, %dot_general3A {dimension_numbers = #tpu.dot_dimension_numbers<[1], [0], [0], [1], [0, 0, 1, 1], [], []>, transpose_lhs_hint = false} : vector<10000x64xf32>, vector<64x64xf32>, vector<10000x64xf32> -> vector<10000x64xf32>
    %get3A_12 = arith.constant 0 : index
    %get3A_13 = arith.constant 0 : index
    %get3A_14 = vector.load %arg3[%get3A_12, %get3A_13] : memref<64x64xf32, #tpu.memory_space<vmem>>, vector<64x64xf32>
    %dot_general3A_15 = arith.constant dense<0.000000e+00> : vector<10000x64xf32>
    %dot_general3A_16 = tpu.matmul %add3A, %get3A_14, %dot_general3A_15 {dimension_numbers = #tpu.dot_dimension_numbers<[1], [0], [0], [1], [0, 0, 1, 1], [], []>, transpose_lhs_hint = false} : vector<10000x64xf32>, vector<64x64xf32>, vector<10000x64xf32> -> vector<10000x64xf32>
    %add3A_17 = arith.addf %dot_general3A_11, %dot_general3A_16 : vector<10000x64xf32>
    %get3A_18 = arith.constant 0 : index
    %get3A_19 = arith.constant 0 : index
    %get3A_20 = vector.load %arg4[%get3A_18, %get3A_19] : memref<1x64xf32, #tpu.memory_space<vmem>>, vector<1x64xf32>
    %add3A_21 = vector.broadcast %get3A_20 : vector<1x64xf32> to vector<10000x64xf32>
    %add3A_22 = arith.addf %add3A_17, %add3A_21 : vector<10000x64xf32>
    %max3A = arith.constant 0.000000e+00 : f32
    %max3A_23 = vector.broadcast %max3A : f32 to vector<10000x64xf32>
    %max3A_24 = arith.maximumf %add3A_22, %max3A_23 : vector<10000x64xf32>
    %slice3A = vector.extract_strided_slice %max3A_24 {offsets = [0, 0], sizes = [10000, 50], strides = [1, 1]} : vector<10000x64xf32> to vector<10000x50xf32>
    %swap3A = arith.constant 0 : index
    %swap3A_25 = arith.constant 0 : index
    %swap3A_26 = vector.load %arg5[%swap3A, %swap3A_25] : memref<10000x50xf32, #tpu.memory_space<vmem>>, vector<10000x50xf32>
    tpu.vector_store %arg5[%swap3A, %swap3A_25], %slice3A {strides = array<i32>} : memref<10000x50xf32, #tpu.memory_space<vmem>>, vector<10000x50xf32>,
    return
  }
}

module attributes {stable_mosaic.version = 14 : i64} {
  func.func @body(%arg0: i32, %arg1: memref<4000x128xf32, #tpu.memory_space<vmem>>, %arg2: memref<4000x16xf32, #tpu.memory_space<vmem>>, %arg3: memref<64x64xf32, #tpu.memory_space<vmem>>, %arg4: memref<64x64xf32, #tpu.memory_space<vmem>>, %arg5: memref<64x64xf32, #tpu.memory_space<vmem>>, %arg6: memref<16x64xf32, #tpu.memory_space<vmem>>, %arg7: memref<1x64xf32, #tpu.memory_space<vmem>>, %arg8: memref<1x64xf32, #tpu.memory_space<vmem>>, %arg9: memref<4000x50xf32, #tpu.memory_space<vmem>>) attributes {dimension_semantics = [#tpu.dimension_semantics<arbitrary>], iteration_bounds = array<i64: 80>, scalar_prefetch = 0 : i64, scratch_operands = 0 : i64, tpu.core_type = #tpu.core_type<tc>, window_params = [{transform_indices = @transform_0, window_bounds = array<i64: 4000, 128>}, {transform_indices = @transform_1, window_bounds = array<i64: 4000, 16>}, {pipeline_mode = #tpu.pipeline_mode<synchronous>, transform_indices = @transform_2, window_bounds = array<i64: 64, 64>}, {pipeline_mode = #tpu.pipeline_mode<synchronous>, transform_indices = @transform_3, window_bounds = array<i64: 64, 64>}, {pipeline_mode = #tpu.pipeline_mode<synchronous>, transform_indices = @transform_4, window_bounds = array<i64: 64, 64>}, {pipeline_mode = #tpu.pipeline_mode<synchronous>, transform_indices = @transform_5, window_bounds = array<i64: 16, 64>}, {pipeline_mode = #tpu.pipeline_mode<synchronous>, transform_indices = @transform_6, window_bounds = array<i64: 1, 64>}, {pipeline_mode = #tpu.pipeline_mode<synchronous>, transform_indices = @transform_7, window_bounds = array<i64: 1, 64>}, {transform_indices = @transform_8, window_bounds = array<i64: 4000, 50>}]} {
    %get3A = arith.constant 0 : index
    %get3A_0 = arith.constant 0 : index
    %get3A_1 = vector.load %arg1[%get3A, %get3A_0] : memref<4000x128xf32, #tpu.memory_space<vmem>>, vector<4000x128xf32>
    %slice3A = vector.extract_strided_slice %get3A_1 {offsets = [0, 0], sizes = [4000, 64], strides = [1, 1]} : vector<4000x128xf32> to vector<4000x64xf32>
    %slice3A_2 = vector.extract_strided_slice %get3A_1 {offsets = [0, 64], sizes = [4000, 64], strides = [1, 1]} : vector<4000x128xf32> to vector<4000x64xf32>
    %get3A_3 = arith.constant 0 : index
    %get3A_4 = arith.constant 0 : index
    %get3A_5 = vector.load %arg2[%get3A_3, %get3A_4] : memref<4000x16xf32, #tpu.memory_space<vmem>>, vector<4000x16xf32>
    %get3A_6 = arith.constant 0 : index
    %get3A_7 = arith.constant 0 : index
    %get3A_8 = vector.load %arg6[%get3A_6, %get3A_7] : memref<16x64xf32, #tpu.memory_space<vmem>>, vector<16x64xf32>
    %dot_general3A = arith.constant dense<0.000000e+00> : vector<4000x64xf32>
    %dot_general3A_9 = tpu.matmul %get3A_5, %get3A_8, %dot_general3A {dimension_numbers = #tpu.dot_dimension_numbers<[1], [0], [0], [1], [0, 0, 1, 1], [], []>, transpose_lhs_hint = false} : vector<4000x16xf32>, vector<16x64xf32>, vector<4000x64xf32> -> vector<4000x64xf32>
    %get3A_10 = arith.constant 0 : index
    %get3A_11 = arith.constant 0 : index
    %get3A_12 = vector.load %arg7[%get3A_10, %get3A_11] : memref<1x64xf32, #tpu.memory_space<vmem>>, vector<1x64xf32>
    %add3A = vector.broadcast %get3A_12 : vector<1x64xf32> to vector<4000x64xf32>
    %add3A_13 = arith.addf %dot_general3A_9, %add3A : vector<4000x64xf32>
    %max3A = arith.constant 0.000000e+00 : f32
    %max3A_14 = vector.broadcast %max3A : f32 to vector<4000x64xf32>
    %max3A_15 = arith.maximumf %add3A_13, %max3A_14 : vector<4000x64xf32>
    %get3A_16 = arith.constant 0 : index
    %get3A_17 = arith.constant 0 : index
    %get3A_18 = vector.load %arg3[%get3A_16, %get3A_17] : memref<64x64xf32, #tpu.memory_space<vmem>>, vector<64x64xf32>
    %dot_general3A_19 = arith.constant dense<0.000000e+00> : vector<4000x64xf32>
    %dot_general3A_20 = tpu.matmul %slice3A, %get3A_18, %dot_general3A_19 {dimension_numbers = #tpu.dot_dimension_numbers<[1], [0], [0], [1], [0, 0, 1, 1], [], []>, transpose_lhs_hint = false} : vector<4000x64xf32>, vector<64x64xf32>, vector<4000x64xf32> -> vector<4000x64xf32>
    %get3A_21 = arith.constant 0 : index
    %get3A_22 = arith.constant 0 : index
    %get3A_23 = vector.load %arg4[%get3A_21, %get3A_22] : memref<64x64xf32, #tpu.memory_space<vmem>>, vector<64x64xf32>
    %dot_general3A_24 = arith.constant dense<0.000000e+00> : vector<4000x64xf32>
    %dot_general3A_25 = tpu.matmul %slice3A_2, %get3A_23, %dot_general3A_24 {dimension_numbers = #tpu.dot_dimension_numbers<[1], [0], [0], [1], [0, 0, 1, 1], [], []>, transpose_lhs_hint = false} : vector<4000x64xf32>, vector<64x64xf32>, vector<4000x64xf32> -> vector<4000x64xf32>
    %add3A_26 = arith.addf %dot_general3A_20, %dot_general3A_25 : vector<4000x64xf32>
    %get3A_27 = arith.constant 0 : index
    %get3A_28 = arith.constant 0 : index
    %get3A_29 = vector.load %arg5[%get3A_27, %get3A_28] : memref<64x64xf32, #tpu.memory_space<vmem>>, vector<64x64xf32>
    %dot_general3A_30 = arith.constant dense<0.000000e+00> : vector<4000x64xf32>
    %dot_general3A_31 = tpu.matmul %max3A_15, %get3A_29, %dot_general3A_30 {dimension_numbers = #tpu.dot_dimension_numbers<[1], [0], [0], [1], [0, 0, 1, 1], [], []>, transpose_lhs_hint = false} : vector<4000x64xf32>, vector<64x64xf32>, vector<4000x64xf32> -> vector<4000x64xf32>
    %add3A_32 = arith.addf %add3A_26, %dot_general3A_31 : vector<4000x64xf32>
    %get3A_33 = arith.constant 0 : index
    %get3A_34 = arith.constant 0 : index
    %get3A_35 = vector.load %arg8[%get3A_33, %get3A_34] : memref<1x64xf32, #tpu.memory_space<vmem>>, vector<1x64xf32>
    %add3A_36 = vector.broadcast %get3A_35 : vector<1x64xf32> to vector<4000x64xf32>
    %add3A_37 = arith.addf %add3A_32, %add3A_36 : vector<4000x64xf32>
    %max3A_38 = arith.constant 0.000000e+00 : f32
    %max3A_39 = vector.broadcast %max3A_38 : f32 to vector<4000x64xf32>
    %max3A_40 = arith.maximumf %add3A_37, %max3A_39 : vector<4000x64xf32>
    %slice3A_41 = vector.extract_strided_slice %max3A_40 {offsets = [0, 0], sizes = [4000, 50], strides = [1, 1]} : vector<4000x64xf32> to vector<4000x50xf32>
    %swap3A = arith.constant 0 : index
    %swap3A_42 = arith.constant 0 : index
    %swap3A_43 = vector.load %arg9[%swap3A, %swap3A_42] : memref<4000x50xf32, #tpu.memory_space<vmem>>, vector<4000x50xf32>
    tpu.vector_store %arg9[%swap3A, %swap3A_42], %slice3A_41 {strides = array<i32>} : memref<4000x50xf32, #tpu.memory_space<vmem>>, vector<4000x50xf32>,
    return
  }
  func.func @transform_0(%arg0: i32) -> (i32, i32) {
    %c0_i32 = arith.constant 0 : i32
    %c0_i32_0 = arith.constant 0 : i32
    return %arg0, %c0_i32 : i32, i32
  }
  func.func @transform_1(%arg0: i32) -> (i32, i32) {
    %c0_i32 = arith.constant 0 : i32
    %c0_i32_0 = arith.constant 0 : i32
    return %arg0, %c0_i32 : i32, i32
  }
  func.func @transform_2(%arg0: i32) -> (i32, i32) {
    %c0_i32 = arith.constant 0 : i32
    %c0_i32_0 = arith.constant 0 : i32
    %c0_i32_1 = arith.constant 0 : i32
    return %c0_i32, %c0_i32_0 : i32, i32
  }
  func.func @transform_3(%arg0: i32) -> (i32, i32) {
    %c0_i32 = arith.constant 0 : i32
    %c0_i32_0 = arith.constant 0 : i32
    %c0_i32_1 = arith.constant 0 : i32
    return %c0_i32, %c0_i32_0 : i32, i32
  }
  func.func @transform_4(%arg0: i32) -> (i32, i32) {
    %c0_i32 = arith.constant 0 : i32
    %c0_i32_0 = arith.constant 0 : i32
    %c0_i32_1 = arith.constant 0 : i32
    return %c0_i32, %c0_i32_0 : i32, i32
  }
  func.func @transform_5(%arg0: i32) -> (i32, i32) {
    %c0_i32 = arith.constant 0 : i32
    %c0_i32_0 = arith.constant 0 : i32
    %c0_i32_1 = arith.constant 0 : i32
    return %c0_i32, %c0_i32_0 : i32, i32
  }
  func.func @transform_6(%arg0: i32) -> (i32, i32) {
    %c0_i32 = arith.constant 0 : i32
    %c0_i32_0 = arith.constant 0 : i32
    %c0_i32_1 = arith.constant 0 : i32
    return %c0_i32, %c0_i32_0 : i32, i32
  }
  func.func @transform_7(%arg0: i32) -> (i32, i32) {
    %c0_i32 = arith.constant 0 : i32
    %c0_i32_0 = arith.constant 0 : i32
    %c0_i32_1 = arith.constant 0 : i32
    return %c0_i32, %c0_i32_0 : i32, i32
  }
  func.func @transform_8(%arg0: i32) -> (i32, i32) {
    %c0_i32 = arith.constant 0 : i32
    %c0_i32_0 = arith.constant 0 : i32
    return %arg0, %c0_i32 : i32, i32
  }
}

</mosaic_0001>

<sc_bundles>
// kernel: kernel.7.cloned.1.call-start
scs
__scs_entry_jumppad:
0x0: {  	(pc) =	sbr.rel $0x88, $3  }
0x1: {  	(tag) =	ssettag $0x0;
	lr =	simm.s32 $0x1  }
0x2: {  	[smem:$0x3F90] =	sst lr;
	_ =	strace $0xD0000000  }
0x3: {  	_ = 	snop  }
0x4: {  	_ = 	snop  }
0x5: {  	_ = 	snop  }
0x6: {  	_ = 	snop  }
0x7: {  	_ = 	snop  }
__scs_overlays_trampoline_lowered:
0x8: {  	[smem:$0x3F9F] =	sst s0  }
0x9: {  	[smem:$0x3FA0] =	sst s1  }
0xa: {  	[smem:$0x3FA1] =	sst s2  }
0xb: {  	[smem:$0x3FA2] =	sst s3  }
0xc: {  	[smem:$0x3FA3] =	sst s4  }
0xd: {  	[smem:$0x3FA4] =	sst s5  }
0xe: {  	[smem:$0x3FA5] =	sst s6  }
0xf: {  	[smem:$0x3FA6] =	sst s7  }
0x10: {  	[smem:$0x3FA7] =	sst s8  }
0x11: {  	[smem:$0x3FA8] =	sst s9;
	s0 =	simm.s32 @!p0 $0x0  }
0x12: {  	s1 =	sld [smem:$0x3F8E];
	s0 =	simm.s32 @p0 $0x1  }
0x13: {  	[smem:$0x3FA9] =	sst s0;
	s0 =	simm.s32 @!p1 $0x0  }
0x14: {  	s2 =	sld [smem:$0x3F8D];
	s0 =	simm.s32 @p1 $0x1  }
0x15: {  	[smem:$0x3FAA] =	sst s0;
	s0 =	simm.s32 @!p2 $0x0  }
0x16: {  	s3 =	sld [smem:$0x3FDB];
	s0 =	simm.s32 @p2 $0x1  }
0x17: {  	s4 =	simm.s32 $0x1BF5;
	[smem:$0x3FAC] =	sst s0  }
0x18: {  	s0 =	sld [smem:$0x3F8F];
	_ =	swait.ge [sflag:s4], $0x0  }
0x19: {  	s7 =	sld [smem:$0x3F90]  }
0x1a: {  	s8 =	sadd.s32 $0xFFFFE003, lr  }
0x1b: {  	s9 =	sadd.s32 $0xFFFFFEF7, lr;
	s5 =	simm.s32 $0xFFFFFFFF;
	p2 =	slt.u32 s8, $0xFFFFF086  }
0x1c: {  	p1 =	slt.u32 s9, $0xF7A;
	s5 =	simm.s32 @!p2 $0x0  }
0x1d: {  	s5 =	simm.s32 @p1 $0x1;
	p0 =	seq.s32 s7, s2  }
0x1e: {  	s7 =	smul.u32 @!p0 $0xF7A, s2;
	p2 =	seq.s32 @!p0 s5, $0x0  }
0x1f: {  	s9 =	smul.u32 $0xF7A, s1;
	s8 =	simm.s32 @!p0 $0x1BF5;
	p2 =	por !p2, p0  }
0x20: {  	[sflag:s8] =	ssyncset.s32 @!p0 $0xFFFFF086;
	s6 =	sadd.s32 @!p0 s3, s7;
	s7 =	simm.s32 @!p0 $0x108  }
0x21: {  	s3 =	sadd.s32 s3, s9;
	s6 =	sadd.s32 @!p0 $0x88, s6;
	s7 =	simm.s32 @p2 $0x1082  }
0x22: {  	[simem:s7], [sflag:s8] =	dma.local @!p0 [hbm:s6], $0xF7A  }
0x23: {  	s9 =	sor.u32 $0xD0000000, s2;
	s6 =	simm.s32 $0x108;
	_ =	swait.ge @!p0 [sflag:s8], $0x0  }
0x24: {  	s3 =	sadd.s32 $0x88, s3;
	s6 =	simm.s32 @!p1 $0x1082;
	[sflag:s4] =	ssyncset.s32 $0xFFFFF086  }
0x25: {  	[simem:s6], [sflag:s4] =	dma.local [hbm:s3], $0xF7A  }
0x26: {  	[smem:$0x3F90] =	sst s1;
	(tag) =	ssettag s2;
	_ =	strace s9  }
0x27: {  	s1 =	sld [smem:$0x3FA0]  }
0x28: {  	s2 =	sld [smem:$0x3FA1]  }
0x29: {  	s4 =	sld [smem:$0x3FA3]  }
0x2a: {  	p0 =	seq.s32 s5, $0x0;
	s5 =	sld [smem:$0x3FA4]  }
0x2b: {  	s6 =	sld [smem:$0x3FA5]  }
0x2c: {  	s7 =	sld [smem:$0x3FA6]  }
0x2d: {  	s3 =	simm.s32 $0x108;
	s8 =	sld [smem:$0x3FA7]  }
0x2e: {  	s3 =	simm.s32 @!p0 $0x1082;
	s9 =	sld [smem:$0x3FA8]  }
0x2f: {  	lr =	sadd.s32 s0, s3;
	s0 =	sld [smem:$0x3F9F]  }
0x30: {  	s3 =	sld [smem:$0x3FA2]  }
0x31: {  	[smem:$0x3FAB] =	sst s10  }
0x32: {  	s10 =	sld [smem:$0x3FA9];
	_ =	sdelay $0x3  }
0x33: {  	p0 =	seq.s32 s10, $0x1;
	s10 =	sld [smem:$0x3FAB];
	_ =	sdelay $0x3  }
0x34: {  	[smem:$0x3FAB] =	sst s10  }
0x35: {  	s10 =	sld [smem:$0x3FAA];
	_ =	sdelay $0x3  }
0x36: {  	p1 =	seq.s32 s10, $0x1;
	s10 =	sld [smem:$0x3FAB];
	_ =	sdelay $0x3  }
0x37: {  	[smem:$0x3FAB] =	sst s10  }
0x38: {  	s10 =	sld [smem:$0x3FAC]  }
0x39: {  	_ = 	snop;
	(pc) =	sbr.ind lr, $3  }
0x3a: {  	_ = 	snop  }
0x3b: {  	_ = 	snop  }
0x3c: {  	p2 =	seq.s32 s10, $0x1;
	s10 =	sld [smem:$0x3FAB]  }
0x3d: {  	_ =	shalt  }
0x3e: {  	_ =	shalt  }
0x3f: {  	_ =	shalt  }
0x40: {  	_ =	shalt  }
0x41: {  	_ =	shalt  }
0x42: {  	_ =	shalt  }
0x43: {  	_ =	shalt  }
0x44: {  	_ =	shalt  }
0x45: {  	_ =	shalt  }
0x46: {  	_ =	shalt  }
0x47: {  	_ =	shalt  }
0x48: {  	_ =	shalt  }
0x49: {  	_ =	shalt  }
0x4a: {  	_ =	shalt  }
0x4b: {  	_ =	shalt  }
0x4c: {  	_ =	shalt  }
0x4d: {  	_ =	shalt  }
0x4e: {  	_ =	shalt  }
0x4f: {  	_ =	shalt  }
0x50: {  	_ =	shalt  }
0x51: {  	_ =	shalt  }
0x52: {  	_ =	shalt  }
0x53: {  	_ =	shalt  }
0x54: {  	_ =	shalt  }
0x55: {  	_ =	shalt  }
0x56: {  	_ =	shalt  }
0x57: {  	_ =	shalt  }
0x58: {  	_ =	shalt  }
0x59: {  	_ =	shalt  }
0x5a: {  	_ =	shalt  }
0x5b: {  	_ =	shalt  }
0x5c: {  	_ =	shalt  }
0x5d: {  	_ =	shalt  }
0x5e: {  	_ =	shalt  }
0x5f: {  	_ =	shalt  }
0x60: {  	_ =	shalt  }
0x61: {  	_ =	shalt  }
0x62: {  	_ =	shalt  }
0x63: {  	_ =	shalt  }
0x64: {  	_ =	shalt  }
0x65: {  	_ =	shalt  }
0x66: {  	_ =	shalt  }
0x67: {  	_ =	shalt  }
0x68: {  	_ =	shalt  }
0x69: {  	_ =	shalt  }
0x6a: {  	_ =	shalt  }
0x6b: {  	_ =	shalt  }
0x6c: {  	_ =	shalt  }
0x6d: {  	_ =	shalt  }
0x6e: {  	_ =	shalt  }
0x6f: {  	_ =	shalt  }
0x70: {  	_ =	shalt  }
0x71: {  	_ =	shalt  }
0x72: {  	_ =	shalt  }
0x73: {  	_ =	shalt  }
0x74: {  	_ =	shalt  }
0x75: {  	_ =	shalt  }
0x76: {  	_ =	shalt  }
0x77: {  	_ =	shalt  }
0x78: {  	_ =	shalt  }
0x79: {  	_ =	shalt  }
0x7a: {  	_ =	shalt  }
0x7b: {  	_ =	shalt  }
0x7c: {  	_ =	shalt  }
0x7d: {  	_ =	shalt  }
0x7e: {  	_ =	shalt  }
0x7f: {  	_ =	shalt  }
0x80: {  	_ =	shalt  }
0x81: {  	_ =	shalt  }
0x82: {  	_ =	shalt  }
0x83: {  	_ =	shalt  }
0x84: {  	_ =	shalt  }
0x85: {  	_ =	shalt  }
0x86: {  	_ =	shalt  }
0x87: {  	_ =	shalt  }
.Lfunc_end0:
.L_simem_size_0:
called_computation_lowered:
.L_overlay_start_0:
0x88: {  	s2 =	sld [smem:$0x3FD9]  }
0x89: {  	s3 =	sld [smem:$0x3FFE];
	_ =	sdelay $0x1  }
0x8a: {  	s1 =	srdreg.scid  }
0x8b: {  	s0 =	sand.u32 $0x1, s1  }
0x8c: {  	s14 =	sshll.u32 s0, $0xA;
	s2 =	sadd.s32 s3, s2  }
0x8d: {  	s2 =	sadd.s32 s2, s14  }
0x8e: {  	[smem:$0x3FB7] =	sst s2  }
0x8f: {  	_ = 	snop  }
0x90: {  	s2 =	sld [smem:$0x3FD0];
	_ =	sdelay $0x2  }
0x91: {  	s15 =	simm.s32 $0xA;
	s4 =	simm.s32 $0x10  }
0x92: {  	[smem:s4], [sflag:s15] =	dma.local [hbm:s2], $0x1  }
0x93: {  	_ =	swait.eq [sflag:s15], $0x1  }
0x94: {  	[sflag:s15] =	ssyncset.done $0x0  }
0x95: {  	[sflag:s15] =	ssyncadd.s32 $0xFFFFFFFF  }
0x96: {  	s16 =	sld [smem:$0x11];
	(tm) =	ssettm $0x1  }
0x97: {  	s17 =	sld [smem:$0x3FFB];
	_ =	sdelay $0x3  }
0x98: {  	_ =	strace s17  }
0x99: {  	s3 =	sld [smem:$0x3FFC];
	_ =	sdelay $0x3  }
0x9a: {  	_ =	strace s3  }
0x9b: {  	s3 =	sld [smem:$0x3FFD];
	_ =	sdelay $0x3  }
0x9c: {  	_ =	strace s3  }
0x9d: {  	_ =	strace $0x8FFFFFFF  }
0x9e: {  	s18 =	sld [smem:$0x3FDB];
	_ =	sdelay $0x1  }
0x9f: {  	s19 =	simm.s32 $_scs_section_size  }
0xa0: {  	s5 =	simm.s32 $_size__tile_overlayer_lowered;
	s6 =	simm.s32 $_tile_overlayer_lowered  }
0xa1: {  	s22 =	simm.s32 $0x1BFF;
	s21 =	sshll.u32 s6, $0x1;
	s3 =	sadd.s32 s19, s18  }
0xa2: {  	s7 =	simm.s32 $0x0;
	s20 =	sshll.u32 s5, $0x1;
	s5 =	sadd.s32 s21, s3  }
0xa3: {  	[timem:s7], [sflag:s22] =	dma.local [hbm:s5], s20  }
0xa4: {  	_ =	swait.ge [sflag:s22], s20  }
0xa5: {  	s4 =	ssub.s32 $0x0, s20;
	[sflag:s22] =	ssyncset.done $0x0  }
0xa6: {  	[sflag:s22] =	ssyncadd.s32 s4;
	_ =	sdelay $0x1  }
0xa7: {  	s23 =	simm.s32 $0x1B8B  }
0xa8: {  	_ =	swait.ge [sflag:s23], $0x1  }
0xa9: {  	[sflag:s23] =	ssyncset.done $0x0  }
0xaa: {  	s25 =	simm.s32 $0x1B8E;
	s24 =	sld [smem:$0x3FFE];
	[sflag:s23] =	ssyncadd.s32 $0xFFFFFFFF  }
0xab: {  	s26 =	simm.s32 $execute0_lowered;
	[smem:$0x3FD2] =	sst s25  }
0xac: {  	s5 =	sshll.u32 s26, $0x1;
	_ =	strace $0x80000046;
	[dreg:$0x1] =	wrdreg $0xFFFFFFFF  }
0xad: {  	s28 =	simm.s32 $_size_execute0_lowered;
	s3 =	sadd.s32 s3, s5;
	[dreg:$0x0] =	wrdreg $0x0  }
0xae: {  	s5 =	sshll.u32 s28, $0x1;
	[dreg:$0x2] =	wrdreg s3  }
0xaf: {  	[dreg:$0x3] =	wrdreg s5  }
0xb0: {  	[dreg:$0x4] =	wrdreg $0xC0  }
0xb1: {  	_ =	task [dreg:s7], $0x5FFFF  }
0xb2: {  	[dreg:$0x1] =	wrdreg $0xFFFFFFFF  }
0xb3: {  	[dreg:$0x0] =	wrdreg $0x60  }
0xb4: {  	[dreg:$0x2] =	wrdreg s24  }
0xb5: {  	[dreg:$0x3] =	wrdreg s16  }
0xb6: {  	[dreg:$0x4] =	wrdreg $0x7C000  }
0xb7: {  	[dreg:$0x5] =	wrdreg $0x9  }
0xb8: {  	_ =	task.clear_ibuf [dreg:s7], $0x6FFFF;
	_ =	strace $0x90000046  }
0xb9: {  	s29 =	simm.s32 $0x9;
	_ =	strace $0x80000048  }
0xba: {  	_ =	swait.ge [sflag:s29], $0x1  }
0xbb: {  	[sflag:s29] =	ssyncadd.s32 $0xFFFFFFFF  }
0xbc: {  	_ =	strace $0x90000048  }
0xbd: {  	_ =	sfence  }
0xbe: {  	s30 =	sld [smem:$0x0];
	_ =	sdelay $0x2  }
0xbf: {  	s31 =	sshll.u32 s1, $0xD;
	s1 =	sshrl.u32 s1, $0x2  }
0xc0: {  	s3 =	sand.u32 $0x4000, s31;
	s1 =	sadd.s32 s1, s30  }
0xc1: {  	s0 =	sor.u32 s3, s0;
	s1 =	sshll.u32 s1, $0x11  }
0xc2: {  	s0 =	sor.u32 s1, s0  }
0xc3: {  	s0 =	sadd.s32 $0x8F2B, s0  }
0xc4: {  	[sflag:s0] =	ssyncadd.remote.s32 $0x1  }
0xc5: {  	_ =	sfence.sel $0xFFFF  }
0xc6: {  	[dreg:$0x0] =	wrdreg $0xFFFFFFFF;
	(pc) =	sbr.abs _section_cstart, $3  }
0xc7: {  	[dreg:$0x1] =	wrdreg $0xFFFFFFFF  }
0xc8: {  	_ =	task.clear_ibuf [dreg:s7], $0x2FFFF;
	_ =	strace $0x9FFFFFFF  }
0xc9: {  	(tm) =	ssettm $0x7FFFFFFF  }
tec
execute0_lowered:
.L_overlay_start_1:
0x0: {  	(tag) =	ssettag $0x1  }
0x1: {  	s0 =	rddreg [dreg:$0x0]  }
0x2: {  	s3 =	rddreg [dreg:$0x1]  }
0x3: {  	s1 =	rddreg [dreg:$0x2];
	s2 =	simm.s32 $0x0;
	s15 =	stileid.u32  }
0x4: {  	s8 =	srdreg.scid;
	s28 =	simm.s32 $0x1;
	s29 =	simm.s32 $0x7  }
0x5: {  	s30 =	simm.s32 $0x2;
	s31 =	simm.s32 $0x4;
	[smem:$0x7FF] =	sst s2  }
0x6: {  	s4 =	sadd.s32 $0xA06C00, s0;
	s5 =	sadd.s32 $0x2C00, s0;
	s6 =	sadd.s32 $0x22C00, s0  }
0x7: {  	s9 =	smul.u32 $0x2800, s15;
	s7 =	sadd.s32 $0x524C00, s0;
	s10 =	sand.u32 $0x1, s8  }
0x8: {  	s11 =	smul.u32 $0x50000, s15;
	s8 =	sadd.s32 $0xA7D000, s0;
	s14 =	sshll.u32 s15, $0x1  }
0x9: {  	s19 =	sshll.u32 s15, $0x6;
	s15 =	simm.s32 $0x1800;
	_ =	strace $0x80000047  }
0xa: {  	s17 =	ssub.s32 $0x2, s10;
	s16 =	sor.u32 $0x1C09, s19;
	s12 =	sadd.s32 s9, s0  }
0xb: {  	s13 =	sshrl.u32 s17, $0x1;
	s11 =	sshrl.u32 s11, $0x2;
	[dreg:$0x6] =	wrdreg s16  }
0xc: {  	s0 =	ssub.s32 s17, s13;
	s13 =	sor.u32 s10, s14;
	s11 =	sadd.s32 s11, s1  }
0xd: {  	s18 =	sadd.s32 $0xA55000, s12;
	s10 =	smul.u32 $0x28000, s10;
	[dreg:$0x4] =	wrdreg s11  }
0xe: {  	[dreg:$0x5] =	wrdreg s18;
	s14 =	sshll.u32 s13, $0xC;
	s26 =	smul.u32 $0x138800, s13  }
0xf: {  	s12 =	sshll.u32 s13, $0xF;
	s17 =	smul.u32 $0x27100, s13;
	s0 =	smax.u32 s0, $0x1  }
0x10: {  	s20 =	sor.u32 $0x10, s14;
	s21 =	sadd.s32 s5, s14;
	[dreg:$0x14] =	wrdreg s0  }
0x11: {  	s22 =	sadd.s32 s6, s14;
	s24 =	sor.u32 $0x20, s14;
	[dreg:$0x7] =	wrdreg s21  }
0x12: {  	s14 =	sor.u32 $0x30, s14;
	[dreg:$0x8] =	wrdreg s22;
	s23 =	sadd.s32 s5, s20  }
0x13: {  	s9 =	sadd.s32 s9, s10;
	s11 =	sadd.s32 s6, s20;
	[dreg:$0x9] =	wrdreg s23  }
0x14: {  	s0 =	simm.s32 $0x9;
	s25 =	sadd.s32 s5, s24;
	[dreg:$0xa] =	wrdreg s11  }
0x15: {  	s3 =	sadd.s32 s3, s9;
	s18 =	sshrl.u32 s26, $0x3;
	[dreg:$0xb] =	wrdreg s25  }
0x16: {  	s19 =	sadd.s32 s6, s14;
	s22 =	smul.u32 $0x2710, s13;
	[dreg:$0xe] =	wrdreg s3  }
0x17: {  	s13 =	simm.s32 $0x8;
	s11 =	sadd.s32 s6, s24;
	[dreg:$0xf] =	wrdreg s19  }
0x18: {  	s20 =	sadd.s32 s7, s18;
	s3 =	sadd.s32 s7, s17;
	[dreg:$0xc] =	wrdreg s11  }
0x19: {  	s23 =	sadd.s32 s8, s18;
	s11 =	sadd.s32 s5, s14;
	[dreg:$0x10] =	wrdreg s3  }
0x1a: {  	s17 =	simm.s32 $0x5;
	s21 =	sadd.s32 $0x280, s20;
	[dreg:$0xd] =	wrdreg s11  }
0x1b: {  	s18 =	simm.s32 $0x6;
	s9 =	sadd.s32 $0x26C00, s23;
	[dreg:$0x11] =	wrdreg s21  }
0x1c: {  	s19 =	simm.s32 $0x28;
	s3 =	sadd.s32 $0x26E80, s23;
	[dreg:$0x12] =	wrdreg s9  }
0x1d: {  	s24 =	sadd.s32 $0x50, s22;
	s25 =	sadd.s32 $0x28, s22;
	[dreg:$0x13] =	wrdreg s3  }
0x1e: {  	s26 =	sadd.s32 $0x78, s22;
	s20 =	simm.s32 $0x80;
	[dreg:$0x15] =	wrdreg s24  }
0x1f: {  	s14 =	simm.s32 $0x280;
	s23 =	simm.s32 $0x300;
	[dreg:$0x16] =	wrdreg s25  }
0x20: {  	[dreg:$0x17] =	wrdreg s26;
	s21 =	simm.s32 $0x100;
	s24 =	simm.s32 $0x380  }
0x21: {  	s26 =	simm.s32 $0x6800;
	s11 =	simm.s32 $0x3;
	s9 =	simm.s32 $0x0  }
.LBB2_1:
0x22: {  	[dreg:$0x18] =	wrdreg s9  }
0x23: {  	s3 =	rddreg [dreg:$0x4]  }
0x24: {  	s25 =	rddreg [dreg:$0x5];
	s10 =	sshrl.u32 s3, $0x3  }
0x25: {  	[dreg:$0x19] =	wrdreg s10  }
0x26: {  	[spmem:s10], [sflag:s16] =	dma.local [hbm:s25], $0x2800  }
0x27: {  	_ =	swait.ge [sflag:s0], $0x2800  }
0x28: {  	[sflag:s0] =	ssyncset.done $0x0  }
0x29: {  	[sflag:s0] =	ssyncadd.s32 $0xFFFFD800  }
0x2a: {  	[bflag:$0x0] =	sbarrier.arrive $0xFFFF  }
0x2b: {  	s9 =	rddreg [dreg:$0x7]  }
0x2c: {  	[tilespmem:s2], [sflag:$0x5] =	stream.linear.gather [hbm4b:s9+s2], $0x80, $0x38;
	[tilespmem:$0x11C00] =	vst v63  }
0x2d: {  	s10 =	rddreg [dreg:$0x8];
	s9 =	simm.s32 $0x200  }
0x2e: {  	[tilespmem:s9], [sflag:$0x5] =	stream.linear.gather [hbm4b:s10+s2], $0x80, $0x38;
	[tilespmem:$0x11C00] =	vst v63  }
0x2f: {  	s16 =	rddreg [dreg:$0x9]  }
0x30: {  	[tilespmem:s20], [sflag:$0x6] =	stream.linear.gather [hbm4b:s16+s2], $0x80, $0x38;
	[tilespmem:$0x11C00] =	vst v63  }
0x31: {  	s25 =	rddreg [dreg:$0xa]  }
0x32: {  	[tilespmem:s14], [sflag:$0x6] =	stream.linear.gather [hbm4b:s25+s2], $0x80, $0x38;
	[tilespmem:$0x11C00] =	vst v63  }
0x33: {  	s10 =	rddreg [dreg:$0xb]  }
0x34: {  	[tilespmem:s21], [sflag:$0x7] =	stream.linear.gather [hbm4b:s10+s2], $0x80, $0x38;
	[tilespmem:$0x11C00] =	vst v63  }
0x35: {  	s16 =	rddreg [dreg:$0xc]  }
0x36: {  	[tilespmem:s23], [sflag:$0x7] =	stream.linear.gather [hbm4b:s16+s2], $0x80, $0x38;
	[tilespmem:$0x11C00] =	vst v63  }
0x37: {  	s25 =	rddreg [dreg:$0xd];
	s10 =	simm.s32 $0x180  }
0x38: {  	[tilespmem:s10], [sflag:$0x8] =	stream.linear.gather [hbm4b:s25+s2], $0x80, $0x38;
	[tilespmem:$0x11C00] =	vst v63  }
0x39: {  	s10 =	rddreg [dreg:$0xf]  }
0x3a: {  	[tilespmem:s24], [sflag:$0x8] =	stream.linear.gather [hbm4b:s10+s2], $0x80, $0x38;
	[tilespmem:$0x11C00] =	vst v63  }
0x3b: {  	_ =	swait.ge [sflag:s17], $0x80  }
0x3c: {  	[sflag:s17] =	ssyncset.done $0x0  }
0x3d: {  	[sflag:s17] =	ssyncadd.s32 $0xFFFFFF80  }
0x3e: {  	_ =	swait.ge [sflag:s17], $0x80  }
0x3f: {  	[sflag:s17] =	ssyncset.done $0x0  }
0x40: {  	[sflag:s17] =	ssyncadd.s32 $0xFFFFFF80  }
0x41: {  	_ =	swait.ge [sflag:s18], $0x80  }
0x42: {  	[sflag:s18] =	ssyncset.done $0x0  }
0x43: {  	[sflag:s18] =	ssyncadd.s32 $0xFFFFFF80  }
0x44: {  	_ =	swait.ge [sflag:s18], $0x80  }
0x45: {  	[sflag:s18] =	ssyncset.done $0x0  }
0x46: {  	s16 =	simm.s32 $0x400;
	[sflag:s18] =	ssyncadd.s32 $0xFFFFFF80  }
0x47: {  	[tilespmem:s16], [sflag:$0x1] =	stream.indirect.gather [hbm4b:s4+s19], $0x80, s2, s19, $0xb8;
	[tilespmem:$0x11C00] =	vst v63  }
0x48: {  	s25 =	simm.s32 $0x2C00  }
0x49: {  	[tilespmem:s25], [sflag:$0x1] =	stream.indirect.gather [hbm4b:s4+s19], $0x80, s9, s19, $0xb8;
	[tilespmem:$0x11C00] =	vst v63  }
0x4a: {  	s10 =	rddreg [dreg:$0x10];
	s16 =	simm.s32 $0x5400  }
0x4b: {  	[tilespmem:s16], [sflag:$0x1] =	stream.linear.gather [hbm4b:s10+s2], $0x1400, $0x38;
	[tilespmem:$0x11C00] =	vst v63  }
0x4c: {  	_ = 	snop  }
0x4d: {  	[tilespmem:s15], [sflag:$0x2] =	stream.indirect.gather [hbm4b:s4+s19], $0x80, s20, s19, $0xb8;
	[tilespmem:$0x11C00] =	vst v63  }
0x4e: {  	s20 =	simm.s32 $0x4000  }
0x4f: {  	[tilespmem:s20], [sflag:$0x2] =	stream.indirect.gather [hbm4b:s4+s19], $0x80, s14, s19, $0xb8;
	[tilespmem:$0x11C00] =	vst v63  }
0x50: {  	s25 =	rddreg [dreg:$0x11];
	s15 =	simm.s32 $0x0  }
0x51: {  	[tilespmem:s26], [sflag:$0x2] =	stream.linear.gather [hbm4b:s25+s2], $0x1400, $0x38;
	[tilespmem:$0x11C00] =	vst v63  }
.LBB2_2:
0x52: {  	_ =	swait.ge [sflag:s28], $0x1400  }
0x53: {  	[sflag:s28] =	ssyncset.done $0x0  }
0x54: {  	[sflag:s28] =	ssyncadd.s32 $0xFFFFEC00  }
0x55: {  	_ =	swait.ge [sflag:s28], $0x1400  }
0x56: {  	[sflag:s28] =	ssyncset.done $0x0  }
0x57: {  	[sflag:s28] =	ssyncadd.s32 $0xFFFFEC00  }
0x58: {  	_ =	swait.ge [sflag:s28], $0x1400  }
0x59: {  	[sflag:s28] =	ssyncset.done $0x0  }
0x5a: {  	s9 =	simm.s32 $0x0;
	[sflag:s28] =	ssyncadd.s32 $0xFFFFEC00  }
0x5b: {  	v6 =	vld [tilespmem:s9+$0x2C00]  }
0x5c: {  	v11 =	vld [tilespmem:s9+$0x2C40]  }
0x5d: {  	v2 =	vld [tilespmem:s9+$0x2C10]  }
0x5e: {  	v5 =	vld [tilespmem:s9+$0x2C50]  }
0x5f: {  	v1 =	vld [tilespmem:s9+$0x2C20]  }
0x60: {  	v4 =	vld [tilespmem:s9+$0x2C60]  }
0x61: {  	v0 =	vld [tilespmem:s9+$0x2C30]  }
0x62: {  	v3 =	vld [tilespmem:s9+$0x2C70]  }
0x63: {  	v12 =	vld [tilespmem:s9+$0x400]  }
0x64: {  	v13 =	vld [tilespmem:s9+$0x440]  }
0x65: {  	v10 =	vld [tilespmem:s9+$0x410]  }
0x66: {  	v9 =	vld [tilespmem:s9+$0x450]  }
0x67: {  	v8 =	vld [tilespmem:s9+$0x420]  }
0x68: {  	v7 =	vld [tilespmem:s9+$0x460];
	v12 =	vadd.f32 v11, v12  }
0x69: {  	s20 =	smov.u32 s1;
	s14 =	simm.s32 $0x200;
	v11 =	vadd.f32 v6, v13;
	v6 =	vld [tilespmem:s9+$0x430]  }
.LBB2_3:
0x6a: {  	s3 =	sshra.s32 s14, $0x2;
	p0 =	sne.s32 s14, $0x4E00;
	v12 =	vmax.f32 v12, $0.0e+00;
	v5 =	vadd.f32 v5, v10;
	v10 =	vld [tilespmem:s9+$0x470]  }
0x6b: {  	v13 =	vld [tilespmem:s3+$0x2C00];
	[tilespmem:s9+$0x400] =	vst v12;
	v11 =	vmax.f32 v11, $0.0e+00;
	v9 =	vadd.f32 v2, v9  }
0x6c: {  	v12 =	vld [tilespmem:s3+$0x2C40];
	[tilespmem:s9+$0x440] =	vst v11;
	v5 =	vmax.f32 v5, $0.0e+00;
	v4 =	vadd.f32 v4, v8  }
0x6d: {  	v2 =	vld [tilespmem:s3+$0x2C10];
	[tilespmem:s9+$0x410] =	vst v5;
	v8 =	vmax.f32 v9, $0.0e+00;
	v7 =	vadd.f32 v1, v7  }
0x6e: {  	v5 =	vld [tilespmem:s3+$0x2C50];
	[tilespmem:s9+$0x450] =	vst v8;
	v4 =	vmax.f32 v4, $0.0e+00;
	v3 =	vadd.f32 v3, v6  }
0x6f: {  	v1 =	vld [tilespmem:s3+$0x2C20];
	[tilespmem:s9+$0x420] =	vst v4;
	v6 =	vmax.f32 v7, $0.0e+00;
	v7 =	vadd.f32 v0, v10  }
0x70: {  	v4 =	vld [tilespmem:s3+$0x2C60];
	[tilespmem:s9+$0x460] =	vst v6;
	v3 =	vmax.f32 v3, $0.0e+00  }
0x71: {  	v0 =	vld [tilespmem:s3+$0x2C30];
	[tilespmem:s9+$0x430] =	vst v3;
	v6 =	vmax.f32 v7, $0.0e+00  }
0x72: {  	v3 =	vld [tilespmem:s3+$0x2C70];
	[tilespmem:s9+$0x470] =	vst v6;
	s9 =	smov.u32 s3  }
0x73: {  	v6 =	vld [tilespmem:s9+$0x400]  }
0x74: {  	v11 =	vld [tilespmem:s9+$0x440]  }
.Ltmp0:
0x75: {  	v10 =	vld [tilespmem:s9+$0x410];
	(pc) =	sbr.rel @p0 .LBB2_3-.Ltmp0, $4  }
0x76: {  	v9 =	vld [tilespmem:s9+$0x450]  }
0x77: {  	v8 =	vld [tilespmem:s9+$0x420]  }
0x78: {  	v12 =	vadd.f32 v12, v6;
	v7 =	vld [tilespmem:s9+$0x460]  }
0x79: {  	s14 =	sadd.s32 $0x200, s14;
	v11 =	vadd.f32 v13, v11;
	v6 =	vld [tilespmem:s9+$0x430]  }
0x7a: {  	v12 =	vmax.f32 v12, $0.0e+00;
	v5 =	vadd.f32 v5, v10;
	v10 =	vld [tilespmem:s9+$0x470]  }
0x7b: {  	[tilespmem:s9+$0x400] =	vst v12;
	v11 =	vmax.f32 v11, $0.0e+00;
	v2 =	vadd.f32 v2, v9  }
0x7c: {  	[tilespmem:s9+$0x440] =	vst v11;
	v5 =	vmax.f32 v5, $0.0e+00;
	v4 =	vadd.f32 v4, v8  }
0x7d: {  	[tilespmem:s9+$0x410] =	vst v5;
	v2 =	vmax.f32 v2, $0.0e+00;
	v1 =	vadd.f32 v1, v7  }
0x7e: {  	s14 =	smul.u32 $0xA0, s15;
	[tilespmem:s9+$0x450] =	vst v2;
	v2 =	vmax.f32 v4, $0.0e+00;
	v3 =	vadd.f32 v3, v6  }
0x7f: {  	[tilespmem:s9+$0x420] =	vst v2;
	v1 =	vmax.f32 v1, $0.0e+00;
	v0 =	vadd.f32 v0, v10  }
0x80: {  	s3 =	sadd.s32 s22, s14;
	[tilespmem:s9+$0x460] =	vst v1;
	v1 =	vmax.f32 v3, $0.0e+00  }
0x81: {  	s3 =	sshll.u32 s3, $0x4;
	[tilespmem:s9+$0x430] =	vst v1;
	v0 =	vmax.f32 v0, $0.0e+00  }
0x82: {  	s16 =	simm.s32 $0x0;
	s25 =	simm.s32 $0x400;
	s3 =	sadd.s32 s8, s3;
	[tilespmem:s9+$0x470] =	vst v0  }
0x83: {  	[hbm4b:s3+s16] =	stream.linear.scatter [tilespmem:s25], [sflag:$0x3], $0x1400, $0x38;
	[tilespmem:$0x11C00] =	vst v63  }
0x84: {  	s1 =	simm.s32 $0x200;
	s10 =	simm.s32 $0x5400  }
0x85: {  	[spmem:s20] =	stream.indirect.scatter.add.f32 [tilespmem:s10], [sflag:$0x9], $0x40, s1, s19, $0xb8;
	[tilespmem:$0x11C00] =	vst v63  }
0x86: {  	_ =	swait.ge [sflag:s0], $0xA00  }
0x87: {  	[sflag:s0] =	ssyncset.done $0x0  }
0x88: {  	[sflag:s0] =	ssyncadd.s32 $0xFFFFF600  }
0x89: {  	_ =	swait.ge [sflag:s11], $0x1400  }
0x8a: {  	[sflag:s11] =	ssyncset.done $0x0  }
0x8b: {  	[sflag:s11] =	ssyncadd.s32 $0xFFFFEC00  }
0x8c: {  	_ =	swait.ge [sflag:s29], $0x80  }
0x8d: {  	[sflag:s29] =	ssyncset.done $0x0  }
0x8e: {  	[sflag:s29] =	ssyncadd.s32 $0xFFFFFF80  }
0x8f: {  	_ =	swait.ge [sflag:s29], $0x80  }
0x90: {  	[sflag:s29] =	ssyncset.done $0x0  }
0x91: {  	[sflag:s29] =	ssyncadd.s32 $0xFFFFFF80  }
0x92: {  	[tilespmem:s25], [sflag:$0x1] =	stream.indirect.gather [hbm4b:s4+s19], $0x80, s21, s19, $0xb8;
	[tilespmem:$0x11C00] =	vst v63  }
0x93: {  	s21 =	rddreg [dreg:$0x15]  }
0x94: {  	s9 =	simm.s32 $0x2C00;
	s3 =	sadd.s32 s14, s21  }
0x95: {  	[tilespmem:s9], [sflag:$0x1] =	stream.indirect.gather [hbm4b:s4+s19], $0x80, s23, s19, $0xb8;
	[tilespmem:$0x11C00] =	vst v63  }
0x96: {  	s25 =	sshll.u32 s15, $0x2;
	s9 =	sshll.u32 s3, $0x4  }
0x97: {  	s21 =	sadd.s32 $0x4, s25;
	s3 =	sadd.s32 s7, s9  }
0x98: {  	[tilespmem:s10], [sflag:$0x1] =	stream.linear.gather [hbm4b:s3+s16], $0x1400, $0x38;
	[tilespmem:$0x11C00] =	vst v63  }
0x99: {  	s3 =	sshll.u32 s21, $0x7  }
0x9a: {  	s23 =	sand.u32 $0xFC00, s3  }
0x9b: {  	s3 =	sand.u32 $0x200, s3;
	s10 =	sadd.s32 s12, s23  }
0x9c: {  	s3 =	sor.u32 s3, s10  }
0x9d: {  	s3 =	sshrl.u32 s3, $0x3  }
0x9e: {  	s23 =	sadd.s32 s5, s3  }
0x9f: {  	[tilespmem:s16], [sflag:$0x5] =	stream.linear.gather [hbm4b:s23+s16], $0x80, $0x38;
	[tilespmem:$0x11C00] =	vst v63  }
0xa0: {  	s3 =	sadd.s32 s6, s3  }
0xa1: {  	[tilespmem:s1], [sflag:$0x5] =	stream.linear.gather [hbm4b:s3+s16], $0x80, $0x38;
	[tilespmem:$0x11C00] =	vst v63  }
0xa2: {  	_ =	swait.ge [sflag:s30], $0x1400  }
0xa3: {  	[sflag:s30] =	ssyncset.done $0x0  }
0xa4: {  	[sflag:s30] =	ssyncadd.s32 $0xFFFFEC00  }
0xa5: {  	_ =	swait.ge [sflag:s30], $0x1400  }
0xa6: {  	[sflag:s30] =	ssyncset.done $0x0  }
0xa7: {  	[sflag:s30] =	ssyncadd.s32 $0xFFFFEC00  }
0xa8: {  	_ =	swait.ge [sflag:s30], $0x1400  }
0xa9: {  	[sflag:s30] =	ssyncset.done $0x0  }
0xaa: {  	s16 =	simm.s32 $0x0;
	[sflag:s30] =	ssyncadd.s32 $0xFFFFEC00  }
0xab: {  	v6 =	vld [tilespmem:s16+$0x4000]  }
0xac: {  	v11 =	vld [tilespmem:s16+$0x4040]  }
0xad: {  	v2 =	vld [tilespmem:s16+$0x4010]  }
0xae: {  	v5 =	vld [tilespmem:s16+$0x4050]  }
0xaf: {  	v1 =	vld [tilespmem:s16+$0x4020]  }
0xb0: {  	v4 =	vld [tilespmem:s16+$0x4060]  }
0xb1: {  	v0 =	vld [tilespmem:s16+$0x4030]  }
0xb2: {  	v3 =	vld [tilespmem:s16+$0x4070]  }
0xb3: {  	v12 =	vld [tilespmem:s16+$0x1800]  }
0xb4: {  	v13 =	vld [tilespmem:s16+$0x1840]  }
0xb5: {  	v10 =	vld [tilespmem:s16+$0x1810]  }
0xb6: {  	v9 =	vld [tilespmem:s16+$0x1850]  }
0xb7: {  	v8 =	vld [tilespmem:s16+$0x1820]  }
0xb8: {  	v7 =	vld [tilespmem:s16+$0x1860];
	v12 =	vadd.f32 v11, v12  }
0xb9: {  	s3 =	simm.s32 $0x200;
	v11 =	vadd.f32 v6, v13;
	v6 =	vld [tilespmem:s16+$0x1830]  }
.LBB2_5:
0xba: {  	s10 =	sshra.s32 s3, $0x2;
	p0 =	sne.s32 s3, $0x4E00;
	v12 =	vmax.f32 v12, $0.0e+00;
	v5 =	vadd.f32 v5, v10;
	v10 =	vld [tilespmem:s16+$0x1870]  }
0xbb: {  	v13 =	vld [tilespmem:s10+$0x4000];
	[tilespmem:s16+$0x1800] =	vst v12;
	v11 =	vmax.f32 v11, $0.0e+00;
	v9 =	vadd.f32 v2, v9  }
0xbc: {  	v12 =	vld [tilespmem:s10+$0x4040];
	[tilespmem:s16+$0x1840] =	vst v11;
	v5 =	vmax.f32 v5, $0.0e+00;
	v4 =	vadd.f32 v4, v8  }
0xbd: {  	v2 =	vld [tilespmem:s10+$0x4010];
	[tilespmem:s16+$0x1810] =	vst v5;
	v8 =	vmax.f32 v9, $0.0e+00;
	v7 =	vadd.f32 v1, v7  }
0xbe: {  	v5 =	vld [tilespmem:s10+$0x4050];
	[tilespmem:s16+$0x1850] =	vst v8;
	v4 =	vmax.f32 v4, $0.0e+00;
	v3 =	vadd.f32 v3, v6  }
0xbf: {  	v1 =	vld [tilespmem:s10+$0x4020];
	[tilespmem:s16+$0x1820] =	vst v4;
	v6 =	vmax.f32 v7, $0.0e+00;
	v7 =	vadd.f32 v0, v10  }
0xc0: {  	v4 =	vld [tilespmem:s10+$0x4060];
	[tilespmem:s16+$0x1860] =	vst v6;
	v3 =	vmax.f32 v3, $0.0e+00  }
0xc1: {  	v0 =	vld [tilespmem:s10+$0x4030];
	[tilespmem:s16+$0x1830] =	vst v3;
	v6 =	vmax.f32 v7, $0.0e+00  }
0xc2: {  	v3 =	vld [tilespmem:s10+$0x4070];
	[tilespmem:s16+$0x1870] =	vst v6;
	s16 =	smov.u32 s10  }
0xc3: {  	v6 =	vld [tilespmem:s16+$0x1800]  }
0xc4: {  	v11 =	vld [tilespmem:s16+$0x1840]  }
.Ltmp1:
0xc5: {  	v10 =	vld [tilespmem:s16+$0x1810];
	(pc) =	sbr.rel @p0 .LBB2_5-.Ltmp1, $4  }
0xc6: {  	v9 =	vld [tilespmem:s16+$0x1850]  }
0xc7: {  	v8 =	vld [tilespmem:s16+$0x1820]  }
0xc8: {  	v12 =	vadd.f32 v12, v6;
	v7 =	vld [tilespmem:s16+$0x1860]  }
0xc9: {  	s3 =	sadd.s32 $0x200, s3;
	v11 =	vadd.f32 v13, v11;
	v6 =	vld [tilespmem:s16+$0x1830]  }
0xca: {  	v12 =	vmax.f32 v12, $0.0e+00;
	v5 =	vadd.f32 v5, v10;
	v10 =	vld [tilespmem:s16+$0x1870]  }
0xcb: {  	[tilespmem:s16+$0x1800] =	vst v12;
	v11 =	vmax.f32 v11, $0.0e+00;
	v2 =	vadd.f32 v2, v9  }
0xcc: {  	[tilespmem:s16+$0x1840] =	vst v11;
	v5 =	vmax.f32 v5, $0.0e+00;
	v4 =	vadd.f32 v4, v8  }
0xcd: {  	[tilespmem:s16+$0x1810] =	vst v5;
	v2 =	vmax.f32 v2, $0.0e+00;
	v1 =	vadd.f32 v1, v7  }
0xce: {  	[tilespmem:s16+$0x1850] =	vst v2;
	v2 =	vmax.f32 v4, $0.0e+00;
	v3 =	vadd.f32 v3, v6  }
0xcf: {  	s3 =	rddreg [dreg:$0x16];
	[tilespmem:s16+$0x1820] =	vst v2;
	v1 =	vmax.f32 v1, $0.0e+00;
	v0 =	vadd.f32 v0, v10  }
0xd0: {  	s3 =	sadd.s32 s14, s3;
	[tilespmem:s16+$0x1860] =	vst v1;
	v1 =	vmax.f32 v3, $0.0e+00  }
0xd1: {  	s3 =	sshll.u32 s3, $0x4;
	[tilespmem:s16+$0x1830] =	vst v1;
	v0 =	vmax.f32 v0, $0.0e+00  }
0xd2: {  	s10 =	simm.s32 $0x0;
	s3 =	sadd.s32 s8, s3;
	[tilespmem:s16+$0x1870] =	vst v0;
	s16 =	simm.s32 $0x1800  }
0xd3: {  	[hbm4b:s3+s10] =	stream.linear.scatter [tilespmem:s16], [sflag:$0x4], $0x1400, $0x38;
	[tilespmem:$0x11C00] =	vst v63  }
0xd4: {  	s23 =	simm.s32 $0x280  }
0xd5: {  	[spmem:s20] =	stream.indirect.scatter.add.f32 [tilespmem:s26], [sflag:$0x9], $0x40, s23, s19, $0xb8;
	[tilespmem:$0x11C00] =	vst v63  }
0xd6: {  	_ =	swait.ge [sflag:s0], $0xA00  }
0xd7: {  	[sflag:s0] =	ssyncset.done $0x0  }
0xd8: {  	[sflag:s0] =	ssyncadd.s32 $0xFFFFF600  }
0xd9: {  	_ =	swait.ge [sflag:s31], $0x1400  }
0xda: {  	[sflag:s31] =	ssyncset.done $0x0  }
0xdb: {  	[sflag:s31] =	ssyncadd.s32 $0xFFFFEC00  }
0xdc: {  	_ =	swait.ge [sflag:s13], $0x80  }
0xdd: {  	[sflag:s13] =	ssyncset.done $0x0  }
0xde: {  	[sflag:s13] =	ssyncadd.s32 $0xFFFFFF80  }
0xdf: {  	_ =	swait.ge [sflag:s13], $0x80  }
0xe0: {  	[sflag:s13] =	ssyncset.done $0x0  }
0xe1: {  	s1 =	smov.u32 s20;
	s20 =	simm.s32 $0x180;
	[sflag:s13] =	ssyncadd.s32 $0xFFFFFF80  }
0xe2: {  	[tilespmem:s16], [sflag:$0x2] =	stream.indirect.gather [hbm4b:s4+s19], $0x80, s20, s19, $0xb8;
	[tilespmem:$0x11C00] =	vst v63  }
0xe3: {  	s20 =	rddreg [dreg:$0x17]  }
0xe4: {  	s25 =	sadd.s32 $0x5, s25;
	s16 =	simm.s32 $0x4000;
	s3 =	sadd.s32 s14, s20  }
0xe5: {  	[tilespmem:s16], [sflag:$0x2] =	stream.indirect.gather [hbm4b:s4+s19], $0x80, s24, s19, $0xb8;
	[tilespmem:$0x11C00] =	vst v63  }
0xe6: {  	s14 =	sshll.u32 s3, $0x4;
	s24 =	sshll.u32 s25, $0x7  }
0xe7: {  	s3 =	sadd.s32 s7, s14;
	s20 =	sand.u32 $0xFC00, s24  }
0xe8: {  	[tilespmem:s26], [sflag:$0x2] =	stream.linear.gather [hbm4b:s3+s10], $0x1400, $0x38;
	[tilespmem:$0x11C00] =	vst v63  }
0xe9: {  	s16 =	sadd.s32 s12, s20;
	s3 =	sand.u32 $0x280, s24  }
0xea: {  	s3 =	sor.u32 s3, s16  }
0xeb: {  	s3 =	sshrl.u32 s3, $0x3  }
0xec: {  	s20 =	simm.s32 $0x80;
	s24 =	sadd.s32 s5, s3  }
0xed: {  	[tilespmem:s20], [sflag:$0x6] =	stream.linear.gather [hbm4b:s24+s10], $0x80, $0x38;
	[tilespmem:$0x11C00] =	vst v63  }
0xee: {  	s3 =	sadd.s32 s6, s3  }
0xef: {  	[tilespmem:s23], [sflag:$0x6] =	stream.linear.gather [hbm4b:s3+s10], $0x80, $0x38;
	[tilespmem:$0x11C00] =	vst v63  }
0xf0: {  	_ =	swait.ge [sflag:s28], $0x1400  }
0xf1: {  	[sflag:s28] =	ssyncset.done $0x0  }
0xf2: {  	[sflag:s28] =	ssyncadd.s32 $0xFFFFEC00  }
0xf3: {  	_ =	swait.ge [sflag:s28], $0x1400  }
0xf4: {  	[sflag:s28] =	ssyncset.done $0x0  }
0xf5: {  	[sflag:s28] =	ssyncadd.s32 $0xFFFFEC00  }
0xf6: {  	_ =	swait.ge [sflag:s28], $0x1400  }
0xf7: {  	[sflag:s28] =	ssyncset.done $0x0  }
0xf8: {  	s16 =	simm.s32 $0x0;
	[sflag:s28] =	ssyncadd.s32 $0xFFFFEC00  }
0xf9: {  	v6 =	vld [tilespmem:s16+$0x2C00]  }
0xfa: {  	v11 =	vld [tilespmem:s16+$0x2C40]  }
0xfb: {  	v2 =	vld [tilespmem:s16+$0x2C10]  }
0xfc: {  	v5 =	vld [tilespmem:s16+$0x2C50]  }
0xfd: {  	v1 =	vld [tilespmem:s16+$0x2C20]  }
0xfe: {  	v4 =	vld [tilespmem:s16+$0x2C60]  }
0xff: {  	v0 =	vld [tilespmem:s16+$0x2C30]  }
0x100: {  	v3 =	vld [tilespmem:s16+$0x2C70]  }
0x101: {  	v12 =	vld [tilespmem:s16+$0x400]  }
0x102: {  	v13 =	vld [tilespmem:s16+$0x440]  }
0x103: {  	v10 =	vld [tilespmem:s16+$0x410]  }
0x104: {  	v9 =	vld [tilespmem:s16+$0x450]  }
0x105: {  	v8 =	vld [tilespmem:s16+$0x420]  }
0x106: {  	v7 =	vld [tilespmem:s16+$0x460];
	v12 =	vadd.f32 v11, v12  }
0x107: {  	s3 =	simm.s32 $0x200;
	v11 =	vadd.f32 v6, v13;
	v6 =	vld [tilespmem:s16+$0x430]  }
.LBB2_7:
0x108: {  	s10 =	sshra.s32 s3, $0x2;
	p0 =	sne.s32 s3, $0x4E00;
	v12 =	vmax.f32 v12, $0.0e+00;
	v5 =	vadd.f32 v5, v10;
	v10 =	vld [tilespmem:s16+$0x470]  }
0x109: {  	v13 =	vld [tilespmem:s10+$0x2C00];
	[tilespmem:s16+$0x400] =	vst v12;
	v11 =	vmax.f32 v11, $0.0e+00;
	v9 =	vadd.f32 v2, v9  }
0x10a: {  	v12 =	vld [tilespmem:s10+$0x2C40];
	[tilespmem:s16+$0x440] =	vst v11;
	v5 =	vmax.f32 v5, $0.0e+00;
	v4 =	vadd.f32 v4, v8  }
0x10b: {  	v2 =	vld [tilespmem:s10+$0x2C10];
	[tilespmem:s16+$0x410] =	vst v5;
	v8 =	vmax.f32 v9, $0.0e+00;
	v7 =	vadd.f32 v1, v7  }
0x10c: {  	v5 =	vld [tilespmem:s10+$0x2C50];
	[tilespmem:s16+$0x450] =	vst v8;
	v4 =	vmax.f32 v4, $0.0e+00;
	v3 =	vadd.f32 v3, v6  }
0x10d: {  	v1 =	vld [tilespmem:s10+$0x2C20];
	[tilespmem:s16+$0x420] =	vst v4;
	v6 =	vmax.f32 v7, $0.0e+00;
	v7 =	vadd.f32 v0, v10  }
0x10e: {  	v4 =	vld [tilespmem:s10+$0x2C60];
	[tilespmem:s16+$0x460] =	vst v6;
	v3 =	vmax.f32 v3, $0.0e+00  }
0x10f: {  	v0 =	vld [tilespmem:s10+$0x2C30];
	[tilespmem:s16+$0x430] =	vst v3;
	v6 =	vmax.f32 v7, $0.0e+00  }
0x110: {  	v3 =	vld [tilespmem:s10+$0x2C70];
	[tilespmem:s16+$0x470] =	vst v6;
	s16 =	smov.u32 s10  }
0x111: {  	v6 =	vld [tilespmem:s16+$0x400]  }
0x112: {  	v11 =	vld [tilespmem:s16+$0x440]  }
.Ltmp2:
0x113: {  	v10 =	vld [tilespmem:s16+$0x410];
	(pc) =	sbr.rel @p0 .LBB2_7-.Ltmp2, $4  }
0x114: {  	v9 =	vld [tilespmem:s16+$0x450]  }
0x115: {  	v8 =	vld [tilespmem:s16+$0x420]  }
0x116: {  	v12 =	vadd.f32 v12, v6;
	v7 =	vld [tilespmem:s16+$0x460]  }
0x117: {  	s3 =	sadd.s32 $0x200, s3;
	v11 =	vadd.f32 v13, v11;
	v6 =	vld [tilespmem:s16+$0x430]  }
0x118: {  	v12 =	vmax.f32 v12, $0.0e+00;
	v5 =	vadd.f32 v5, v10;
	v10 =	vld [tilespmem:s16+$0x470]  }
0x119: {  	[tilespmem:s16+$0x400] =	vst v12;
	v11 =	vmax.f32 v11, $0.0e+00;
	v2 =	vadd.f32 v2, v9  }
0x11a: {  	[tilespmem:s16+$0x440] =	vst v11;
	v5 =	vmax.f32 v5, $0.0e+00;
	v4 =	vadd.f32 v4, v8  }
0x11b: {  	[tilespmem:s16+$0x410] =	vst v5;
	v2 =	vmax.f32 v2, $0.0e+00;
	v1 =	vadd.f32 v1, v7  }
0x11c: {  	[tilespmem:s16+$0x450] =	vst v2;
	v2 =	vmax.f32 v4, $0.0e+00;
	v3 =	vadd.f32 v3, v6  }
0x11d: {  	[tilespmem:s16+$0x420] =	vst v2;
	v1 =	vmax.f32 v1, $0.0e+00;
	v0 =	vadd.f32 v0, v10  }
0x11e: {  	[tilespmem:s16+$0x460] =	vst v1;
	v1 =	vmax.f32 v3, $0.0e+00  }
0x11f: {  	[tilespmem:s16+$0x430] =	vst v1;
	v0 =	vmax.f32 v0, $0.0e+00  }
0x120: {  	s3 =	sadd.s32 s8, s9;
	s10 =	simm.s32 $0x0;
	[tilespmem:s16+$0x470] =	vst v0;
	s16 =	simm.s32 $0x400  }
0x121: {  	[hbm4b:s3+s10] =	stream.linear.scatter [tilespmem:s16], [sflag:$0x3], $0x1400, $0x38;
	[tilespmem:$0x11C00] =	vst v63  }
0x122: {  	s23 =	simm.s32 $0x300;
	s24 =	simm.s32 $0x5400  }
0x123: {  	[spmem:s1] =	stream.indirect.scatter.add.f32 [tilespmem:s24], [sflag:$0x9], $0x40, s23, s19, $0xb8;
	[tilespmem:$0x11C00] =	vst v63  }
0x124: {  	_ =	swait.ge [sflag:s0], $0xA00  }
0x125: {  	[sflag:s0] =	ssyncset.done $0x0  }
0x126: {  	[sflag:s0] =	ssyncadd.s32 $0xFFFFF600  }
0x127: {  	_ =	swait.ge [sflag:s11], $0x1400  }
0x128: {  	[sflag:s11] =	ssyncset.done $0x0  }
0x129: {  	[sflag:s11] =	ssyncadd.s32 $0xFFFFEC00  }
0x12a: {  	_ =	swait.ge [sflag:s17], $0x80  }
0x12b: {  	[sflag:s17] =	ssyncset.done $0x0  }
0x12c: {  	[sflag:s17] =	ssyncadd.s32 $0xFFFFFF80  }
0x12d: {  	s3 =	smul.u32 $0x28, s21;
	_ =	swait.ge [sflag:s17], $0x80  }
0x12e: {  	[sflag:s17] =	ssyncset.done $0x0  }
0x12f: {  	s3 =	sadd.s32 s22, s3;
	[sflag:s17] =	ssyncadd.s32 $0xFFFFFF80  }
0x130: {  	[tilespmem:s16], [sflag:$0x1] =	stream.indirect.gather [hbm4b:s4+s19], $0x80, s10, s19, $0xb8;
	[tilespmem:$0x11C00] =	vst v63  }
0x131: {  	s21 =	simm.s32 $0x2C00;
	s3 =	sshll.u32 s3, $0x4;
	s16 =	simm.s32 $0x200  }
0x132: {  	[tilespmem:s21], [sflag:$0x1] =	stream.indirect.gather [hbm4b:s4+s19], $0x80, s16, s19, $0xb8;
	[tilespmem:$0x11C00] =	vst v63  }
0x133: {  	s9 =	sshll.u32 s15, $0x9;
	s3 =	sadd.s32 s7, s3  }
0x134: {  	[tilespmem:s24], [sflag:$0x1] =	stream.linear.gather [hbm4b:s3+s10], $0x1400, $0x38;
	[tilespmem:$0x11C00] =	vst v63  }
0x135: {  	s24 =	sadd.s32 $0x300, s9  }
0x136: {  	s21 =	sand.u32 $0xFC00, s24  }
0x137: {  	s3 =	sand.u32 $0x300, s24;
	s16 =	sadd.s32 s12, s21  }
0x138: {  	s3 =	sor.u32 s3, s16  }
0x139: {  	s3 =	sshrl.u32 s3, $0x3  }
0x13a: {  	s21 =	simm.s32 $0x100;
	s24 =	sadd.s32 s5, s3  }
0x13b: {  	[tilespmem:s21], [sflag:$0x7] =	stream.linear.gather [hbm4b:s24+s10], $0x80, $0x38;
	[tilespmem:$0x11C00] =	vst v63  }
0x13c: {  	s3 =	sadd.s32 s6, s3  }
0x13d: {  	[tilespmem:s23], [sflag:$0x7] =	stream.linear.gather [hbm4b:s3+s10], $0x80, $0x38;
	[tilespmem:$0x11C00] =	vst v63  }
0x13e: {  	_ =	swait.ge [sflag:s30], $0x1400  }
0x13f: {  	[sflag:s30] =	ssyncset.done $0x0  }
0x140: {  	[sflag:s30] =	ssyncadd.s32 $0xFFFFEC00  }
0x141: {  	_ =	swait.ge [sflag:s30], $0x1400  }
0x142: {  	[sflag:s30] =	ssyncset.done $0x0  }
0x143: {  	[sflag:s30] =	ssyncadd.s32 $0xFFFFEC00  }
0x144: {  	_ =	swait.ge [sflag:s30], $0x1400  }
0x145: {  	[sflag:s30] =	ssyncset.done $0x0  }
0x146: {  	s16 =	simm.s32 $0x0;
	[sflag:s30] =	ssyncadd.s32 $0xFFFFEC00  }
0x147: {  	v6 =	vld [tilespmem:s16+$0x4000]  }
0x148: {  	v11 =	vld [tilespmem:s16+$0x4040]  }
0x149: {  	v2 =	vld [tilespmem:s16+$0x4010]  }
0x14a: {  	v5 =	vld [tilespmem:s16+$0x4050]  }
0x14b: {  	v1 =	vld [tilespmem:s16+$0x4020]  }
0x14c: {  	v4 =	vld [tilespmem:s16+$0x4060]  }
0x14d: {  	v0 =	vld [tilespmem:s16+$0x4030]  }
0x14e: {  	v3 =	vld [tilespmem:s16+$0x4070]  }
0x14f: {  	v12 =	vld [tilespmem:s16+$0x1800]  }
0x150: {  	v13 =	vld [tilespmem:s16+$0x1840]  }
0x151: {  	v10 =	vld [tilespmem:s16+$0x1810]  }
0x152: {  	v9 =	vld [tilespmem:s16+$0x1850]  }
0x153: {  	v8 =	vld [tilespmem:s16+$0x1820]  }
0x154: {  	v7 =	vld [tilespmem:s16+$0x1860];
	v12 =	vadd.f32 v11, v12  }
0x155: {  	s3 =	simm.s32 $0x200;
	v11 =	vadd.f32 v6, v13;
	v6 =	vld [tilespmem:s16+$0x1830]  }
.LBB2_9:
0x156: {  	s10 =	sshra.s32 s3, $0x2;
	p0 =	sne.s32 s3, $0x4E00;
	v12 =	vmax.f32 v12, $0.0e+00;
	v5 =	vadd.f32 v5, v10;
	v10 =	vld [tilespmem:s16+$0x1870]  }
0x157: {  	v13 =	vld [tilespmem:s10+$0x4000];
	[tilespmem:s16+$0x1800] =	vst v12;
	v11 =	vmax.f32 v11, $0.0e+00;
	v9 =	vadd.f32 v2, v9  }
0x158: {  	v12 =	vld [tilespmem:s10+$0x4040];
	[tilespmem:s16+$0x1840] =	vst v11;
	v5 =	vmax.f32 v5, $0.0e+00;
	v4 =	vadd.f32 v4, v8  }
0x159: {  	v2 =	vld [tilespmem:s10+$0x4010];
	[tilespmem:s16+$0x1810] =	vst v5;
	v8 =	vmax.f32 v9, $0.0e+00;
	v7 =	vadd.f32 v1, v7  }
0x15a: {  	v5 =	vld [tilespmem:s10+$0x4050];
	[tilespmem:s16+$0x1850] =	vst v8;
	v4 =	vmax.f32 v4, $0.0e+00;
	v3 =	vadd.f32 v3, v6  }
0x15b: {  	v1 =	vld [tilespmem:s10+$0x4020];
	[tilespmem:s16+$0x1820] =	vst v4;
	v6 =	vmax.f32 v7, $0.0e+00;
	v7 =	vadd.f32 v0, v10  }
0x15c: {  	v4 =	vld [tilespmem:s10+$0x4060];
	[tilespmem:s16+$0x1860] =	vst v6;
	v3 =	vmax.f32 v3, $0.0e+00  }
0x15d: {  	v0 =	vld [tilespmem:s10+$0x4030];
	[tilespmem:s16+$0x1830] =	vst v3;
	v6 =	vmax.f32 v7, $0.0e+00  }
0x15e: {  	v3 =	vld [tilespmem:s10+$0x4070];
	[tilespmem:s16+$0x1870] =	vst v6;
	s16 =	smov.u32 s10  }
0x15f: {  	v6 =	vld [tilespmem:s16+$0x1800]  }
0x160: {  	v11 =	vld [tilespmem:s16+$0x1840]  }
.Ltmp3:
0x161: {  	v10 =	vld [tilespmem:s16+$0x1810];
	(pc) =	sbr.rel @p0 .LBB2_9-.Ltmp3, $4  }
0x162: {  	v9 =	vld [tilespmem:s16+$0x1850]  }
0x163: {  	v8 =	vld [tilespmem:s16+$0x1820]  }
0x164: {  	v12 =	vadd.f32 v12, v6;
	v7 =	vld [tilespmem:s16+$0x1860]  }
0x165: {  	s3 =	sadd.s32 $0x200, s3;
	v11 =	vadd.f32 v13, v11;
	v6 =	vld [tilespmem:s16+$0x1830]  }
0x166: {  	v12 =	vmax.f32 v12, $0.0e+00;
	v5 =	vadd.f32 v5, v10;
	v61 =	vld [tilespmem:s16+$0x1870]  }
0x167: {  	[tilespmem:s16+$0x1800] =	vst v12;
	v11 =	vmax.f32 v11, $0.0e+00;
	v2 =	vadd.f32 v2, v9  }
0x168: {  	[tilespmem:s16+$0x1840] =	vst v11;
	v5 =	vmax.f32 v5, $0.0e+00;
	v4 =	vadd.f32 v4, v8  }
0x169: {  	[tilespmem:s16+$0x1810] =	vst v5;
	v2 =	vmax.f32 v2, $0.0e+00;
	v1 =	vadd.f32 v1, v7  }
0x16a: {  	[tilespmem:s16+$0x1850] =	vst v2;
	v62 =	vmax.f32 v4, $0.0e+00;
	v3 =	vadd.f32 v3, v6  }
0x16b: {  	[tilespmem:s16+$0x1820] =	vst v62;
	v1 =	vmax.f32 v1, $0.0e+00;
	v0 =	vadd.f32 v0, v61  }
0x16c: {  	[tilespmem:s16+$0x1860] =	vst v1;
	v63 =	vmax.f32 v3, $0.0e+00  }
0x16d: {  	[tilespmem:s16+$0x1830] =	vst v63;
	v0 =	vmax.f32 v0, $0.0e+00  }
0x16e: {  	s3 =	sadd.s32 s8, s14;
	s10 =	simm.s32 $0x1800;
	[tilespmem:s16+$0x1870] =	vst v0  }
0x16f: {  	[hbm4b:s3+s2] =	stream.linear.scatter [tilespmem:s10], [sflag:$0x4], $0x1400, $0x38;
	[tilespmem:$0x11C00] =	vst v63  }
0x170: {  	s16 =	simm.s32 $0x380  }
0x171: {  	[spmem:s1] =	stream.indirect.scatter.add.f32 [tilespmem:s26], [sflag:$0x9], $0x40, s16, s19, $0xb8;
	[tilespmem:$0x11C00] =	vst v63  }
0x172: {  	_ =	swait.ge [sflag:s0], $0xA00  }
0x173: {  	[sflag:s0] =	ssyncset.done $0x0  }
0x174: {  	[sflag:s0] =	ssyncadd.s32 $0xFFFFF600  }
0x175: {  	_ =	swait.ge [sflag:s31], $0x1400  }
0x176: {  	[sflag:s31] =	ssyncset.done $0x0  }
0x177: {  	[sflag:s31] =	ssyncadd.s32 $0xFFFFEC00  }
0x178: {  	_ =	swait.ge [sflag:s18], $0x80  }
0x179: {  	[sflag:s18] =	ssyncset.done $0x0  }
0x17a: {  	[sflag:s18] =	ssyncadd.s32 $0xFFFFFF80  }
0x17b: {  	s24 =	smul.u32 $0x28, s25;
	_ =	swait.ge [sflag:s18], $0x80  }
0x17c: {  	[sflag:s18] =	ssyncset.done $0x0  }
0x17d: {  	s14 =	simm.s32 $0x280;
	s3 =	sadd.s32 s22, s24;
	[sflag:s18] =	ssyncadd.s32 $0xFFFFFF80  }
0x17e: {  	[tilespmem:s10], [sflag:$0x2] =	stream.indirect.gather [hbm4b:s4+s19], $0x80, s20, s19, $0xb8;
	[tilespmem:$0x11C00] =	vst v63  }
0x17f: {  	s25 =	simm.s32 $0x4000;
	s3 =	sshll.u32 s3, $0x4;
	s10 =	sadd.s32 $0x380, s9  }
0x180: {  	[tilespmem:s25], [sflag:$0x2] =	stream.indirect.gather [hbm4b:s4+s19], $0x80, s14, s19, $0xb8;
	[tilespmem:$0x11C00] =	vst v63  }
0x181: {  	s3 =	sadd.s32 s7, s3;
	s9 =	sand.u32 $0xFC00, s10  }
0x182: {  	[tilespmem:s26], [sflag:$0x2] =	stream.linear.gather [hbm4b:s3+s2], $0x1400, $0x38;
	[tilespmem:$0x11C00] =	vst v63  }
0x183: {  	s15 =	sadd.s32 $0x1, s15;
	s9 =	sadd.s32 s12, s9;
	s3 =	sand.u32 $0x380, s10  }
0x184: {  	p0 =	sne.s32 s15, $0x3E;
	s3 =	sor.u32 s3, s9  }
.Ltmp4:
0x185: {  	s3 =	sshrl.u32 s3, $0x3;
	(pc) =	sbr.rel @p0 .LBB2_2-.Ltmp4, $4  }
0x186: {  	s25 =	simm.s32 $0x180;
	s24 =	sadd.s32 s5, s3  }
0x187: {  	[tilespmem:s25], [sflag:$0x8] =	stream.linear.gather [hbm4b:s24+s2], $0x80, $0x38;
	[tilespmem:$0x11C00] =	vst v63  }
0x188: {  	s3 =	sadd.s32 s6, s3;
	s24 =	simm.s32 $0x380  }
0x189: {  	[tilespmem:s16], [sflag:$0x8] =	stream.linear.gather [hbm4b:s3+s2], $0x80, $0x38;
	[tilespmem:$0x11C00] =	vst v63  }
0x18a: {  	_ =	swait.ge [sflag:s28], $0x1400  }
0x18b: {  	[sflag:s28] =	ssyncset.done $0x0  }
0x18c: {  	[sflag:s28] =	ssyncadd.s32 $0xFFFFEC00  }
0x18d: {  	_ =	swait.ge [sflag:s28], $0x1400  }
0x18e: {  	[sflag:s28] =	ssyncset.done $0x0  }
0x18f: {  	[sflag:s28] =	ssyncadd.s32 $0xFFFFEC00  }
0x190: {  	_ =	swait.ge [sflag:s28], $0x1400  }
0x191: {  	[sflag:s28] =	ssyncset.done $0x0  }
0x192: {  	s9 =	simm.s32 $0x0;
	[sflag:s28] =	ssyncadd.s32 $0xFFFFEC00  }
0x193: {  	v6 =	vld [tilespmem:s9+$0x2C00]  }
0x194: {  	v11 =	vld [tilespmem:s9+$0x2C40]  }
0x195: {  	v2 =	vld [tilespmem:s9+$0x2C10]  }
0x196: {  	v5 =	vld [tilespmem:s9+$0x2C50]  }
0x197: {  	v1 =	vld [tilespmem:s9+$0x2C20]  }
0x198: {  	v4 =	vld [tilespmem:s9+$0x2C60]  }
0x199: {  	v0 =	vld [tilespmem:s9+$0x2C30]  }
0x19a: {  	v3 =	vld [tilespmem:s9+$0x2C70]  }
0x19b: {  	v12 =	vld [tilespmem:s9+$0x400]  }
0x19c: {  	v13 =	vld [tilespmem:s9+$0x440]  }
0x19d: {  	v10 =	vld [tilespmem:s9+$0x410]  }
0x19e: {  	v9 =	vld [tilespmem:s9+$0x450]  }
0x19f: {  	v8 =	vld [tilespmem:s9+$0x420]  }
0x1a0: {  	v7 =	vld [tilespmem:s9+$0x460];
	v12 =	vadd.f32 v11, v12  }
0x1a1: {  	s3 =	simm.s32 $0x200;
	v11 =	vadd.f32 v6, v13;
	v6 =	vld [tilespmem:s9+$0x430]  }
.LBB2_12:
0x1a2: {  	s10 =	sshra.s32 s3, $0x2;
	p0 =	sne.s32 s3, $0x4E00;
	v12 =	vmax.f32 v12, $0.0e+00;
	v5 =	vadd.f32 v5, v10;
	v10 =	vld [tilespmem:s9+$0x470]  }
0x1a3: {  	v13 =	vld [tilespmem:s10+$0x2C00];
	[tilespmem:s9+$0x400] =	vst v12;
	v11 =	vmax.f32 v11, $0.0e+00;
	v9 =	vadd.f32 v2, v9  }
0x1a4: {  	v12 =	vld [tilespmem:s10+$0x2C40];
	[tilespmem:s9+$0x440] =	vst v11;
	v5 =	vmax.f32 v5, $0.0e+00;
	v4 =	vadd.f32 v4, v8  }
0x1a5: {  	v2 =	vld [tilespmem:s10+$0x2C10];
	[tilespmem:s9+$0x410] =	vst v5;
	v8 =	vmax.f32 v9, $0.0e+00;
	v7 =	vadd.f32 v1, v7  }
0x1a6: {  	v5 =	vld [tilespmem:s10+$0x2C50];
	[tilespmem:s9+$0x450] =	vst v8;
	v4 =	vmax.f32 v4, $0.0e+00;
	v3 =	vadd.f32 v3, v6  }
0x1a7: {  	v1 =	vld [tilespmem:s10+$0x2C20];
	[tilespmem:s9+$0x420] =	vst v4;
	v6 =	vmax.f32 v7, $0.0e+00;
	v7 =	vadd.f32 v0, v10  }
0x1a8: {  	v4 =	vld [tilespmem:s10+$0x2C60];
	[tilespmem:s9+$0x460] =	vst v6;
	v3 =	vmax.f32 v3, $0.0e+00  }
0x1a9: {  	v0 =	vld [tilespmem:s10+$0x2C30];
	[tilespmem:s9+$0x430] =	vst v3;
	v6 =	vmax.f32 v7, $0.0e+00  }
0x1aa: {  	v3 =	vld [tilespmem:s10+$0x2C70];
	[tilespmem:s9+$0x470] =	vst v6;
	s9 =	smov.u32 s10  }
0x1ab: {  	v6 =	vld [tilespmem:s9+$0x400]  }
0x1ac: {  	v11 =	vld [tilespmem:s9+$0x440]  }
.Ltmp5:
0x1ad: {  	v10 =	vld [tilespmem:s9+$0x410];
	(pc) =	sbr.rel @p0 .LBB2_12-.Ltmp5, $4  }
0x1ae: {  	v9 =	vld [tilespmem:s9+$0x450]  }
0x1af: {  	v8 =	vld [tilespmem:s9+$0x420]  }
0x1b0: {  	v12 =	vadd.f32 v12, v6;
	v7 =	vld [tilespmem:s9+$0x460]  }
0x1b1: {  	s3 =	sadd.s32 $0x200, s3;
	v11 =	vadd.f32 v13, v11;
	v6 =	vld [tilespmem:s9+$0x430]  }
0x1b2: {  	v12 =	vmax.f32 v12, $0.0e+00;
	v5 =	vadd.f32 v5, v10;
	v10 =	vld [tilespmem:s9+$0x470]  }
0x1b3: {  	[tilespmem:s9+$0x400] =	vst v12;
	v11 =	vmax.f32 v11, $0.0e+00;
	v2 =	vadd.f32 v2, v9  }
0x1b4: {  	[tilespmem:s9+$0x440] =	vst v11;
	v5 =	vmax.f32 v5, $0.0e+00;
	v4 =	vadd.f32 v4, v8  }
0x1b5: {  	[tilespmem:s9+$0x410] =	vst v5;
	v2 =	vmax.f32 v2, $0.0e+00;
	v1 =	vadd.f32 v1, v7  }
0x1b6: {  	[tilespmem:s9+$0x450] =	vst v2;
	v2 =	vmax.f32 v4, $0.0e+00;
	v3 =	vadd.f32 v3, v6  }
0x1b7: {  	[tilespmem:s9+$0x420] =	vst v2;
	v1 =	vmax.f32 v1, $0.0e+00;
	v0 =	vadd.f32 v0, v10  }
0x1b8: {  	[tilespmem:s9+$0x460] =	vst v1;
	v1 =	vmax.f32 v3, $0.0e+00  }
0x1b9: {  	[tilespmem:s9+$0x430] =	vst v1;
	v0 =	vmax.f32 v0, $0.0e+00  }
0x1ba: {  	s3 =	simm.s32 $0x0;
	s15 =	rddreg [dreg:$0x12];
	s10 =	simm.s32 $0x400;
	[tilespmem:s9+$0x470] =	vst v0  }
0x1bb: {  	[hbm4b:s15+s3] =	stream.linear.scatter [tilespmem:s10], [sflag:$0x3], $0x1400, $0x38;
	[tilespmem:$0x11C00] =	vst v63  }
0x1bc: {  	s16 =	simm.s32 $0x200;
	s25 =	simm.s32 $0x5400  }
0x1bd: {  	[spmem:s1] =	stream.indirect.scatter.add.f32 [tilespmem:s25], [sflag:$0x9], $0x40, s16, s19, $0xb8;
	[tilespmem:$0x11C00] =	vst v63  }
0x1be: {  	_ =	swait.ge [sflag:s0], $0xA00  }
0x1bf: {  	[sflag:s0] =	ssyncset.done $0x0  }
0x1c0: {  	[sflag:s0] =	ssyncadd.s32 $0xFFFFF600  }
0x1c1: {  	_ =	swait.ge [sflag:s11], $0x1400  }
0x1c2: {  	[sflag:s11] =	ssyncset.done $0x0  }
0x1c3: {  	[sflag:s11] =	ssyncadd.s32 $0xFFFFEC00  }
0x1c4: {  	_ =	swait.ge [sflag:s30], $0x1400  }
0x1c5: {  	[sflag:s30] =	ssyncset.done $0x0  }
0x1c6: {  	[sflag:s30] =	ssyncadd.s32 $0xFFFFEC00  }
0x1c7: {  	_ =	swait.ge [sflag:s30], $0x1400  }
0x1c8: {  	[sflag:s30] =	ssyncset.done $0x0  }
0x1c9: {  	[sflag:s30] =	ssyncadd.s32 $0xFFFFEC00  }
0x1ca: {  	_ =	swait.ge [sflag:s30], $0x1400  }
0x1cb: {  	[sflag:s30] =	ssyncset.done $0x0  }
0x1cc: {  	s9 =	simm.s32 $0x0;
	[sflag:s30] =	ssyncadd.s32 $0xFFFFEC00  }
0x1cd: {  	v6 =	vld [tilespmem:s9+$0x4000]  }
0x1ce: {  	v11 =	vld [tilespmem:s9+$0x4040]  }
0x1cf: {  	v2 =	vld [tilespmem:s9+$0x4010]  }
0x1d0: {  	v5 =	vld [tilespmem:s9+$0x4050]  }
0x1d1: {  	v1 =	vld [tilespmem:s9+$0x4020]  }
0x1d2: {  	v4 =	vld [tilespmem:s9+$0x4060]  }
0x1d3: {  	v0 =	vld [tilespmem:s9+$0x4030]  }
0x1d4: {  	v3 =	vld [tilespmem:s9+$0x4070]  }
0x1d5: {  	v12 =	vld [tilespmem:s9+$0x1800]  }
0x1d6: {  	v13 =	vld [tilespmem:s9+$0x1840]  }
0x1d7: {  	v10 =	vld [tilespmem:s9+$0x1810]  }
0x1d8: {  	v9 =	vld [tilespmem:s9+$0x1850]  }
0x1d9: {  	v8 =	vld [tilespmem:s9+$0x1820]  }
0x1da: {  	v7 =	vld [tilespmem:s9+$0x1860];
	v12 =	vadd.f32 v11, v12  }
0x1db: {  	s3 =	simm.s32 $0x200;
	s15 =	simm.s32 $0x1800;
	s16 =	rddreg [dreg:$0x6];
	v11 =	vadd.f32 v6, v13;
	v6 =	vld [tilespmem:s9+$0x1830]  }
.LBB2_14:
0x1dc: {  	s10 =	sshra.s32 s3, $0x2;
	p0 =	sne.s32 s3, $0x4E00;
	v12 =	vmax.f32 v12, $0.0e+00;
	v5 =	vadd.f32 v5, v10;
	v10 =	vld [tilespmem:s9+$0x1870]  }
0x1dd: {  	v13 =	vld [tilespmem:s10+$0x4000];
	[tilespmem:s9+$0x1800] =	vst v12;
	v11 =	vmax.f32 v11, $0.0e+00;
	v9 =	vadd.f32 v2, v9  }
0x1de: {  	v12 =	vld [tilespmem:s10+$0x4040];
	[tilespmem:s9+$0x1840] =	vst v11;
	v5 =	vmax.f32 v5, $0.0e+00;
	v4 =	vadd.f32 v4, v8  }
0x1df: {  	v2 =	vld [tilespmem:s10+$0x4010];
	[tilespmem:s9+$0x1810] =	vst v5;
	v8 =	vmax.f32 v9, $0.0e+00;
	v7 =	vadd.f32 v1, v7  }
0x1e0: {  	v5 =	vld [tilespmem:s10+$0x4050];
	[tilespmem:s9+$0x1850] =	vst v8;
	v4 =	vmax.f32 v4, $0.0e+00;
	v3 =	vadd.f32 v3, v6  }
0x1e1: {  	v1 =	vld [tilespmem:s10+$0x4020];
	[tilespmem:s9+$0x1820] =	vst v4;
	v6 =	vmax.f32 v7, $0.0e+00;
	v7 =	vadd.f32 v0, v10  }
0x1e2: {  	v4 =	vld [tilespmem:s10+$0x4060];
	[tilespmem:s9+$0x1860] =	vst v6;
	v3 =	vmax.f32 v3, $0.0e+00  }
0x1e3: {  	v0 =	vld [tilespmem:s10+$0x4030];
	[tilespmem:s9+$0x1830] =	vst v3;
	v6 =	vmax.f32 v7, $0.0e+00  }
0x1e4: {  	v3 =	vld [tilespmem:s10+$0x4070];
	[tilespmem:s9+$0x1870] =	vst v6;
	s9 =	smov.u32 s10  }
0x1e5: {  	v6 =	vld [tilespmem:s9+$0x1800]  }
0x1e6: {  	v11 =	vld [tilespmem:s9+$0x1840]  }
.Ltmp6:
0x1e7: {  	v10 =	vld [tilespmem:s9+$0x1810];
	(pc) =	sbr.rel @p0 .LBB2_14-.Ltmp6, $4  }
0x1e8: {  	v9 =	vld [tilespmem:s9+$0x1850]  }
0x1e9: {  	v8 =	vld [tilespmem:s9+$0x1820]  }
0x1ea: {  	v12 =	vadd.f32 v12, v6;
	v7 =	vld [tilespmem:s9+$0x1860]  }
0x1eb: {  	s3 =	sadd.s32 $0x200, s3;
	v11 =	vadd.f32 v13, v11;
	v6 =	vld [tilespmem:s9+$0x1830]  }
0x1ec: {  	v12 =	vmax.f32 v12, $0.0e+00;
	v5 =	vadd.f32 v5, v10;
	v61 =	vld [tilespmem:s9+$0x1870]  }
0x1ed: {  	[tilespmem:s9+$0x1800] =	vst v12;
	v11 =	vmax.f32 v11, $0.0e+00;
	v2 =	vadd.f32 v2, v9  }
0x1ee: {  	[tilespmem:s9+$0x1840] =	vst v11;
	v5 =	vmax.f32 v5, $0.0e+00;
	v4 =	vadd.f32 v4, v8  }
0x1ef: {  	[tilespmem:s9+$0x1810] =	vst v5;
	v2 =	vmax.f32 v2, $0.0e+00;
	v1 =	vadd.f32 v1, v7  }
0x1f0: {  	[tilespmem:s9+$0x1850] =	vst v2;
	v62 =	vmax.f32 v4, $0.0e+00;
	v3 =	vadd.f32 v3, v6  }
0x1f1: {  	[tilespmem:s9+$0x1820] =	vst v62;
	v1 =	vmax.f32 v1, $0.0e+00;
	v0 =	vadd.f32 v0, v61  }
0x1f2: {  	[tilespmem:s9+$0x1860] =	vst v1;
	v63 =	vmax.f32 v3, $0.0e+00  }
0x1f3: {  	[tilespmem:s9+$0x1830] =	vst v63;
	v0 =	vmax.f32 v0, $0.0e+00  }
0x1f4: {  	s3 =	rddreg [dreg:$0x13];
	[tilespmem:s9+$0x1870] =	vst v0  }
0x1f5: {  	[hbm4b:s3+s2] =	stream.linear.scatter [tilespmem:s15], [sflag:$0x4], $0x1400, $0x38;
	[tilespmem:$0x11C00] =	vst v63  }
0x1f6: {  	_ = 	snop  }
0x1f7: {  	[spmem:s1] =	stream.indirect.scatter.add.f32 [tilespmem:s26], [sflag:$0x9], $0x40, s14, s19, $0xb8;
	[tilespmem:$0x11C00] =	vst v63  }
0x1f8: {  	_ =	swait.ge [sflag:s0], $0xA00  }
0x1f9: {  	[sflag:s0] =	ssyncset.done $0x0  }
0x1fa: {  	[sflag:s0] =	ssyncadd.s32 $0xFFFFF600  }
0x1fb: {  	_ =	swait.ge [sflag:s31], $0x1400  }
0x1fc: {  	[sflag:s31] =	ssyncset.done $0x0  }
0x1fd: {  	[sflag:s31] =	ssyncadd.s32 $0xFFFFEC00  }
0x1fe: {  	_ =	swait.ge [sflag:s29], $0x80  }
0x1ff: {  	[sflag:s29] =	ssyncset.done $0x0  }
0x200: {  	[sflag:s29] =	ssyncadd.s32 $0xFFFFFF80  }
0x201: {  	_ =	swait.ge [sflag:s29], $0x80  }
0x202: {  	[sflag:s29] =	ssyncset.done $0x0  }
0x203: {  	[sflag:s29] =	ssyncadd.s32 $0xFFFFFF80  }
0x204: {  	_ =	swait.ge [sflag:s13], $0x80  }
0x205: {  	[sflag:s13] =	ssyncset.done $0x0  }
0x206: {  	[sflag:s13] =	ssyncadd.s32 $0xFFFFFF80  }
0x207: {  	_ =	swait.ge [sflag:s13], $0x80  }
0x208: {  	[sflag:s13] =	ssyncset.done $0x0  }
0x209: {  	[sflag:s13] =	ssyncadd.s32 $0xFFFFFF80  }
0x20a: {  	[bflag:$0x0] =	sbarrier.arrive $0xFFFF  }
0x20b: {  	s10 =	rddreg [dreg:$0xe]  }
0x20c: {  	s25 =	rddreg [dreg:$0x19]  }
0x20d: {  	[hbm:s10], [sflag:s16] =	dma.local [spmem:s25], $0x2800  }
0x20e: {  	_ =	swait.ge [sflag:s0], $0x2800  }
0x20f: {  	s10 =	rddreg [dreg:$0x18]  }
0x210: {  	s25 =	rddreg [dreg:$0x14];
	s9 =	sadd.s32 $0x1, s10  }
0x211: {  	p0 =	sne.s32 s9, s25  }
.Ltmp7:
0x212: {  	_ = 	snop;
	(pc) =	sbr.rel @p0 .LBB2_1-.Ltmp7, $3  }
0x213: {  	_ =	sdelay $0x1  }
0x214: {  	[sflag:s0] =	ssyncset.done $0x0  }
0x215: {  	[sflag:s0] =	ssyncadd.s32 $0xFFFFD800  }
0x216: {  	_ =	sfence.sel $0x180000  }
0x217: {  	[bflag:$0x0] =	sbarrier.arrive $0xFFFF  }
0x218: {  	_ =	strace $0x90000047  }
0x219: {  	s0 =	stileid.u32;
	[bflag:$0x2] =	sbarrier.arrive $0xFFFF  }
0x21a: {  	p0 =	sne.s32 s0, $0x0;
	s0 =	rddreg [dreg:$0x3]  }
0x21b: {  	s0 =	sadd.s32 @!p0 $0x100000, s0  }
0x21c: {  	[sflag:s0] =	ssyncadd.tile.s32 @!p0 $0x1;
	_ =	shalt  }
.Lfunc_end2:
_tile_overlayer_lowered:
.L_overlay_start_2:
0x21d: {  	(tag) =	ssettag $0x2  }
0x21e: {  	s0 =	rddreg [dreg:$0x0];
	s2 =	stileid.u32  }
0x21f: {  	s1 =	rddreg [dreg:$0x1];
	p0 =	sne.s32 s2, $0x0  }
0x220: {  	s3 =	rddreg [dreg:$0x2];
	[bflag:$0x3] =	sbarrier.arrive $0xFFFF;
	s2 =	simm.s32 @!p0 $0x1C09  }
0x221: {  	[timem:s3], [sflag:s2] =	dma.local @!p0 [hbm:s0], s1  }
0x222: {  	s0 =	simm.s32 @!p0 $0x9  }
0x223: {  	_ =	swait.ge @!p0 [sflag:s0], s1  }
0x224: {  	s1 =	ssub.s32 @!p0 $0x0, s1;
	[sflag:s0] =	ssyncset.done @!p0 $0x0  }
0x225: {  	[sflag:s0] =	ssyncadd.s32 @!p0 s1  }
0x226: {  	[bflag:$0x3] =	sbarrier.arrive $0xFFFF  }
0x227: {  	_ =	shalt  }

</sc_bundles>
